<compile_context>
chip_gen: v7x
topology: tpu7x:2x2x1
jax: 0.10.2.dev20260603
libtpu: 0.0.44.dev20260713+nightly
codegen_flags: <defaults>
</compile_context>

<pallas_src>
import functools

import jax
import jax.numpy as jnp
from jax import lax
from jax.experimental import pallas as pl
from jax.experimental.pallas import tpu as pltpu

N = 10000
IN = 256
OUT = 256
H = 4
HALF = OUT // 2

_NB = 10
_BR = N // _NB


def _dense_body(x_ref, w_ref, asrc_ref, adst_ref, xp_ref, a8_ref):
    xb = x_ref[...]
    xp = jnp.dot(xb, w_ref[...], preferred_element_type=jnp.float32)
    lo = [xp[:, h * OUT : h * OUT + HALF] for h in range(H)]
    hi = [xp[:, h * OUT + HALF : (h + 1) * OUT] for h in range(H)]
    xp_ref[0] = jnp.concatenate(lo, axis=1)
    xp_ref[1] = jnp.concatenate(hi, axis=1)
    for h in range(H):
        blk = xp[:, h * OUT : (h + 1) * OUT]
        a8_ref[:, h : h + 1] = jnp.sum(
            blk * asrc_ref[h, :][None, :], axis=1, keepdims=True
        )
        a8_ref[:, H + h : H + h + 1] = jnp.sum(
            blk * adst_ref[h, :][None, :], axis=1, keepdims=True
        )


def _dense_phase(x, W, att_src, att_dst):
    return pl.pallas_call(
        _dense_body,
        grid=(_NB,),
        in_specs=[
            pl.BlockSpec((_BR, IN), lambda i: (i, 0)),
            pl.BlockSpec((IN, H * OUT), lambda i: (0, 0)),
            pl.BlockSpec((H, OUT), lambda i: (0, 0)),
            pl.BlockSpec((H, OUT), lambda i: (0, 0)),
        ],
        out_specs=[
            pl.BlockSpec((2, _BR, H * HALF), lambda i: (0, i, 0)),
            pl.BlockSpec((_BR, 2 * H), lambda i: (i, 0)),
        ],
        out_shape=[
            jax.ShapeDtypeStruct((2, N, H * HALF), jnp.float32),
            jax.ShapeDtypeStruct((N, 2 * H), jnp.float32),
        ],
    )(x, W, att_src, att_dst)


def _combine_body(acc_ref, x_ref, bias_ref, g1w_ref, g1b_ref, g2w_ref, g2b_ref, o_ref):
    xb = x_ref[...]
    s1 = jax.nn.sigmoid(
        jnp.dot(xb, g1w_ref[...], preferred_element_type=jnp.float32)
        + g1b_ref[...][None, :]
    )
    gate = jax.nn.sigmoid(
        jnp.dot(s1, g2w_ref[...], preferred_element_type=jnp.float32)
        + g2b_ref[...][None, :]
    )
    attn = jnp.concatenate([acc_ref[0], acc_ref[1]], axis=1) + bias_ref[...][None, :]
    o_ref[...] = attn * gate + xb


def _combine_phase(acc, x, bias, g1_w, g1_b, g2_w, g2_b):
    return pl.pallas_call(
        _combine_body,
        grid=(_NB,),
        in_specs=[
            pl.BlockSpec((2, _BR, HALF), lambda i: (0, i, 0)),
            pl.BlockSpec((_BR, IN), lambda i: (i, 0)),
            pl.BlockSpec((OUT,), lambda i: (0,)),
            pl.BlockSpec((IN, 8), lambda i: (0, 0)),
            pl.BlockSpec((8,), lambda i: (0,)),
            pl.BlockSpec((8, OUT), lambda i: (0, 0)),
            pl.BlockSpec((OUT,), lambda i: (0,)),
        ],
        out_specs=pl.BlockSpec((_BR, OUT), lambda i: (i, 0)),
        out_shape=jax.ShapeDtypeStruct((N, OUT), jnp.float32),
    )(acc, x, bias, g1_w, g1_b, g2_w, g2_b)


def kernel(x, edge_index, W, att_src, att_dst, bias, g1_w, g1_b, g2_w, g2_b):
    loops = jnp.arange(N, dtype=edge_index.dtype)
    ei = jnp.concatenate([edge_index, jnp.stack([loops, loops], axis=0)], axis=1)
    src, dst = ei[0], ei[1]

    xp_hc, a8 = _dense_phase(x, W, att_src, att_dst)

    alpha = a8[src, :H] + a8[dst, H:]
    alpha = jnp.where(alpha > 0, alpha, 0.2 * alpha)
    ex = jnp.exp(alpha)
    denom = jax.ops.segment_sum(ex, dst, num_segments=N)
    w = ex / (denom[dst] + 1e-16) * 0.25
    xph = xp_hc.reshape(2, N, H, HALF)
    acc0 = jax.ops.segment_sum(
        jnp.sum(xph[0][src] * w[:, :, None], axis=1), dst, num_segments=N
    )
    acc1 = jax.ops.segment_sum(
        jnp.sum(xph[1][src] * w[:, :, None], axis=1), dst, num_segments=N
    )
    acc = jnp.stack([acc0, acc1], axis=0)

    return _combine_phase(acc, x, bias, g1_w, g1_b, g2_w, g2_b)

# --- scband reference (transcript-rebuilt; emitter-appended) ---
"""Pipeline reference for scband-fuzzy-attention-layer-90941637525592 (READ-ONLY COPY).

The authoritative reference and input builder live on the scoring server;
editing this copy changes nothing except your own understanding.
"""

import jax, jax.numpy as jnp
import numpy as np

N = 10000
E = 160000
IN = 256
OUT = 256
H = 4
RULES = 8


def setup_inputs(seed: int = 0) -> dict:
    key = jax.random.key(seed)
    ks = jax.random.split(key, 12)
    x = jax.random.normal(ks[0], (N, IN), dtype=jnp.float32)
    edge_index = jax.random.randint(ks[1], (2, E), 0, N, dtype=jnp.int32)
    W = jax.random.normal(ks[2], (IN, H * OUT), dtype=jnp.float32) * 0.05
    att_src = jax.random.normal(ks[3], (H, OUT), dtype=jnp.float32) * 0.05
    att_dst = jax.random.normal(ks[4], (H, OUT), dtype=jnp.float32) * 0.05
    bias = jnp.zeros((OUT,), dtype=jnp.float32)
    g1_w = jax.random.normal(ks[5], (IN, RULES), dtype=jnp.float32) * 0.05
    g1_b = jnp.zeros((RULES,), dtype=jnp.float32)
    g2_w = jax.random.normal(ks[6], (RULES, OUT), dtype=jnp.float32) * 0.05
    g2_b = jnp.zeros((OUT,), dtype=jnp.float32)
    return {"x": x, "edge_index": edge_index, "W": W, "att_src": att_src,
            "att_dst": att_dst, "bias": bias, "g1_w": g1_w, "g1_b": g1_b,
            "g2_w": g2_w, "g2_b": g2_b}


def reference(x, edge_index, W, att_src, att_dst, bias, g1_w, g1_b, g2_w, g2_b):
    n = x.shape[0]
    h, out_c = att_src.shape
    # GATConv (heads=4, concat=False). add_self_loops=True default; dropout off (eval).
    loops = jnp.arange(n, dtype=edge_index.dtype)
    ei = jnp.concatenate([edge_index, jnp.stack([loops, loops], axis=0)], axis=1)
    src, dst = ei[0], ei[1]
    xp = (x @ W).reshape(n, h, out_c)  # [N,H,C]
    a_src = jnp.sum(xp * att_src[None, :, :], axis=-1)  # [N,H]
    a_dst = jnp.sum(xp * att_dst[None, :, :], axis=-1)  # [N,H]
    alpha = a_src[src] + a_dst[dst]  # [E',H]
    alpha = jax.nn.leaky_relu(alpha, negative_slope=0.2)
    amax = jax.ops.segment_max(alpha, dst, num_segments=n)
    amax = jnp.where(jnp.isfinite(amax), amax, 0.0)
    ex = jnp.exp(alpha - amax[dst])
    denom = jax.ops.segment_sum(ex, dst, num_segments=n)
    w_attn = ex / (denom[dst] + 1e-16)  # [E',H]
    msg = xp[src] * w_attn[:, :, None]  # [E',H,C]
    agg = jax.ops.segment_sum(msg, dst, num_segments=n)  # [N,H,C]
    attn_out = agg.mean(axis=1) + bias  # concat=False -> mean over heads
    # fuzzy gate: Linear -> Sigmoid -> Linear -> Sigmoid
    gate = jax.nn.sigmoid(jax.nn.sigmoid(x @ g1_w + g1_b) @ g2_w + g2_b)
    # in_channels == out_channels -> residual branch
    return attn_out * gate + x[:, :attn_out.shape[1]]

if __name__ == "__main__":
    import jax
    _d = setup_inputs()
    print(jax.jit(kernel)(*tuple(_d.values())))

</pallas_src>

<mosaic_0001>
module attributes {stable_mosaic.version = 14 : i64} {
  func.func @_dense_body(%arg0: i32, %arg1: memref<1000x256xf32, #tpu.memory_space<vmem>>, %arg2: memref<256x1024xf32, #tpu.memory_space<vmem>>, %arg3: memref<4x256xf32, #tpu.memory_space<vmem>>, %arg4: memref<4x256xf32, #tpu.memory_space<vmem>>, %arg5: memref<2x1000x512xf32, #tpu.memory_space<vmem>>, %arg6: memref<1000x8xf32, #tpu.memory_space<vmem>>) attributes {dimension_semantics = [#tpu.dimension_semantics<arbitrary>], iteration_bounds = array<i64: 10>, scalar_prefetch = 0 : i64, scratch_operands = 0 : i64, tpu.core_type = #tpu.core_type<tc>, window_params = [{transform_indices = @transform_0, window_bounds = array<i64: 1000, 256>}, {pipeline_mode = #tpu.pipeline_mode<synchronous>, transform_indices = @transform_1, window_bounds = array<i64: 256, 1024>}, {pipeline_mode = #tpu.pipeline_mode<synchronous>, transform_indices = @transform_2, window_bounds = array<i64: 4, 256>}, {pipeline_mode = #tpu.pipeline_mode<synchronous>, transform_indices = @transform_3, window_bounds = array<i64: 4, 256>}, {transform_indices = @transform_4, window_bounds = array<i64: 2, 1000, 512>}, {transform_indices = @transform_5, window_bounds = array<i64: 1000, 8>}]} {
    %get3A = arith.constant 0 : index
    %get3A_0 = arith.constant 0 : index
    %get3A_1 = vector.load %arg1[%get3A, %get3A_0] : memref<1000x256xf32, #tpu.memory_space<vmem>>, vector<1000x256xf32>
    %get3A_2 = arith.constant 0 : index
    %get3A_3 = arith.constant 0 : index
    %get3A_4 = vector.load %arg2[%get3A_2, %get3A_3] : memref<256x1024xf32, #tpu.memory_space<vmem>>, vector<256x1024xf32>
    %dot_general3A = arith.constant dense<0.000000e+00> : vector<1000x1024xf32>
    %dot_general3A_5 = tpu.matmul %get3A_1, %get3A_4, %dot_general3A {dimension_numbers = #tpu.dot_dimension_numbers<[1], [0], [0], [1], [0, 0, 1, 1], [], []>, transpose_lhs_hint = false} : vector<1000x256xf32>, vector<256x1024xf32>, vector<1000x1024xf32> -> vector<1000x1024xf32>
    %slice3A = vector.extract_strided_slice %dot_general3A_5 {offsets = [0, 0], sizes = [1000, 128], strides = [1, 1]} : vector<1000x1024xf32> to vector<1000x128xf32>
    %slice3A_6 = vector.extract_strided_slice %dot_general3A_5 {offsets = [0, 256], sizes = [1000, 128], strides = [1, 1]} : vector<1000x1024xf32> to vector<1000x128xf32>
    %slice3A_7 = vector.extract_strided_slice %dot_general3A_5 {offsets = [0, 512], sizes = [1000, 128], strides = [1, 1]} : vector<1000x1024xf32> to vector<1000x128xf32>
    %slice3A_8 = vector.extract_strided_slice %dot_general3A_5 {offsets = [0, 768], sizes = [1000, 128], strides = [1, 1]} : vector<1000x1024xf32> to vector<1000x128xf32>
    %slice3A_9 = vector.extract_strided_slice %dot_general3A_5 {offsets = [0, 128], sizes = [1000, 128], strides = [1, 1]} : vector<1000x1024xf32> to vector<1000x128xf32>
    %slice3A_10 = vector.extract_strided_slice %dot_general3A_5 {offsets = [0, 384], sizes = [1000, 128], strides = [1, 1]} : vector<1000x1024xf32> to vector<1000x128xf32>
    %slice3A_11 = vector.extract_strided_slice %dot_general3A_5 {offsets = [0, 640], sizes = [1000, 128], strides = [1, 1]} : vector<1000x1024xf32> to vector<1000x128xf32>
    %slice3A_12 = vector.extract_strided_slice %dot_general3A_5 {offsets = [0, 896], sizes = [1000, 128], strides = [1, 1]} : vector<1000x1024xf32> to vector<1000x128xf32>
    %concatenate3A = tpu.concatenate %slice3A, %slice3A_6, %slice3A_7, %slice3A_8 in 1 : vector<1000x128xf32>, vector<1000x128xf32>, vector<1000x128xf32>, vector<1000x128xf32> -> vector<1000x512xf32>
    %swap3A = arith.constant 0 : index
    %swap3A_13 = arith.constant 0 : index
    %swap3A_14 = arith.constant 0 : index
    %swap3A_15 = vector.load %arg5[%swap3A, %swap3A_13, %swap3A_14] : memref<2x1000x512xf32, #tpu.memory_space<vmem>>, vector<1x1000x512xf32>
    %swap3A_16 = vector.shape_cast %swap3A_15 : vector<1x1000x512xf32> to vector<1000x512xf32>
    %swap3A_17 = vector.shape_cast %concatenate3A : vector<1000x512xf32> to vector<1x1000x512xf32>
    tpu.vector_store %arg5[%swap3A, %swap3A_13, %swap3A_14], %swap3A_17 {strides = array<i32>} : memref<2x1000x512xf32, #tpu.memory_space<vmem>>, vector<1x1000x512xf32>,
    %concatenate3A_18 = tpu.concatenate %slice3A_9, %slice3A_10, %slice3A_11, %slice3A_12 in 1 : vector<1000x128xf32>, vector<1000x128xf32>, vector<1000x128xf32>, vector<1000x128xf32> -> vector<1000x512xf32>
    %swap3A_19 = arith.constant 1 : index
    %swap3A_20 = arith.constant 0 : index
    %swap3A_21 = arith.constant 0 : index
    %swap3A_22 = vector.load %arg5[%swap3A_19, %swap3A_20, %swap3A_21] : memref<2x1000x512xf32, #tpu.memory_space<vmem>>, vector<1x1000x512xf32>
    %swap3A_23 = vector.shape_cast %swap3A_22 : vector<1x1000x512xf32> to vector<1000x512xf32>
    %swap3A_24 = vector.shape_cast %concatenate3A_18 : vector<1000x512xf32> to vector<1x1000x512xf32>
    tpu.vector_store %arg5[%swap3A_19, %swap3A_20, %swap3A_21], %swap3A_24 {strides = array<i32>} : memref<2x1000x512xf32, #tpu.memory_space<vmem>>, vector<1x1000x512xf32>,
    %slice3A_25 = vector.extract_strided_slice %dot_general3A_5 {offsets = [0, 0], sizes = [1000, 256], strides = [1, 1]} : vector<1000x1024xf32> to vector<1000x256xf32>
    %get3A_26 = arith.constant 0 : index
    %get3A_27 = arith.constant 0 : index
    %get3A_28 = vector.load %arg3[%get3A_26, %get3A_27] : memref<4x256xf32, #tpu.memory_space<vmem>>, vector<1x256xf32>
    %get3A_29 = vector.shape_cast %get3A_28 : vector<1x256xf32> to vector<256xf32>
    %broadcast_in_dim3A = vector.shape_cast %get3A_29 : vector<256xf32> to vector<1x256xf32>
    %mul3A = vector.broadcast %broadcast_in_dim3A : vector<1x256xf32> to vector<1000x256xf32>
    %mul3A_30 = arith.mulf %slice3A_25, %mul3A : vector<1000x256xf32>
    %reduce_sum3A = arith.constant dense<0.000000e+00> : vector<1000xf32>
    %reduce_sum3A_31 = vector.multi_reduction <add>, %mul3A_30, %reduce_sum3A [1] : vector<1000x256xf32> to vector<1000xf32>
    %broadcast_in_dim3A_32 = vector.shape_cast %reduce_sum3A_31 : vector<1000xf32> to vector<1000x1xf32>
    %swap3A_33 = arith.constant 0 : index
    %swap3A_34 = arith.constant 0 : index
    %swap3A_35 = vector.load %arg6[%swap3A_33, %swap3A_34] : memref<1000x8xf32, #tpu.memory_space<vmem>>, vector<1000x1xf32>
    tpu.vector_store %arg6[%swap3A_33, %swap3A_34], %broadcast_in_dim3A_32 {strides = array<i32>} : memref<1000x8xf32, #tpu.memory_space<vmem>>, vector<1000x1xf32>,
    %get3A_36 = arith.constant 0 : index
    %get3A_37 = arith.constant 0 : index
    %get3A_38 = vector.load %arg4[%get3A_36, %get3A_37] : memref<4x256xf32, #tpu.memory_space<vmem>>, vector<1x256xf32>
    %get3A_39 = vector.shape_cast %get3A_38 : vector<1x256xf32> to vector<256xf32>
    %broadcast_in_dim3A_40 = vector.shape_cast %get3A_39 : vector<256xf32> to vector<1x256xf32>
    %mul3A_41 = vector.broadcast %broadcast_in_dim3A_40 : vector<1x256xf32> to vector<1000x256xf32>
    %mul3A_42 = arith.mulf %slice3A_25, %mul3A_41 : vector<1000x256xf32>
    %reduce_sum3A_43 = arith.constant dense<0.000000e+00> : vector<1000xf32>
    %reduce_sum3A_44 = vector.multi_reduction <add>, %mul3A_42, %reduce_sum3A_43 [1] : vector<1000x256xf32> to vector<1000xf32>
    %broadcast_in_dim3A_45 = vector.shape_cast %reduce_sum3A_44 : vector<1000xf32> to vector<1000x1xf32>
    %swap3A_46 = arith.constant 0 : index
    %swap3A_47 = arith.constant 4 : index
    %swap3A_48 = vector.load %arg6[%swap3A_46, %swap3A_47] : memref<1000x8xf32, #tpu.memory_space<vmem>>, vector<1000x1xf32>
    tpu.vector_store %arg6[%swap3A_46, %swap3A_47], %broadcast_in_dim3A_45 {strides = array<i32>} : memref<1000x8xf32, #tpu.memory_space<vmem>>, vector<1000x1xf32>,
    %slice3A_49 = vector.extract_strided_slice %dot_general3A_5 {offsets = [0, 256], sizes = [1000, 256], strides = [1, 1]} : vector<1000x1024xf32> to vector<1000x256xf32>
    %get3A_50 = arith.constant 1 : index
    %get3A_51 = arith.constant 0 : index
    %get3A_52 = vector.load %arg3[%get3A_50, %get3A_51] : memref<4x256xf32, #tpu.memory_space<vmem>>, vector<1x256xf32>
    %get3A_53 = vector.shape_cast %get3A_52 : vector<1x256xf32> to vector<256xf32>
    %broadcast_in_dim3A_54 = vector.shape_cast %get3A_53 : vector<256xf32> to vector<1x256xf32>
    %mul3A_55 = vector.broadcast %broadcast_in_dim3A_54 : vector<1x256xf32> to vector<1000x256xf32>
    %mul3A_56 = arith.mulf %slice3A_49, %mul3A_55 : vector<1000x256xf32>
    %reduce_sum3A_57 = arith.constant dense<0.000000e+00> : vector<1000xf32>
    %reduce_sum3A_58 = vector.multi_reduction <add>, %mul3A_56, %reduce_sum3A_57 [1] : vector<1000x256xf32> to vector<1000xf32>
    %broadcast_in_dim3A_59 = vector.shape_cast %reduce_sum3A_58 : vector<1000xf32> to vector<1000x1xf32>
    %swap3A_60 = arith.constant 0 : index
    %swap3A_61 = arith.constant 1 : index
    %swap3A_62 = vector.load %arg6[%swap3A_60, %swap3A_61] : memref<1000x8xf32, #tpu.memory_space<vmem>>, vector<1000x1xf32>
    tpu.vector_store %arg6[%swap3A_60, %swap3A_61], %broadcast_in_dim3A_59 {strides = array<i32>} : memref<1000x8xf32, #tpu.memory_space<vmem>>, vector<1000x1xf32>,
    %get3A_63 = arith.constant 1 : index
    %get3A_64 = arith.constant 0 : index
    %get3A_65 = vector.load %arg4[%get3A_63, %get3A_64] : memref<4x256xf32, #tpu.memory_space<vmem>>, vector<1x256xf32>
    %get3A_66 = vector.shape_cast %get3A_65 : vector<1x256xf32> to vector<256xf32>
    %broadcast_in_dim3A_67 = vector.shape_cast %get3A_66 : vector<256xf32> to vector<1x256xf32>
    %mul3A_68 = vector.broadcast %broadcast_in_dim3A_67 : vector<1x256xf32> to vector<1000x256xf32>
    %mul3A_69 = arith.mulf %slice3A_49, %mul3A_68 : vector<1000x256xf32>
    %reduce_sum3A_70 = arith.constant dense<0.000000e+00> : vector<1000xf32>
    %reduce_sum3A_71 = vector.multi_reduction <add>, %mul3A_69, %reduce_sum3A_70 [1] : vector<1000x256xf32> to vector<1000xf32>
    %broadcast_in_dim3A_72 = vector.shape_cast %reduce_sum3A_71 : vector<1000xf32> to vector<1000x1xf32>
    %swap3A_73 = arith.constant 0 : index
    %swap3A_74 = arith.constant 5 : index
    %swap3A_75 = vector.load %arg6[%swap3A_73, %swap3A_74] : memref<1000x8xf32, #tpu.memory_space<vmem>>, vector<1000x1xf32>
    tpu.vector_store %arg6[%swap3A_73, %swap3A_74], %broadcast_in_dim3A_72 {strides = array<i32>} : memref<1000x8xf32, #tpu.memory_space<vmem>>, vector<1000x1xf32>,
    %slice3A_76 = vector.extract_strided_slice %dot_general3A_5 {offsets = [0, 512], sizes = [1000, 256], strides = [1, 1]} : vector<1000x1024xf32> to vector<1000x256xf32>
    %get3A_77 = arith.constant 2 : index
    %get3A_78 = arith.constant 0 : index
    %get3A_79 = vector.load %arg3[%get3A_77, %get3A_78] : memref<4x256xf32, #tpu.memory_space<vmem>>, vector<1x256xf32>
    %get3A_80 = vector.shape_cast %get3A_79 : vector<1x256xf32> to vector<256xf32>
    %broadcast_in_dim3A_81 = vector.shape_cast %get3A_80 : vector<256xf32> to vector<1x256xf32>
    %mul3A_82 = vector.broadcast %broadcast_in_dim3A_81 : vector<1x256xf32> to vector<1000x256xf32>
    %mul3A_83 = arith.mulf %slice3A_76, %mul3A_82 : vector<1000x256xf32>
    %reduce_sum3A_84 = arith.constant dense<0.000000e+00> : vector<1000xf32>
    %reduce_sum3A_85 = vector.multi_reduction <add>, %mul3A_83, %reduce_sum3A_84 [1] : vector<1000x256xf32> to vector<1000xf32>
    %broadcast_in_dim3A_86 = vector.shape_cast %reduce_sum3A_85 : vector<1000xf32> to vector<1000x1xf32>
    %swap3A_87 = arith.constant 0 : index
    %swap3A_88 = arith.constant 2 : index
    %swap3A_89 = vector.load %arg6[%swap3A_87, %swap3A_88] : memref<1000x8xf32, #tpu.memory_space<vmem>>, vector<1000x1xf32>
    tpu.vector_store %arg6[%swap3A_87, %swap3A_88], %broadcast_in_dim3A_86 {strides = array<i32>} : memref<1000x8xf32, #tpu.memory_space<vmem>>, vector<1000x1xf32>,
    %get3A_90 = arith.constant 2 : index
    %get3A_91 = arith.constant 0 : index
    %get3A_92 = vector.load %arg4[%get3A_90, %get3A_91] : memref<4x256xf32, #tpu.memory_space<vmem>>, vector<1x256xf32>
    %get3A_93 = vector.shape_cast %get3A_92 : vector<1x256xf32> to vector<256xf32>
    %broadcast_in_dim3A_94 = vector.shape_cast %get3A_93 : vector<256xf32> to vector<1x256xf32>
    %mul3A_95 = vector.broadcast %broadcast_in_dim3A_94 : vector<1x256xf32> to vector<1000x256xf32>
    %mul3A_96 = arith.mulf %slice3A_76, %mul3A_95 : vector<1000x256xf32>
    %reduce_sum3A_97 = arith.constant dense<0.000000e+00> : vector<1000xf32>
    %reduce_sum3A_98 = vector.multi_reduction <add>, %mul3A_96, %reduce_sum3A_97 [1] : vector<1000x256xf32> to vector<1000xf32>
    %broadcast_in_dim3A_99 = vector.shape_cast %reduce_sum3A_98 : vector<1000xf32> to vector<1000x1xf32>
    %swap3A_100 = arith.constant 0 : index
    %swap3A_101 = arith.constant 6 : index
    %swap3A_102 = vector.load %arg6[%swap3A_100, %swap3A_101] : memref<1000x8xf32, #tpu.memory_space<vmem>>, vector<1000x1xf32>
    tpu.vector_store %arg6[%swap3A_100, %swap3A_101], %broadcast_in_dim3A_99 {strides = array<i32>} : memref<1000x8xf32, #tpu.memory_space<vmem>>, vector<1000x1xf32>,
    %slice3A_103 = vector.extract_strided_slice %dot_general3A_5 {offsets = [0, 768], sizes = [1000, 256], strides = [1, 1]} : vector<1000x1024xf32> to vector<1000x256xf32>
    %get3A_104 = arith.constant 3 : index
    %get3A_105 = arith.constant 0 : index
    %get3A_106 = vector.load %arg3[%get3A_104, %get3A_105] : memref<4x256xf32, #tpu.memory_space<vmem>>, vector<1x256xf32>
    %get3A_107 = vector.shape_cast %get3A_106 : vector<1x256xf32> to vector<256xf32>
    %broadcast_in_dim3A_108 = vector.shape_cast %get3A_107 : vector<256xf32> to vector<1x256xf32>
    %mul3A_109 = vector.broadcast %broadcast_in_dim3A_108 : vector<1x256xf32> to vector<1000x256xf32>
    %mul3A_110 = arith.mulf %slice3A_103, %mul3A_109 : vector<1000x256xf32>
    %reduce_sum3A_111 = arith.constant dense<0.000000e+00> : vector<1000xf32>
    %reduce_sum3A_112 = vector.multi_reduction <add>, %mul3A_110, %reduce_sum3A_111 [1] : vector<1000x256xf32> to vector<1000xf32>
    %broadcast_in_dim3A_113 = vector.shape_cast %reduce_sum3A_112 : vector<1000xf32> to vector<1000x1xf32>
    %swap3A_114 = arith.constant 0 : index
    %swap3A_115 = arith.constant 3 : index
    %swap3A_116 = vector.load %arg6[%swap3A_114, %swap3A_115] : memref<1000x8xf32, #tpu.memory_space<vmem>>, vector<1000x1xf32>
    tpu.vector_store %arg6[%swap3A_114, %swap3A_115], %broadcast_in_dim3A_113 {strides = array<i32>} : memref<1000x8xf32, #tpu.memory_space<vmem>>, vector<1000x1xf32>,
    %get3A_117 = arith.constant 3 : index
    %get3A_118 = arith.constant 0 : index
    %get3A_119 = vector.load %arg4[%get3A_117, %get3A_118] : memref<4x256xf32, #tpu.memory_space<vmem>>, vector<1x256xf32>
    %get3A_120 = vector.shape_cast %get3A_119 : vector<1x256xf32> to vector<256xf32>
    %broadcast_in_dim3A_121 = vector.shape_cast %get3A_120 : vector<256xf32> to vector<1x256xf32>
    %mul3A_122 = vector.broadcast %broadcast_in_dim3A_121 : vector<1x256xf32> to vector<1000x256xf32>
    %mul3A_123 = arith.mulf %slice3A_103, %mul3A_122 : vector<1000x256xf32>
    %reduce_sum3A_124 = arith.constant dense<0.000000e+00> : vector<1000xf32>
    %reduce_sum3A_125 = vector.multi_reduction <add>, %mul3A_123, %reduce_sum3A_124 [1] : vector<1000x256xf32> to vector<1000xf32>
    %broadcast_in_dim3A_126 = vector.shape_cast %reduce_sum3A_125 : vector<1000xf32> to vector<1000x1xf32>
    %swap3A_127 = arith.constant 0 : index
    %swap3A_128 = arith.constant 7 : index
    %swap3A_129 = vector.load %arg6[%swap3A_127, %swap3A_128] : memref<1000x8xf32, #tpu.memory_space<vmem>>, vector<1000x1xf32>
    tpu.vector_store %arg6[%swap3A_127, %swap3A_128], %broadcast_in_dim3A_126 {strides = array<i32>} : memref<1000x8xf32, #tpu.memory_space<vmem>>, vector<1000x1xf32>,
    return
  }
  func.func @transform_0(%arg0: i32) -> (i32, i32) {
    %c0_i32 = arith.constant 0 : i32
    %c0_i32_0 = arith.constant 0 : i32
    return %arg0, %c0_i32 : i32, i32
  }
  func.func @transform_1(%arg0: i32) -> (i32, i32) {
    %c0_i32 = arith.constant 0 : i32
    %c0_i32_0 = arith.constant 0 : i32
    %c0_i32_1 = arith.constant 0 : i32
    return %c0_i32, %c0_i32_0 : i32, i32
  }
  func.func @transform_2(%arg0: i32) -> (i32, i32) {
    %c0_i32 = arith.constant 0 : i32
    %c0_i32_0 = arith.constant 0 : i32
    %c0_i32_1 = arith.constant 0 : i32
    return %c0_i32, %c0_i32_0 : i32, i32
  }
  func.func @transform_3(%arg0: i32) -> (i32, i32) {
    %c0_i32 = arith.constant 0 : i32
    %c0_i32_0 = arith.constant 0 : i32
    %c0_i32_1 = arith.constant 0 : i32
    return %c0_i32, %c0_i32_0 : i32, i32
  }
  func.func @transform_4(%arg0: i32) -> (i32, i32, i32) {
    %c0_i32 = arith.constant 0 : i32
    %c0_i32_0 = arith.constant 0 : i32
    %c0_i32_1 = arith.constant 0 : i32
    return %c0_i32, %arg0, %c0_i32_0 : i32, i32, i32
  }
  func.func @transform_5(%arg0: i32) -> (i32, i32) {
    %c0_i32 = arith.constant 0 : i32
    %c0_i32_0 = arith.constant 0 : i32
    return %arg0, %c0_i32 : i32, i32
  }
}

module attributes {stable_mosaic.version = 14 : i64} {
  func.func @_combine_body(%arg0: i32, %arg1: memref<2x1000x128xf32, #tpu.memory_space<vmem>>, %arg2: memref<1000x256xf32, #tpu.memory_space<vmem>>, %arg3: memref<256xf32, #tpu.memory_space<vmem>>, %arg4: memref<256x8xf32, #tpu.memory_space<vmem>>, %arg5: memref<8xf32, #tpu.memory_space<vmem>>, %arg6: memref<8x256xf32, #tpu.memory_space<vmem>>, %arg7: memref<256xf32, #tpu.memory_space<vmem>>, %arg8: memref<1000x256xf32, #tpu.memory_space<vmem>>) attributes {dimension_semantics = [#tpu.dimension_semantics<arbitrary>], iteration_bounds = array<i64: 10>, scalar_prefetch = 0 : i64, scratch_operands = 0 : i64, tpu.core_type = #tpu.core_type<tc>, window_params = [{transform_indices = @transform_0, window_bounds = array<i64: 2, 1000, 128>}, {transform_indices = @transform_1, window_bounds = array<i64: 1000, 256>}, {pipeline_mode = #tpu.pipeline_mode<synchronous>, transform_indices = @transform_2, window_bounds = array<i64: 256>}, {pipeline_mode = #tpu.pipeline_mode<synchronous>, transform_indices = @transform_3, window_bounds = array<i64: 256, 8>}, {pipeline_mode = #tpu.pipeline_mode<synchronous>, transform_indices = @transform_4, window_bounds = array<i64: 8>}, {pipeline_mode = #tpu.pipeline_mode<synchronous>, transform_indices = @transform_5, window_bounds = array<i64: 8, 256>}, {pipeline_mode = #tpu.pipeline_mode<synchronous>, transform_indices = @transform_6, window_bounds = array<i64: 256>}, {transform_indices = @transform_7, window_bounds = array<i64: 1000, 256>}]} {
    %get3A = arith.constant 0 : index
    %get3A_0 = arith.constant 0 : index
    %get3A_1 = vector.load %arg2[%get3A, %get3A_0] : memref<1000x256xf32, #tpu.memory_space<vmem>>, vector<1000x256xf32>
    %get3A_2 = arith.constant 0 : index
    %get3A_3 = arith.constant 0 : index
    %get3A_4 = vector.load %arg4[%get3A_2, %get3A_3] : memref<256x8xf32, #tpu.memory_space<vmem>>, vector<256x8xf32>
    %dot_general3A = arith.constant dense<0.000000e+00> : vector<1000x8xf32>
    %dot_general3A_5 = tpu.matmul %get3A_1, %get3A_4, %dot_general3A {dimension_numbers = #tpu.dot_dimension_numbers<[1], [0], [0], [1], [0, 0, 1, 1], [], []>, transpose_lhs_hint = false} : vector<1000x256xf32>, vector<256x8xf32>, vector<1000x8xf32> -> vector<1000x8xf32>
    %get3A_6 = arith.constant 0 : index
    %get3A_7 = vector.load %arg5[%get3A_6] : memref<8xf32, #tpu.memory_space<vmem>>, vector<8xf32>
    %broadcast_in_dim3A = vector.shape_cast %get3A_7 : vector<8xf32> to vector<1x8xf32>
    %add3A = vector.broadcast %broadcast_in_dim3A : vector<1x8xf32> to vector<1000x8xf32>
    %add3A_8 = arith.addf %dot_general3A_5, %add3A : vector<1000x8xf32>
    %logistic3A = arith.negf %add3A_8 : vector<1000x8xf32>
    %logistic3A_9 = math.exp %logistic3A : vector<1000x8xf32>
    %logistic3A_10 = arith.constant 1.000000e+00 : f32
    %logistic3A_11 = vector.broadcast %logistic3A_10 : f32 to vector<1000x8xf32>
    %logistic3A_12 = arith.addf %logistic3A_11, %logistic3A_9 : vector<1000x8xf32>
    %logistic3A_13 = arith.divf %logistic3A_11, %logistic3A_12 : vector<1000x8xf32>
    %get3A_14 = arith.constant 0 : index
    %get3A_15 = arith.constant 0 : index
    %get3A_16 = vector.load %arg6[%get3A_14, %get3A_15] : memref<8x256xf32, #tpu.memory_space<vmem>>, vector<8x256xf32>
    %dot_general3A_17 = arith.constant dense<0.000000e+00> : vector<1000x256xf32>
    %dot_general3A_18 = tpu.matmul %logistic3A_13, %get3A_16, %dot_general3A_17 {dimension_numbers = #tpu.dot_dimension_numbers<[1], [0], [0], [1], [0, 0, 1, 1], [], []>, transpose_lhs_hint = false} : vector<1000x8xf32>, vector<8x256xf32>, vector<1000x256xf32> -> vector<1000x256xf32>
    %get3A_19 = arith.constant 0 : index
    %get3A_20 = vector.load %arg7[%get3A_19] : memref<256xf32, #tpu.memory_space<vmem>>, vector<256xf32>
    %broadcast_in_dim3A_21 = vector.shape_cast %get3A_20 : vector<256xf32> to vector<1x256xf32>
    %add3A_22 = vector.broadcast %broadcast_in_dim3A_21 : vector<1x256xf32> to vector<1000x256xf32>
    %add3A_23 = arith.addf %dot_general3A_18, %add3A_22 : vector<1000x256xf32>
    %logistic3A_24 = arith.negf %add3A_23 : vector<1000x256xf32>
    %logistic3A_25 = math.exp %logistic3A_24 : vector<1000x256xf32>
    %logistic3A_26 = arith.constant 1.000000e+00 : f32
    %logistic3A_27 = vector.broadcast %logistic3A_26 : f32 to vector<1000x256xf32>
    %logistic3A_28 = arith.addf %logistic3A_27, %logistic3A_25 : vector<1000x256xf32>
    %logistic3A_29 = arith.divf %logistic3A_27, %logistic3A_28 : vector<1000x256xf32>
    %get3A_30 = arith.constant 0 : index
    %get3A_31 = arith.constant 0 : index
    %get3A_32 = arith.constant 0 : index
    %get3A_33 = vector.load %arg1[%get3A_30, %get3A_31, %get3A_32] : memref<2x1000x128xf32, #tpu.memory_space<vmem>>, vector<1x1000x128xf32>
    %get3A_34 = vector.shape_cast %get3A_33 : vector<1x1000x128xf32> to vector<1000x128xf32>
    %get3A_35 = arith.constant 1 : index
    %get3A_36 = arith.constant 0 : index
    %get3A_37 = arith.constant 0 : index
    %get3A_38 = vector.load %arg1[%get3A_35, %get3A_36, %get3A_37] : memref<2x1000x128xf32, #tpu.memory_space<vmem>>, vector<1x1000x128xf32>
    %get3A_39 = vector.shape_cast %get3A_38 : vector<1x1000x128xf32> to vector<1000x128xf32>
    %concatenate3A = tpu.concatenate %get3A_34, %get3A_39 in 1 : vector<1000x128xf32>, vector<1000x128xf32> -> vector<1000x256xf32>
    %get3A_40 = arith.constant 0 : index
    %get3A_41 = vector.load %arg3[%get3A_40] : memref<256xf32, #tpu.memory_space<vmem>>, vector<256xf32>
    %broadcast_in_dim3A_42 = vector.shape_cast %get3A_41 : vector<256xf32> to vector<1x256xf32>
    %add3A_43 = vector.broadcast %broadcast_in_dim3A_42 : vector<1x256xf32> to vector<1000x256xf32>
    %add3A_44 = arith.addf %concatenate3A, %add3A_43 : vector<1000x256xf32>
    %mul3A = arith.mulf %add3A_44, %logistic3A_29 : vector<1000x256xf32>
    %add3A_45 = arith.addf %mul3A, %get3A_1 : vector<1000x256xf32>
    %swap3A = arith.constant 0 : index
    %swap3A_46 = arith.constant 0 : index
    %swap3A_47 = vector.load %arg8[%swap3A, %swap3A_46] : memref<1000x256xf32, #tpu.memory_space<vmem>>, vector<1000x256xf32>
    tpu.vector_store %arg8[%swap3A, %swap3A_46], %add3A_45 {strides = array<i32>} : memref<1000x256xf32, #tpu.memory_space<vmem>>, vector<1000x256xf32>,
    return
  }
  func.func @transform_0(%arg0: i32) -> (i32, i32, i32) {
    %c0_i32 = arith.constant 0 : i32
    %c0_i32_0 = arith.constant 0 : i32
    %c0_i32_1 = arith.constant 0 : i32
    return %c0_i32, %arg0, %c0_i32_0 : i32, i32, i32
  }
  func.func @transform_1(%arg0: i32) -> (i32, i32) {
    %c0_i32 = arith.constant 0 : i32
    %c0_i32_0 = arith.constant 0 : i32
    return %arg0, %c0_i32 : i32, i32
  }
  func.func @transform_2(%arg0: i32) -> i32 {
    %c0_i32 = arith.constant 0 : i32
    %c0_i32_0 = arith.constant 0 : i32
    return %c0_i32 : i32
  }
  func.func @transform_3(%arg0: i32) -> (i32, i32) {
    %c0_i32 = arith.constant 0 : i32
    %c0_i32_0 = arith.constant 0 : i32
    %c0_i32_1 = arith.constant 0 : i32
    return %c0_i32, %c0_i32_0 : i32, i32
  }
  func.func @transform_4(%arg0: i32) -> i32 {
    %c0_i32 = arith.constant 0 : i32
    %c0_i32_0 = arith.constant 0 : i32
    return %c0_i32 : i32
  }
  func.func @transform_5(%arg0: i32) -> (i32, i32) {
    %c0_i32 = arith.constant 0 : i32
    %c0_i32_0 = arith.constant 0 : i32
    %c0_i32_1 = arith.constant 0 : i32
    return %c0_i32, %c0_i32_0 : i32, i32
  }
  func.func @transform_6(%arg0: i32) -> i32 {
    %c0_i32 = arith.constant 0 : i32
    %c0_i32_0 = arith.constant 0 : i32
    return %c0_i32 : i32
  }
  func.func @transform_7(%arg0: i32) -> (i32, i32) {
    %c0_i32 = arith.constant 0 : i32
    %c0_i32_0 = arith.constant 0 : i32
    return %arg0, %c0_i32 : i32, i32
  }
}

</mosaic_0001>

<sc_bundles>
// kernel: scatter_offload_async_start.1
scs
__scs_entry_jumppad:
0x0: {  	(pc) =	sbr.rel $0x88, $3  }
0x1: {  	(tag) =	ssettag $0x0;
	lr =	simm.s32 $0x1  }
0x2: {  	[smem:$0x3F97] =	sst lr;
	_ =	strace $0xD0000000  }
0x3: {  	_ = 	snop  }
0x4: {  	_ = 	snop  }
0x5: {  	_ = 	snop  }
0x6: {  	_ = 	snop  }
0x7: {  	_ = 	snop  }
__scs_overlays_trampoline_lowered:
0x8: {  	[smem:$0x3FA6] =	sst s0  }
0x9: {  	[smem:$0x3FA7] =	sst s1  }
0xa: {  	[smem:$0x3FA8] =	sst s2  }
0xb: {  	[smem:$0x3FA9] =	sst s3  }
0xc: {  	[smem:$0x3FAA] =	sst s4  }
0xd: {  	[smem:$0x3FAB] =	sst s5  }
0xe: {  	[smem:$0x3FAC] =	sst s6  }
0xf: {  	[smem:$0x3FAD] =	sst s7  }
0x10: {  	[smem:$0x3FAE] =	sst s8  }
0x11: {  	[smem:$0x3FAF] =	sst s9;
	s0 =	simm.s32 @!p0 $0x0  }
0x12: {  	s1 =	sld [smem:$0x3F95];
	s0 =	simm.s32 @p0 $0x1  }
0x13: {  	[smem:$0x3FB0] =	sst s0;
	s0 =	simm.s32 @!p1 $0x0  }
0x14: {  	s2 =	sld [smem:$0x3F94];
	s0 =	simm.s32 @p1 $0x1  }
0x15: {  	[smem:$0x3FB1] =	sst s0;
	s0 =	simm.s32 @!p2 $0x0  }
0x16: {  	s3 =	sld [smem:$0x3FDB];
	s0 =	simm.s32 @p2 $0x1  }
0x17: {  	s4 =	simm.s32 $0x1BF5;
	[smem:$0x3FB3] =	sst s0  }
0x18: {  	s0 =	sld [smem:$0x3F96];
	_ =	swait.ge [sflag:s4], $0x0  }
0x19: {  	s7 =	sld [smem:$0x3F97]  }
0x1a: {  	s8 =	sadd.s32 $0xFFFFE003, lr  }
0x1b: {  	s9 =	sadd.s32 $0xFFFFFEF7, lr;
	s5 =	simm.s32 $0xFFFFFFFF;
	p2 =	slt.u32 s8, $0xFFFFF086  }
0x1c: {  	p1 =	slt.u32 s9, $0xF7A;
	s5 =	simm.s32 @!p2 $0x0  }
0x1d: {  	s5 =	simm.s32 @p1 $0x1;
	p0 =	seq.s32 s7, s2  }
0x1e: {  	s7 =	smul.u32 @!p0 $0xF7A, s2;
	p2 =	seq.s32 @!p0 s5, $0x0  }
0x1f: {  	s9 =	smul.u32 $0xF7A, s1;
	s8 =	simm.s32 @!p0 $0x1BF5;
	p2 =	por !p2, p0  }
0x20: {  	[sflag:s8] =	ssyncset.s32 @!p0 $0xFFFFF086;
	s6 =	sadd.s32 @!p0 s3, s7;
	s7 =	simm.s32 @!p0 $0x108  }
0x21: {  	s3 =	sadd.s32 s3, s9;
	s6 =	sadd.s32 @!p0 $0x88, s6;
	s7 =	simm.s32 @p2 $0x1082  }
0x22: {  	[simem:s7], [sflag:s8] =	dma.local @!p0 [hbm:s6], $0xF7A  }
0x23: {  	s9 =	sor.u32 $0xD0000000, s2;
	s6 =	simm.s32 $0x108;
	_ =	swait.ge @!p0 [sflag:s8], $0x0  }
0x24: {  	s3 =	sadd.s32 $0x88, s3;
	s6 =	simm.s32 @!p1 $0x1082;
	[sflag:s4] =	ssyncset.s32 $0xFFFFF086  }
0x25: {  	[simem:s6], [sflag:s4] =	dma.local [hbm:s3], $0xF7A  }
0x26: {  	[smem:$0x3F97] =	sst s1;
	(tag) =	ssettag s2;
	_ =	strace s9  }
0x27: {  	s1 =	sld [smem:$0x3FA7]  }
0x28: {  	s2 =	sld [smem:$0x3FA8]  }
0x29: {  	s4 =	sld [smem:$0x3FAA]  }
0x2a: {  	p0 =	seq.s32 s5, $0x0;
	s5 =	sld [smem:$0x3FAB]  }
0x2b: {  	s6 =	sld [smem:$0x3FAC]  }
0x2c: {  	s7 =	sld [smem:$0x3FAD]  }
0x2d: {  	s3 =	simm.s32 $0x108;
	s8 =	sld [smem:$0x3FAE]  }
0x2e: {  	s3 =	simm.s32 @!p0 $0x1082;
	s9 =	sld [smem:$0x3FAF]  }
0x2f: {  	lr =	sadd.s32 s0, s3;
	s0 =	sld [smem:$0x3FA6]  }
0x30: {  	s3 =	sld [smem:$0x3FA9]  }
0x31: {  	[smem:$0x3FB2] =	sst s10  }
0x32: {  	s10 =	sld [smem:$0x3FB0];
	_ =	sdelay $0x3  }
0x33: {  	p0 =	seq.s32 s10, $0x1;
	s10 =	sld [smem:$0x3FB2];
	_ =	sdelay $0x3  }
0x34: {  	[smem:$0x3FB2] =	sst s10  }
0x35: {  	s10 =	sld [smem:$0x3FB1];
	_ =	sdelay $0x3  }
0x36: {  	p1 =	seq.s32 s10, $0x1;
	s10 =	sld [smem:$0x3FB2];
	_ =	sdelay $0x3  }
0x37: {  	[smem:$0x3FB2] =	sst s10  }
0x38: {  	s10 =	sld [smem:$0x3FB3]  }
0x39: {  	_ = 	snop;
	(pc) =	sbr.ind lr, $3  }
0x3a: {  	_ = 	snop  }
0x3b: {  	_ = 	snop  }
0x3c: {  	p2 =	seq.s32 s10, $0x1;
	s10 =	sld [smem:$0x3FB2]  }
0x3d: {  	_ =	shalt  }
0x3e: {  	_ =	shalt  }
0x3f: {  	_ =	shalt  }
0x40: {  	_ =	shalt  }
0x41: {  	_ =	shalt  }
0x42: {  	_ =	shalt  }
0x43: {  	_ =	shalt  }
0x44: {  	_ =	shalt  }
0x45: {  	_ =	shalt  }
0x46: {  	_ =	shalt  }
0x47: {  	_ =	shalt  }
0x48: {  	_ =	shalt  }
0x49: {  	_ =	shalt  }
0x4a: {  	_ =	shalt  }
0x4b: {  	_ =	shalt  }
0x4c: {  	_ =	shalt  }
0x4d: {  	_ =	shalt  }
0x4e: {  	_ =	shalt  }
0x4f: {  	_ =	shalt  }
0x50: {  	_ =	shalt  }
0x51: {  	_ =	shalt  }
0x52: {  	_ =	shalt  }
0x53: {  	_ =	shalt  }
0x54: {  	_ =	shalt  }
0x55: {  	_ =	shalt  }
0x56: {  	_ =	shalt  }
0x57: {  	_ =	shalt  }
0x58: {  	_ =	shalt  }
0x59: {  	_ =	shalt  }
0x5a: {  	_ =	shalt  }
0x5b: {  	_ =	shalt  }
0x5c: {  	_ =	shalt  }
0x5d: {  	_ =	shalt  }
0x5e: {  	_ =	shalt  }
0x5f: {  	_ =	shalt  }
0x60: {  	_ =	shalt  }
0x61: {  	_ =	shalt  }
0x62: {  	_ =	shalt  }
0x63: {  	_ =	shalt  }
0x64: {  	_ =	shalt  }
0x65: {  	_ =	shalt  }
0x66: {  	_ =	shalt  }
0x67: {  	_ =	shalt  }
0x68: {  	_ =	shalt  }
0x69: {  	_ =	shalt  }
0x6a: {  	_ =	shalt  }
0x6b: {  	_ =	shalt  }
0x6c: {  	_ =	shalt  }
0x6d: {  	_ =	shalt  }
0x6e: {  	_ =	shalt  }
0x6f: {  	_ =	shalt  }
0x70: {  	_ =	shalt  }
0x71: {  	_ =	shalt  }
0x72: {  	_ =	shalt  }
0x73: {  	_ =	shalt  }
0x74: {  	_ =	shalt  }
0x75: {  	_ =	shalt  }
0x76: {  	_ =	shalt  }
0x77: {  	_ =	shalt  }
0x78: {  	_ =	shalt  }
0x79: {  	_ =	shalt  }
0x7a: {  	_ =	shalt  }
0x7b: {  	_ =	shalt  }
0x7c: {  	_ =	shalt  }
0x7d: {  	_ =	shalt  }
0x7e: {  	_ =	shalt  }
0x7f: {  	_ =	shalt  }
0x80: {  	_ =	shalt  }
0x81: {  	_ =	shalt  }
0x82: {  	_ =	shalt  }
0x83: {  	_ =	shalt  }
0x84: {  	_ =	shalt  }
0x85: {  	_ =	shalt  }
0x86: {  	_ =	shalt  }
0x87: {  	_ =	shalt  }
.Lfunc_end0:
.L_simem_size_0:
called_computation.1_lowered:
.L_overlay_start_0:
0x88: {  	s0 =	sld [smem:$0x3FD9]  }
0x89: {  	s1 =	sld [smem:$0x3FFE];
	_ =	sdelay $0x3  }
0x8a: {  	s0 =	sadd.s32 s1, s0  }
0x8b: {  	[smem:$0x3FBE] =	sst s0  }
0x8c: {  	_ = 	snop  }
0x8d: {  	s14 =	sld [smem:$0x3FD0];
	(tm) =	ssettm $0x1  }
0x8e: {  	s15 =	sld [smem:$0x3FFB];
	_ =	sdelay $0x3  }
0x8f: {  	_ =	strace s15  }
0x90: {  	s0 =	sld [smem:$0x3FFC];
	_ =	sdelay $0x3  }
0x91: {  	_ =	strace s0  }
0x92: {  	s0 =	sld [smem:$0x3FFD];
	_ =	sdelay $0x3  }
0x93: {  	_ =	strace s0  }
0x94: {  	_ =	strace $0x8FFFFFFF  }
0x95: {  	s16 =	sld [smem:$0x3FDB];
	_ =	sdelay $0x1  }
0x96: {  	s2 =	simm.s32 $_scs_section_size  }
0x97: {  	s3 =	simm.s32 $_size__tile_overlayer_lowered;
	s4 =	simm.s32 $_tile_overlayer_lowered  }
0x98: {  	s5 =	simm.s32 $0x1BFF;
	s17 =	sshll.u32 s4, $0x1;
	s2 =	sadd.s32 s2, s16  }
0x99: {  	s18 =	simm.s32 $0x0;
	s3 =	sshll.u32 s3, $0x1;
	s4 =	sadd.s32 s17, s2  }
0x9a: {  	[timem:s18], [sflag:s5] =	dma.local [hbm:s4], s3  }
0x9b: {  	_ =	swait.ge [sflag:s5], s3  }
0x9c: {  	s3 =	ssub.s32 $0x0, s3;
	[sflag:s5] =	ssyncset.done $0x0  }
0x9d: {  	[sflag:s5] =	ssyncadd.s32 s3;
	_ =	sdelay $0x1  }
0x9e: {  	s19 =	simm.s32 $0x1B8B  }
0x9f: {  	_ =	swait.ge [sflag:s19], $0x1  }
0xa0: {  	[sflag:s19] =	ssyncset.done $0x0  }
0xa1: {  	s21 =	simm.s32 $0x1B8E;
	s20 =	sld [smem:$0x3FFE];
	[sflag:s19] =	ssyncadd.s32 $0xFFFFFFFF  }
0xa2: {  	s22 =	simm.s32 $execute0_lowered;
	[smem:$0x3FD2] =	sst s21  }
0xa3: {  	s4 =	sshll.u32 s22, $0x1;
	_ =	strace $0x80000049;
	[dreg:$0x1] =	wrdreg $0xFFFFFFFF  }
0xa4: {  	s23 =	simm.s32 $_size_execute0_lowered;
	s4 =	sadd.s32 s2, s4;
	[dreg:$0x0] =	wrdreg $0x0  }
0xa5: {  	s5 =	sshll.u32 s23, $0x1;
	[dreg:$0x2] =	wrdreg s4  }
0xa6: {  	[dreg:$0x3] =	wrdreg s5  }
0xa7: {  	[dreg:$0x4] =	wrdreg $0xC0  }
0xa8: {  	s24 =	simm.s32 $execute1_lowered;
	_ =	task [dreg:s18], $0x5FFFF  }
0xa9: {  	s4 =	sshll.u32 s24, $0x1;
	[dreg:$0x1] =	wrdreg $0xFFFFFFFF  }
0xaa: {  	s2 =	sadd.s32 s2, s4;
	[dreg:$0x0] =	wrdreg $0x60  }
0xab: {  	[dreg:$0x2] =	wrdreg s2  }
0xac: {  	[dreg:$0x3] =	wrdreg s14  }
0xad: {  	[dreg:$0x4] =	wrdreg s20  }
0xae: {  	[dreg:$0x5] =	wrdreg $0x9  }
0xaf: {  	_ =	task.clear_ibuf [dreg:s18], $0x6FFFF;
	_ =	strace $0x90000049  }
0xb0: {  	s25 =	simm.s32 $0x9;
	_ =	strace $0x8000004B  }
0xb1: {  	_ =	swait.ge [sflag:s25], $0x1  }
0xb2: {  	[sflag:s25] =	ssyncadd.s32 $0xFFFFFFFF  }
0xb3: {  	_ =	strace $0x9000004B  }
0xb4: {  	_ =	strace $0x8000004C;
	[dreg:$0x1] =	wrdreg $0xFFFFFFFF  }
0xb5: {  	[dreg:$0x0] =	wrdreg $0x2030  }
0xb6: {  	[dreg:$0x2] =	wrdreg s20  }
0xb7: {  	[dreg:$0x3] =	wrdreg $0xA  }
0xb8: {  	_ =	task.clear_ibuf [dreg:s18], $0x4FFFF;
	_ =	strace $0x9000004C  }
0xb9: {  	s26 =	simm.s32 $0xA;
	_ =	strace $0x8000004E  }
0xba: {  	_ =	swait.ge [sflag:s26], $0x1  }
0xbb: {  	[sflag:s26] =	ssyncadd.s32 $0xFFFFFFFF  }
0xbc: {  	_ =	strace $0x9000004E  }
0xbd: {  	_ =	sfence  }
0xbe: {  	s28 =	sld [smem:$0x0];
	_ =	sdelay $0x1  }
0xbf: {  	s29 =	srdreg.scid  }
0xc0: {  	s30 =	sshll.u32 s29, $0xD;
	s31 =	sshrl.u32 s29, $0x2  }
0xc1: {  	s3 =	sand.u32 $0x4000, s30;
	s2 =	sand.u32 $0x1, s29;
	s1 =	sadd.s32 s31, s28  }
0xc2: {  	s2 =	sor.u32 s3, s2;
	s1 =	sshll.u32 s1, $0x11  }
0xc3: {  	s1 =	sor.u32 s1, s2  }
0xc4: {  	s1 =	sadd.s32 $0x8F2B, s1  }
0xc5: {  	[sflag:s1] =	ssyncadd.remote.s32 $0x1  }
0xc6: {  	_ =	sfence.sel $0xFFFF  }
0xc7: {  	[dreg:$0x0] =	wrdreg $0xFFFFFFFF;
	(pc) =	sbr.abs _section_cstart, $3  }
0xc8: {  	[dreg:$0x1] =	wrdreg $0xFFFFFFFF  }
0xc9: {  	_ =	task.clear_ibuf [dreg:s18], $0x2FFFF;
	_ =	strace $0x9FFFFFFF  }
0xca: {  	(tm) =	ssettm $0x7FFFFFFF  }
0xcb: {  	_ =	shalt  }
tec
execute0_lowered:
.L_overlay_start_1:
0x0: {  	(tag) =	ssettag $0x1  }
0x1: {  	s3 =	rddreg [dreg:$0x0]  }
0x2: {  	s2 =	rddreg [dreg:$0x1]  }
0x3: {  	s4 =	rddreg [dreg:$0x2]  }
0x4: {  	s0 =	rddreg [dreg:$0x3];
	s5 =	stileid.u32;
	[bflag:$0x3] =	sbarrier.arrive $0xFFFF  }
0x5: {  	s1 =	simm.s32 $_size_execute1_lowered;
	s31 =	simm.s32 $0x2;
	p0 =	sne.s32 s5, $0x0  }
0x6: {  	s1 =	sshll.u32 s1, $0x1;
	s6 =	simm.s32 @!p0 $0x1C3F;
	s7 =	simm.s32 @!p0 $0x4060  }
0x7: {  	[timem:s7], [sflag:s6] =	dma.local @!p0 [hbm:s3], s1  }
.Ltmp0:
0x8: {  	s8 =	simm.s32 $0x0;
	s12 =	simm.s32 $0x0;
	(pc) =	sbr.rel .LBB2_1-.Ltmp0, $4  }
0x9: {  	s10 =	simm.s32 $0x0;
	s11 =	simm.s32 $0x0;
	s3 =	sshll.u32 s5, $0x7  }
0xa: {  	s5 =	simm.s32 $0x1;
	_ =	strace $0x8000004A;
	s30 =	ssub.s32 $0x2700, s3  }
0xb: {  	s4 =	sadd.s32 $0x405200, s4;
	[sflag:s5] =	ssyncpa.u1 $0x0;
	s6 =	sshrl.u32 s30, $0xB  }
0xc: {  	s9 =	smov.u32 s3;
	[sflag:s31] =	ssyncpa.u1 $0x0;
	s7 =	sadd.s32 $0x2, s6  }
.LBB2_4:
0xd: {  	_ = 	snop  }
.LBB2_7:
0xe: {  	_ =	sdelay $0x3  }
0xf: {  	[tilespmem:v0+s16+$0x0 ss:$0x1] =	vst.idx.msk @p1 $0xffff, v2  }
0x10: {  	v56 =	vld.idx.msk [tilespmem:v1+s15+$0x0 ss:$0x1], $0xffff;
	s24 =	sor.u32 $0x70, s15;
	[tilespmem:v0+s17+$0x0 ss:$0x1] =	vst.idx.msk @p1 $0xffff, v4  }
0x11: {  	s25 =	sor.u32 $0x10, s15;
	[tilespmem:v0+s18+$0x0 ss:$0x1] =	vst.idx.msk @p1 $0xffff, v3;
	v57 =	vld.idx.msk [tilespmem:v1+s24+$0x0 ss:$0x1], $0xffff  }
0x12: {  	s26 =	sor.u32 $0x20, s15;
	[tilespmem:v0+s19+$0x0 ss:$0x1] =	vst.idx.msk @p1 $0xffff, v5;
	v58 =	vld.idx.msk [tilespmem:v1+s25+$0x0 ss:$0x1], $0xffff  }
0x13: {  	s28 =	sor.u32 $0x30, s15;
	[tilespmem:v0+s20+$0x0 ss:$0x1] =	vst.idx.msk @p1 $0xffff, v6;
	v59 =	vld.idx.msk [tilespmem:v1+s26+$0x0 ss:$0x1], $0xffff  }
0x14: {  	s29 =	sor.u32 $0x40, s15;
	[tilespmem:v0+s21+$0x0 ss:$0x1] =	vst.idx.msk @p1 $0xffff, v7;
	v60 =	vld.idx.msk [tilespmem:v1+s28+$0x0 ss:$0x1], $0xffff  }
0x15: {  	s30 =	sor.u32 $0x50, s15;
	v61 =	vld.idx.msk [tilespmem:v1+s29+$0x0 ss:$0x1], $0xffff;
	[tilespmem:v0+s15+$0x0 ss:$0x1] =	vst.idx.msk $0xffff, v56  }
0x16: {  	s31 =	sor.u32 $0x60, s15;
	v62 =	vld.idx.msk [tilespmem:v1+s30+$0x0 ss:$0x1], $0xffff;
	[tilespmem:v0+s24+$0x0 ss:$0x1] =	vst.idx.msk $0xffff, v57  }
0x17: {  	v63 =	vld.idx.msk [tilespmem:v1+s31+$0x0 ss:$0x1], $0xffff;
	[tilespmem:v0+s25+$0x0 ss:$0x1] =	vst.idx.msk $0xffff, v58  }
0x18: {  	[tilespmem:v0+s26+$0x0 ss:$0x1] =	vst.idx.msk $0xffff, v59  }
0x19: {  	[tilespmem:v0+s28+$0x0 ss:$0x1] =	vst.idx.msk $0xffff, v60  }
0x1a: {  	[tilespmem:v0+s29+$0x0 ss:$0x1] =	vst.idx.msk $0xffff, v61  }
0x1b: {  	[tilespmem:v0+s30+$0x0 ss:$0x1] =	vst.idx.msk $0xffff, v62  }
0x1c: {  	[tilespmem:v0+s31+$0x0 ss:$0x1] =	vst.idx.msk $0xffff, v63  }
.LBB2_8:
0x1d: {  	s15 =	sand.u32 $0x1FFFFFF, s10  }
0x1e: {  	s16 =	smulhi.u32 $0x1A36E2F, s15;
	_ =	sdelay $0x1  }
0x1f: {  	s16 =	sshrl.u32 s16, $0x6  }
0x20: {  	s16 =	smul.u32 $0x2710, s16;
	_ =	sdelay $0x1  }
0x21: {  	s15 =	ssub.s32 s15, s16  }
0x22: {  	s15 =	sshll.u32 s15, $0x4  }
0x23: {  	s15 =	sadd.s32 s4, s15  }
0x24: {  	[hbm4b:s15+s8] =	stream.linear.scatter [tilespmem:s14], [sflag:$0x2], s13, $0x38;
	[tilespmem:$0x10000] =	vst v63  }
.LBB2_9:
0x25: {  	p1 =	slt.u32 s11, $0x2  }
0x26: {  	p2 =	sgt.s32 @!p1 s12, $0x2690  }
0x27: {  	s13 =	smov.u32 s12;
	s14 =	sshra.s32 @!p1 s12, $0x1F;
	p2 =	por !p2, p1  }
0x28: {  	s12 =	sand.u32 @!p1 s14, s12;
	s13 =	simm.s32 @p2 $0x2690  }
0x29: {  	s12 =	ssub.s32 @!p1 s13, s12  }
0x2a: {  	s12 =	sadd.s32 @!p1 $0xFFFFD970, s12  }
0x2b: {  	s13 =	sshll.u32 @!p1 s12, $0x9  }
0x2c: {  	p2 =	sgt.s32 @!p1 s12, $0x7F;
	s12 =	ssub.s32 @!p1 $0x10000, s13  }
0x2d: {  	s14 =	sadd.s32 $0x800, s9;
	p2 =	por !p2, p1;
	s12 =	sshrl.u32 @!p1 s12, $0x2  }
0x2e: {  	s12 =	simm.s32 @!p2 $0x0;
	p2 =	sgt.s32 s14, $0x270F  }
0x2f: {  	s14 =	smov.u32 @p2 s3;
	p2 =	sne.s32 s11, s7  }
.Ltmp1:
0x30: {  	_ = 	snop;
	(pc) =	sbr.rel @!p2 .LBB2_10-.Ltmp1, $4  }
0x31: {  	s13 =	simm.s32 @!p1 $0x2  }
0x32: {  	_ =	swait.ge @!p1 [sflag:s13], s12;
	s15 =	ssub.s32 @!p1 $0x0, s12  }
0x33: {  	s12 =	smov.u32 s10;
	s11 =	sadd.s32 $0x1, s11;
	[sflag:s13] =	ssyncset.done @!p1 $0x0  }
0x34: {  	s10 =	smov.u32 s9;
	s9 =	smov.u32 s14;
	[sflag:s13] =	ssyncadd.s32 @!p1 s15  }
.LBB2_1:
0x35: {  	p1 =	sgt.u32 s11, s6  }
0x36: {  	s13 =	sand.u32 @!p1 $0x1FFFFFF, s9  }
0x37: {  	p2 =	sgt.s32 @!p1 s9, $0x2690;
	s14 =	smulhi.u32 @!p1 $0x1A36E2F, s13  }
0x38: {  	s15 =	smov.u32 s9;
	s16 =	sshra.s32 @!p1 s9, $0x1F;
	p2 =	por !p2, p1  }
0x39: {  	s16 =	sand.u32 @!p1 s16, s9;
	s15 =	simm.s32 @p2 $0x2690;
	s14 =	sshrl.u32 @!p1 s14, $0x6  }
0x3a: {  	s15 =	ssub.s32 @!p1 s15, s16;
	s14 =	smul.u32 @!p1 $0x2710, s14  }
0x3b: {  	s16 =	sxor.u32 @!p1 $0xFFFFFFFF, s11;
	s15 =	sadd.s32 @!p1 $0xFFFFD970, s15  }
0x3c: {  	s16 =	sshll.u32 @!p1 s16, $0xE;
	s13 =	ssub.s32 @!p1 s13, s14;
	s14 =	sshll.u32 @!p1 s15, $0x9  }
0x3d: {  	s16 =	sand.u32 @!p1 $0x4000, s16;
	p2 =	sgt.s32 @!p1 s15, $0x7F;
	s14 =	ssub.s32 @!p1 $0x10000, s14  }
0x3e: {  	p2 =	por !p2, p1;
	s13 =	sshll.u32 @!p1 s13, $0x4;
	s14 =	sshrl.u32 @!p1 s14, $0x2  }
0x3f: {  	s15 =	simm.s32 @!p1 $0x0;
	s13 =	sadd.s32 @!p1 s2, s13;
	s14 =	simm.s32 @!p2 $0x0  }
0x40: {  	[tilespmem:s16], [sflag:$0x1] =	stream.linear.gather @!p1 [hbm4b:s13+s15], s14, $0x38;
	[tilespmem:$0x10000] =	vst v63  }
0x41: {  	p1 =	seq.s32 s11, $0x0  }
0x42: {  	p2 =	sge.u32 @!p1 s11, s7  }
0x43: {  	p1 =	por p1, p2  }
.Ltmp2:
0x44: {  	_ = 	snop;
	(pc) =	sbr.rel @p1 .LBB2_9-.Ltmp2, $1  }
0x45: {  	_ =	sdelay $0x3  }
0x46: {  	p1 =	sgt.s32 s10, $0x2690;
	s13 =	smov.u32 s10;
	s14 =	sshra.s32 s10, $0x1F  }
0x47: {  	s13 =	simm.s32 @!p1 $0x2690;
	s14 =	sand.u32 s14, s10  }
0x48: {  	s13 =	ssub.s32 s13, s14  }
0x49: {  	s13 =	sadd.s32 $0xFFFFD970, s13  }
0x4a: {  	s31 =	sshll.u32 s13, $0x9  }
0x4b: {  	s14 =	ssub.s32 $0x10000, s31  }
0x4c: {  	p1 =	sgt.s32 s13, $0x7F;
	s13 =	sshrl.u32 s14, $0x2;
	s14 =	sadd.s32 $0x80, s10  }
0x4d: {  	s13 =	simm.s32 @p1 $0x0;
	p1 =	slt.s32 s14, $0x2710  }
0x4e: {  	s14 =	simm.s32 @!p1 $0x2710  }
0x4f: {  	s16 =	ssub.s32 s14, s10  }
0x50: {  	p1 =	slt.s32 s16, $0x1  }
.Ltmp3:
0x51: {  	_ = 	snop;
	(pc) =	sbr.rel @p1 .LBB2_8-.Ltmp3, $4  }
0x52: {  	_ = 	snop  }
0x53: {  	s15 =	sshll.u32 s11, $0xE;
	_ =	swait.ge [sflag:s5], s13  }
0x54: {  	s15 =	sand.u32 $0x4000, s15;
	s17 =	ssub.s32 $0x0, s13;
	[sflag:s5] =	ssyncset.done $0x0  }
0x55: {  	s14 =	sor.u32 $0x8000, s15;
	[sflag:s5] =	ssyncadd.s32 s17  }
0x56: {  	p2 =	sne.s32 s16, $0x1  }
.Ltmp4:
0x57: {  	v1 =	vmov s15;
	v0 =	vmov s14;
	(pc) =	sbr.rel @!p2 .LBB2_4-.Ltmp4, $3  }
0x58: {  	_ =	sdelay $0x1  }
0x59: {  	s17 =	simm.s32 $0x0  }
0x5a: {  	s23 =	sadd.s32 $0xFFFFFFFF, s16;
	p1 =	por $0x0, $0x0;
	s15 =	sand.u32 $0x3F80, s17  }
0x5b: {  	_ =	sdelay $0x3  }
0x5c: {  	v6 =	vld.idx.msk [tilespmem:v1+s15+$0x0 ss:$0x1], $0xffff;
	s24 =	sor.u32 $0x70, s15  }
0x5d: {  	s16 =	sor.u32 $0x10, s15;
	v8 =	vld.idx.msk [tilespmem:v1+s24+$0x0 ss:$0x1], $0xffff  }
0x5e: {  	s17 =	sor.u32 $0x20, s15;
	p2 =	sne.s32 s23, $0x1;
	v2 =	vld.idx.msk [tilespmem:v1+s16+$0x0 ss:$0x1], $0xffff  }
.Ltmp5:
0x5f: {  	s18 =	sor.u32 $0x30, s15;
	v4 =	vld.idx.msk [tilespmem:v1+s17+$0x0 ss:$0x1], $0xffff;
	(pc) =	sbr.rel @!p2 .LBB2_7-.Ltmp5, $4  }
0x60: {  	s19 =	sor.u32 $0x40, s15;
	v3 =	vld.idx.msk [tilespmem:v1+s18+$0x0 ss:$0x1], $0xffff  }
0x61: {  	s21 =	sor.u32 $0x60, s15;
	v5 =	vld.idx.msk [tilespmem:v1+s19+$0x0 ss:$0x1], $0xffff  }
0x62: {  	s20 =	sor.u32 $0x50, s15;
	s22 =	simm.s32 $0x80;
	v7 =	vld.idx.msk [tilespmem:v1+s21+$0x0 ss:$0x1], $0xffff;
	[tilespmem:v0+s15+$0x0 ss:$0x1] =	vst.idx.msk $0xffff, v6  }
0x63: {  	s23 =	sadd.s32 $0xFFFFFFFF, s23;
	p1 =	por $0x1, $0x1;
	v6 =	vld.idx.msk [tilespmem:v1+s20+$0x0 ss:$0x1], $0xffff;
	s15 =	sand.u32 $0x3F80, s22;
	[tilespmem:v0+s24+$0x0 ss:$0x1] =	vst.idx.msk $0xffff, v8  }
.LBB2_6:
0x64: {  	p2 =	sne.s32 s23, $0x1;
	v8 =	vld.idx.msk [tilespmem:v1+s15+$0x0 ss:$0x1], $0xffff;
	s24 =	sor.u32 $0x70, s15;
	[tilespmem:v0+s16+$0x0 ss:$0x1] =	vst.idx.msk $0xffff, v2;
	s16 =	sor.u32 $0x10, s15  }
0x65: {  	s25 =	sor.u32 $0x30, s15;
	s26 =	sor.u32 $0x40, s15;
	v9 =	vld.idx.msk [tilespmem:v1+s24+$0x0 ss:$0x1], $0xffff;
	[tilespmem:v0+s17+$0x0 ss:$0x1] =	vst.idx.msk $0xffff, v4;
	s17 =	sor.u32 $0x20, s15  }
0x66: {  	s28 =	sor.u32 $0x50, s15;
	s29 =	sor.u32 $0x60, s15;
	v2 =	vld.idx.msk [tilespmem:v1+s16+$0x0 ss:$0x1], $0xffff;
	[tilespmem:v0+s18+$0x0 ss:$0x1] =	vst.idx.msk $0xffff, v3;
	s18 =	smov.u32 s25  }
.Ltmp6:
0x67: {  	v4 =	vld.idx.msk [tilespmem:v1+s17+$0x0 ss:$0x1], $0xffff;
	[tilespmem:v0+s19+$0x0 ss:$0x1] =	vst.idx.msk $0xffff, v5;
	s19 =	smov.u32 s26;
	(pc) =	sbr.rel @p2 .LBB2_6-.Ltmp6, $4  }
0x68: {  	v3 =	vld.idx.msk [tilespmem:v1+s18+$0x0 ss:$0x1], $0xffff;
	[tilespmem:v0+s20+$0x0 ss:$0x1] =	vst.idx.msk $0xffff, v6;
	s20 =	smov.u32 s28  }
0x69: {  	v5 =	vld.idx.msk [tilespmem:v1+s19+$0x0 ss:$0x1], $0xffff;
	[tilespmem:v0+s21+$0x0 ss:$0x1] =	vst.idx.msk $0xffff, v7;
	s21 =	smov.u32 s29  }
0x6a: {  	s22 =	sadd.s32 $0x80, s22;
	[tilespmem:v0+s15+$0x0 ss:$0x1] =	vst.idx.msk $0xffff, v8;
	v6 =	vld.idx.msk [tilespmem:v1+s20+$0x0 ss:$0x1], $0xffff  }
0x6b: {  	s23 =	sadd.s32 $0xFFFFFFFF, s23;
	s15 =	sand.u32 $0x3F80, s22;
	v7 =	vld.idx.msk [tilespmem:v1+s21+$0x0 ss:$0x1], $0xffff;
	[tilespmem:v0+s24+$0x0 ss:$0x1] =	vst.idx.msk $0xffff, v9  }
.Ltmp7:
0x6c: {  	_ = 	snop;
	(pc) =	sbr.rel .LBB2_7-.Ltmp7, $1  }
0x6d: {  	_ =	sdelay $0x3  }
.LBB2_10:
0x6e: {  	_ =	sfence.sel $0x180000  }
0x6f: {  	s2 =	simm.s32 $0x1;
	[bflag:$0x0] =	sbarrier.arrive $0xFFFF  }
0x70: {  	s31 =	simm.s32 $0x2;
	[sflag:s2] =	ssyncpa.u1 $0x1  }
0x71: {  	[sflag:s31] =	ssyncpa.u1 $0x1  }
0x72: {  	_ =	strace $0x9000004A  }
0x73: {  	s0 =	sadd.s32 @!p0 $0x100000, s0;
	[bflag:$0x2] =	sbarrier.arrive $0xFFFF  }
0x74: {  	[sflag:s0] =	ssyncadd.tile.s32 @!p0 $0x1;
	s0 =	simm.s32 @!p0 $0x3F  }
0x75: {  	_ =	swait.ge @!p0 [sflag:s0], s1  }
0x76: {  	s1 =	ssub.s32 @!p0 $0x0, s1;
	[sflag:s0] =	ssyncset.done @!p0 $0x0  }
0x77: {  	[sflag:s0] =	ssyncadd.s32 @!p0 s1  }
0x78: {  	[bflag:$0x3] =	sbarrier.arrive $0xFFFF  }
0x79: {  	_ =	shalt  }
.Lfunc_end2:
execute1_lowered:
.L_overlay_start_2:
0x7a: {  	(tag) =	ssettag $0x2  }
0x7b: {  	s0 =	rddreg [dreg:$0x0];
	_ =	strace $0x8000004D;
	s1 =	simm.s32 $0x1  }
0x7c: {  	s8 =	simm.s32 $0x108;
	v0 =	vimm.s32 $0x0;
	[sflag:s1] =	ssyncpa.u1 $0x0  }
0x7d: {  	[tilespmem:s8+$0x70] =	vst v0  }
0x7e: {  	[tilespmem:s8+$0x60] =	vst v0  }
0x7f: {  	[tilespmem:s8+$0x50] =	vst v0  }
0x80: {  	[tilespmem:s8+$0x40] =	vst v0  }
0x81: {  	[tilespmem:s8+$0x30] =	vst v0  }
0x82: {  	s2 =	simm.s32 $0x40;
	s1 =	sadd.s32 $0x405200, s0;
	[tilespmem:s8+$0x20] =	vst v0  }
0x83: {  	s3 =	sadd.s32 $0xA800, s0;
	s4 =	sadd.s32 $0xE65600, s0;
	s5 =	sadd.s32 $0xFC00, s0;
	[tilespmem:s8+$0x10] =	vst v0  }
.LBB3_1:
0x84: {  	s2 =	sadd.s32 $0x40, s2;
	[tilespmem:s8+$0x0] =	vst v0;
	s8 =	sadd.s32 $0x80, s8  }
0x85: {  	p0 =	slt.u32 s2, $0x3C40;
	[tilespmem:s8+$0x70] =	vst v0  }
0x86: {  	[tilespmem:s8+$0x60] =	vst v0  }
.Ltmp8:
0x87: {  	[tilespmem:s8+$0x50] =	vst v0;
	(pc) =	sbr.rel @p0 .LBB3_1-.Ltmp8, $4  }
0x88: {  	[tilespmem:s8+$0x40] =	vst v0  }
0x89: {  	[tilespmem:s8+$0x30] =	vst v0  }
0x8a: {  	[tilespmem:s8+$0x20] =	vst v0  }
0x8b: {  	[tilespmem:s8+$0x10] =	vst v0  }
0x8c: {  	s13 =	stileid.u32  }
0x8d: {  	s0 =	smul.u32 $0x2C, s13  }
0x8e: {  	s2 =	smin.u32 s13, $0x5  }
0x8f: {  	s0 =	sadd.s32 s2, s0  }
0x90: {  	p0 =	slt.u32 s13, $0x5;
	s6 =	smul.u32 $0xF0, s0;
	s0 =	simm.s32 $0x2A30  }
0x91: {  	s0 =	simm.s32 @!p0 $0x2940  }
0x92: {  	s0 =	sadd.s32 s0, s6  }
0x93: {  	s7 =	smin.u32 s0, $0x29810  }
0x94: {  	s0 =	ssub.s32 s7, s6  }
0x95: {  	p0 =	sgt.s32 s0, $0x0  }
0x96: {  	s0 =	simm.s32 @!p0 $0x0  }
0x97: {  	s31 =	smulhi.u32 $0x88888889, s0  }
0x98: {  	s30 =	simm.s32 $0x2;
	s9 =	simm.s32 $0x7;
	s10 =	simm.s32 $0x8  }
0x99: {  	s19 =	simm.s32 $0x0;
	s15 =	simm.s32 $0xA;
	s2 =	sshrl.u32 s31, $0x7  }
0x9a: {  	s17 =	simm.s32 $0x0;
	s18 =	simm.s32 $0x0;
	s11 =	smul.u32 $0xF0, s2  }
.Ltmp9:
0x9b: {  	[tilespmem:s8+$0x0] =	vst v0;
	v0 =	vimm.s32 $0xFFFFFFFF;
	[sflag:s30] =	ssyncpa.u1 $0x0;
	s13 =	sshll.u32 s13, $0x8;
	(pc) =	sbr.rel .LBB3_3-.Ltmp9, $4  }
0x9c: {  	[tilespmem:$0xF208] =	vst v0;
	[sflag:s9] =	ssyncpa.u1 $0x0;
	p0 =	sne.s32 s0, s11;
	s0 =	simm.s32 $0x1  }
0x9d: {  	[sflag:s10] =	ssyncpa.u1 $0x0;
	s10 =	simm.s32 $0x9;
	s0 =	simm.s32 @!p0 $0x0  }
0x9e: {  	[sflag:s10] =	ssyncpa.u1 $0x0;
	s16 =	smov.u32 s6;
	s12 =	sadd.s32 s0, s2  }
0x9f: {  	v0 =	vlaneseq.u32;
	s11 =	simm.s32 $0x1;
	p0 =	por $0x0, $0x0;
	s14 =	sadd.s32 $0x1, s12  }
.LBB3_18:
0xa0: {  	s0 =	sshrl.u32 s28, $0x2  }
.LBB3_20:
0xa1: {  	_ =	swait.ge [sflag:s15], s0  }
0xa2: {  	s31 =	ssub.s32 $0x0, s0;
	v1 =	vmov s21;
	vm0 =	veq.s32 v0, $0x0;
	[sflag:s15] =	ssyncset.done $0x0  }
0xa3: {  	vm15 =	veq.s32 v0, $0x2;
	v1 =	vsel vm0, s26, v1;
	[sflag:s15] =	ssyncadd.s32 s31  }
0xa4: {  	v1 =	vsel vm15, s19, v1;
	[sflag:s15] =	ssyncpa.u1 $0x1  }
0xa5: {  	[tilespmem:$0xF208] =	vst v1  }
.LBB3_21:
0xa6: {  	s0 =	sadd.s32 $0xF0, s16  }
0xa7: {  	s2 =	smov.u32 s6;
	p1 =	slt.s32 s0, s7  }
0xa8: {  	s2 =	smov.u32 @p1 s0;
	p1 =	sne.s32 s18, s14  }
.Ltmp10:
0xa9: {  	_ = 	snop;
	(pc) =	sbr.rel @!p1 .LBB3_22-.Ltmp10, $3  }
0xaa: {  	_ =	sdelay $0x1  }
0xab: {  	s19 =	smov.u32 s17;
	s31 =	sadd.s32 $0x1, s18;
	s17 =	smov.u32 s16  }
0xac: {  	p0 =	por !p0, !p0;
	s18 =	smov.u32 s31;
	s16 =	smov.u32 s2  }
.LBB3_3:
0xad: {  	p1 =	sge.u32 s18, s12  }
0xae: {  	s0 =	smulhi.u32 @!p1 $0xAAAAAAAB, s18  }
0xaf: {  	s2 =	smov.u32 s16;
	p2 =	sgt.s32 @!p1 s16, $0x29720  }
0xb0: {  	s20 =	sshra.s32 @!p1 s16, $0x1F;
	p2 =	por !p2, p1;
	s0 =	sshrl.u32 @!p1 s0, $0x1  }
0xb1: {  	s20 =	sand.u32 @!p1 s20, s16;
	s2 =	simm.s32 @p2 $0x29720;
	s0 =	smul.u32 @!p1 $0x3, s0  }
0xb2: {  	s2 =	ssub.s32 @!p1 s2, s20  }
0xb3: {  	s2 =	sadd.s32 @!p1 $0xFFFD68E0, s2;
	s0 =	ssub.s32 @!p1 s18, s0  }
0xb4: {  	s20 =	sshll.u32 @!p1 s2, $0x2;
	p2 =	sgt.s32 @!p1 s2, $0xEF;
	s0 =	smul.u32 @!p1 $0x3C0, s0  }
0xb5: {  	s21 =	sand.u32 @!p1 $0x7, s16;
	s2 =	ssub.s32 @!p1 $0x3C0, s20;
	p2 =	por !p2, p1  }
0xb6: {  	s20 =	sshrl.u32 @!p1 s16, $0x3;
	s2 =	sshrl.u32 @!p1 s2, $0x2;
	s0 =	sshrl.u32 @!p1 s0, $0x2  }
0xb7: {  	s20 =	sadd.s32 @!p1 s5, s20;
	s2 =	simm.s32 @!p2 $0x0;
	s0 =	sadd.s32 @!p1 $0x10238, s0  }
0xb8: {  	[tilespmem:s0], [sflag:$0x8] =	stream.linear.gather @!p1 [hbm4b:s20+s21], s2, $0x38;
	[tilespmem:$0x1F6E8] =	vst v63  }
0xb9: {  	s0 =	sadd.s32 $0xFFFFFFFF, s18  }
0xba: {  	p1 =	sge.u32 s0, s12  }
0xbb: {  	p2 =	sgt.s32 @!p1 s17, $0x29720  }
0xbc: {  	s2 =	smov.u32 s17;
	s20 =	sshra.s32 @!p1 s17, $0x1F;
	p2 =	por !p2, p1  }
0xbd: {  	s20 =	sand.u32 @!p1 s20, s17;
	s2 =	simm.s32 @p2 $0x29720  }
0xbe: {  	s2 =	ssub.s32 @!p1 s2, s20  }
0xbf: {  	s2 =	sadd.s32 @!p1 $0xFFFD68E0, s2  }
0xc0: {  	s21 =	sand.u32 @!p1 $0x1, s0;
	s20 =	sshll.u32 @!p1 s2, $0x2  }
0xc1: {  	p2 =	sgt.s32 @!p1 s2, $0xEF;
	s2 =	ssub.s32 @!p1 $0x3C0, s20;
	s20 =	smulhi.u32 @!p1 $0xAAAAAAAB, s0  }
0xc2: {  	s23 =	smul.u32 @!p1 $0x3C0, s21;
	p2 =	por !p2, p1;
	s2 =	sshrl.u32 @!p1 s2, $0x2  }
0xc3: {  	s22 =	simm.s32 @!p1 $0x8;
	s2 =	simm.s32 @!p2 $0x0;
	s20 =	sshrl.u32 @!p1 s20, $0x1  }
0xc4: {  	s23 =	sshrl.u32 @!p1 s23, $0x2;
	_ =	swait.ge @!p1 [sflag:s22], s2;
	s20 =	smul.u32 @!p1 $0x3, s20  }
0xc5: {  	s23 =	sor.u32 @!p1 $0x10508, s23;
	s24 =	ssub.s32 @!p1 $0x0, s2;
	[sflag:s22] =	ssyncset.done @!p1 $0x0  }
0xc6: {  	[sflag:s22] =	ssyncadd.s32 @!p1 s24;
	s22 =	sshrl.u32 @!p1 s17, $0x3;
	s0 =	ssub.s32 @!p1 s0, s20  }
0xc7: {  	s24 =	sand.u32 @!p1 $0x7, s17;
	s22 =	sadd.s32 @!p1 s3, s22;
	s0 =	smul.u32 @!p1 $0x3C0, s0  }
0xc8: {  	[tilespmem:s23], [sflag:$0x9] =	stream.linear.gather @!p1 [hbm4b:s22+s24], s2, $0x38;
	[tilespmem:$0x1F6E8] =	vst v63  }
0xc9: {  	s20 =	ssub.s32 @!p1 $0x29810, s17;
	s2 =	smul.u32 @!p1 $0x1E000, s21  }
0xca: {  	p2 =	slt.s32 @!p1 s20, $0xF0  }
0xcb: {  	p2 =	por !p2, p1;
	s0 =	sshrl.u32 @!p1 s0, $0x2;
	s2 =	sshrl.u32 @!p1 s2, $0x2  }
0xcc: {  	s20 =	simm.s32 @p2 $0xF0;
	s0 =	sadd.s32 @!p1 $0x10238, s0;
	s2 =	sor.u32 @!p1 $0x106E8, s2  }
0xcd: {  	[tilespmem:s2], [sflag:$0x7] =	stream.indirect.gather @!p1 [hbm4b:s4+s20], $0x80, s0, s20, $0xb8;
	[tilespmem:$0x1F6E8] =	vst v63  }
0xce: {  	p1 =	slt.u32 s18, $0x2  }
.Ltmp11:
0xcf: {  	_ = 	snop;
	(pc) =	sbr.rel @p1 .LBB3_21-.Ltmp11, $1  }
0xd0: {  	_ =	sdelay $0x3  }
0xd1: {  	p1 =	sgt.s32 s19, $0x29720;
	s0 =	smov.u32 s19  }
0xd2: {  	s2 =	sshra.s32 s19, $0x1F;
	s20 =	ssub.s32 $0x29810, s19;
	s0 =	simm.s32 @!p1 $0x29720  }
0xd3: {  	s2 =	sand.u32 s2, s19;
	p1 =	slt.s32 s20, $0xF0;
	s21 =	smov.u32 s20  }
0xd4: {  	s0 =	ssub.s32 s0, s2;
	s21 =	simm.s32 @!p1 $0xF0  }
0xd5: {  	s0 =	sadd.s32 $0xFFFD68E0, s0;
	s28 =	sshll.u32 s21, $0x7  }
0xd6: {  	s29 =	sshll.u32 s0, $0x2;
	s2 =	sand.u32 $0x3FFFFF80, s28  }
0xd7: {  	p1 =	sgt.s32 s0, $0xEF;
	s30 =	ssub.s32 $0x3C0, s29;
	_ =	swait.ge [sflag:s9], s2  }
0xd8: {  	s2 =	ssub.s32 $0x0, s2;
	[sflag:s9] =	ssyncset.done $0x0;
	s0 =	sshrl.u32 s30, $0x2  }
0xd9: {  	[sflag:s9] =	ssyncadd.s32 s2;
	s0 =	simm.s32 @p1 $0x0  }
0xda: {  	_ =	swait.ge [sflag:s10], s0  }
0xdb: {  	s0 =	ssub.s32 $0x0, s0;
	[sflag:s10] =	ssyncset.done $0x0  }
0xdc: {  	[sflag:s10] =	ssyncadd.s32 s0  }
0xdd: {  	v1 =	vld [tilespmem:$0xF208];
	_ =	sdelay $0x4  }
0xde: {  	(v2sf) =	vpush v1, $0x0  }
0xdf: {  	(v2sf) =	vpush v1, $0x1  }
0xe0: {  	(v2sf) =	vpush v1, $0x2;
	_ =	sdelay $0x3  }
0xe1: {  	s0 =	sadd.s32 $0xF0, s19  }
0xe2: {  	p1 =	slt.s32 s7, s0  }
0xe3: {  	s0 =	smov.u32 @p1 s7;
	p1 =	sgt.s32 s20, $0x0  }
0xe4: {  	s23 =	ssub.s32 s0, s19;
	s20 =	simm.s32 @!p1 $0x0  }
0xe5: {  	p1 =	slt.s32 s20, s23  }
0xe6: {  	s23 =	smov.u32 @p1 s20  }
0xe7: {  	s22 =	simm.s32 $0x1;
	p1 =	slt.s32 s23, $0x1  }
.Ltmp12:
0xe8: {  	s22 =	simm.s32 @!p0 $0x0;
	(pc) =	sbr.rel @p1 .LBB3_8-.Ltmp12, $4  }
0xe9: {  	s31 =	smul.u32 $0x3C0, s22  }
0xea: {  	s24 =	spop (v2sf)  }
0xeb: {  	s0 =	sshrl.u32 s31, $0x2;
	s26 =	spop (v2sf)  }
0xec: {  	s20 =	sor.u32 $0x10508, s0;
	s19 =	spop (v2sf)  }
0xed: {  	s0 =	smin.u32 s23, $0x10  }
0xee: {  	v1 =	vmov s0  }
0xef: {  	p2 =	sgt.s32 s23, $0x10;
	vm1 =	vgt.u32 v1, v0  }
.Ltmp13:
0xf0: {  	_ = 	snop;
	(pc) =	sbr.rel @!p2 .LBB3_7-.Ltmp13, $2  }
0xf1: {  	_ =	sdelay $0x2  }
0xf2: {  	s25 =	simm.s32 $0x10;
	s28 =	sadd.s32 $0xFFFFFFF0, s23;
	s21 =	smov.u32 s20;
	vm0 =	vmmov vm1  }
.LBB3_6:
0xf3: {  	s0 =	smin.u32 s28, $0x10;
	s25 =	sadd.s32 $0x10, s25;
	v1 =	vld.msk [tilespmem:s21+$0x0 ss:$0x1], vm1  }
0xf4: {  	v2 =	vmov s0;
	p2 =	slt.s32 s25, s23  }
0xf5: {  	vm1 =	vgt.u32 v2, v0  }
.Ltmp14:
0xf6: {  	(pc) =	sbr.rel @p2 .LBB3_6-.Ltmp14, $3  }
0xf7: {  	_ =	sdelay $0x1  }
0xf8: {  	v1 =	vshll.u32 v1, $0x4  }
0xf9: {  	s28 =	sadd.s32 $0xFFFFFFF0, s28;
	[tilespmem:s21+$0x0] =	vst.msk vm0, v1;
	s21 =	sadd.s32 $0x10, s21;
	vm0 =	vmmov vm1  }
.LBB3_7:
0xfa: {  	_ =	sdelay $0x4  }
0xfb: {  	v1 =	vld.msk [tilespmem:s21+$0x0 ss:$0x1], vm1;
	_ =	sdelay $0x4  }
0xfc: {  	v1 =	vshll.u32 v1, $0x4  }
0xfd: {  	[tilespmem:s21+$0x0] =	vst.msk vm0, v1  }
.LBB3_8:
0xfe: {  	s0 =	sand.u32 $0x1, s18  }
0xff: {  	s0 =	smul.u32 $0xF0, s0  }
0x100: {  	p2 =	sne.s32 s26, $0xFFFFFFFF  }
0x101: {  	v1 =	vld.msk @!p2 [tilespmem:s0+$0x10508], $0x1;
	_ =	sdelay $0x4  }
0x102: {  	(v2sf) =	vpush @!p2 v1, $0x0;
	_ =	sdelay $0xc  }
.Ltmp15:
0x103: {  	_ = 	snop;
	(pc) =	sbr.rel @p1 .LBB3_19-.Ltmp15, $4  }
0x104: {  	_ = 	snop  }
0x105: {  	s25 =	spop @!p2 (v2sf)  }
0x106: {  	s19 =	simm.s32 @!p2 $0x0;
	s21 =	smov.u32 s25  }
0x107: {  	[sflag:s15] =	ssyncpa.u1 $0x0;
	s25 =	smov.u32 @p2 s24;
	s21 =	smov.u32 @p2 s26  }
0x108: {  	v1 =	vld.msk [tilespmem:s20+$0x0], $0x1;
	_ =	sdelay $0x4  }
0x109: {  	(v2sf) =	vpush v1, $0x0;
	_ =	sdelay $0xe  }
0x10a: {  	s0 =	smul.u32 $0x1E000, s22;
	s29 =	spop (v2sf)  }
0x10b: {  	s23 =	ssub.s32 $0x0, s23;
	p1 =	seq.s32 s25, s29  }
0x10c: {  	s26 =	sadd.s32 $0x1, s23;
	s0 =	sshrl.u32 s0, $0x2;
	p2 =	sgt.s32 @!p1 s25, $0x0  }
0x10d: {  	s22 =	sor.u32 $0x10728, s0;
	s0 =	smov.u32 s25;
	p2 =	por !p2, p1  }
0x10e: {  	s0 =	simm.s32 @p2 $0x0;
	p2 =	seq.s32 s26, $0x0  }
.Ltmp16:
0x10f: {  	_ = 	snop;
	(pc) =	sbr.rel @p2 .LBB3_11-.Ltmp16, $4  }
0x110: {  	_ = 	snop  }
0x111: {  	s24 =	simm.s32 $0x0;
	s28 =	sadd.s32 $0x1, s20;
	s0 =	smin.u32 @!p1 s0, $0x270F0  }
0x112: {  	s30 =	simm.s32 @!p1 $0x1;
	s31 =	simm.s32 @!p1 $0x7988;
	s2 =	sand.u32 @!p1 $0x3FFF8, s0  }
0x113: {  	s30 =	smov.u32 @p1 s24;
	s0 =	sand.u32 @!p1 $0x7, s0;
	s2 =	sadd.s32 @!p1 s1, s2  }
.LBB3_10:
0x114: {  	s8 =	smov.u32 s30  }
0x115: {  	[tilespmem:s31], [sflag:$0x2] =	stream.linear.gather @!p1 [hbm4b:s2+s0], $0x80, $0x38;
	[tilespmem:$0x1F6E8] =	vst v63  }
0x116: {  	s26 =	sadd.s32 $0x1, s26;
	s0 =	smov.u32 s29;
	v1 =	vld.msk [tilespmem:s28+$0x0], $0x1  }
0x117: {  	p2 =	seq.s32 s26, $0x0;
	_ =	sdelay $0x3  }
0x118: {  	(v2sf) =	vpush v1, $0x0;
	_ =	sdelay $0xe  }
0x119: {  	s29 =	spop (v2sf)  }
0x11a: {  	p1 =	seq.s32 s0, s29  }
0x11b: {  	p3 =	sgt.s32 @!p1 s0, $0x0;
	s2 =	sshll.u32 @!p1 s30, $0x9;
	s30 =	sadd.s32 @!p1 $0x1, s30  }
.Ltmp17:
0x11c: {  	p3 =	por !p3, p1;
	s2 =	sshra.s32 @!p1 s2, $0x2;
	(pc) =	sbr.rel @!p2 .LBB3_10-.Ltmp17, $4  }
0x11d: {  	s30 =	smov.u32 @p1 s8;
	s0 =	simm.s32 @p3 $0x0;
	s31 =	sadd.s32 @!p1 $0x7988, s2  }
0x11e: {  	s0 =	smin.u32 @!p1 s0, $0x270F0  }
0x11f: {  	s2 =	sand.u32 @!p1 $0x3FFF8, s0;
	s0 =	sand.u32 @!p1 $0x7, s0  }
0x120: {  	s28 =	sadd.s32 $0x1, s28;
	s2 =	sadd.s32 @!p1 s1, s2  }
.LBB3_11:
0x121: {  	[tilespmem:s31], [sflag:$0x2] =	stream.linear.gather @!p1 [hbm4b:s2+s0], $0x80, $0x38;
	[tilespmem:$0x1F6E8] =	vst v63  }
.Ltmp18:
0x122: {  	s30 =	sshll.u32 s30, $0x7;
	(pc) =	sbr.rel .LBB3_12-.Ltmp18, $4  }
0x123: {  	s31 =	simm.s32 $0x2;
	s0 =	sand.u32 $0x3FFFFF80, s30  }
0x124: {  	_ =	swait.ge [sflag:s31], s0  }
0x125: {  	s0 =	ssub.s32 $0x0, s0;
	[sflag:s31] =	ssyncset.done $0x0  }
0x126: {  	s28 =	simm.s32 $0x0;
	[sflag:s31] =	ssyncadd.s32 s0  }
.LBB3_13:
0x127: {  	v1 =	vld [tilespmem:s22+$0xFFFFFFC0];
	_ =	sdelay $0x3  }
0x128: {  	s0 =	sshra.s32 s0, $0x2  }
0x129: {  	[tilespmem:s0+$0x108] =	vst.add.f32.msk $0xffff, v1  }
0x12a: {  	v1 =	vld [tilespmem:s22+$0xFFFFFFD0];
	_ =	sdelay $0x4  }
0x12b: {  	[tilespmem:s0+$0x118] =	vst.add.f32.msk $0xffff, v1  }
0x12c: {  	v1 =	vld [tilespmem:s22+$0xFFFFFFE0];
	_ =	sdelay $0x4  }
0x12d: {  	[tilespmem:s0+$0x128] =	vst.add.f32.msk $0xffff, v1  }
0x12e: {  	v1 =	vld [tilespmem:s22+$0xFFFFFFF0];
	_ =	sdelay $0x4  }
0x12f: {  	[tilespmem:s0+$0x138] =	vst.add.f32.msk $0xffff, v1  }
0x130: {  	v1 =	vld [tilespmem:s22+$0x0];
	_ =	sdelay $0x4  }
0x131: {  	[tilespmem:s0+$0x148] =	vst.add.f32.msk $0xffff, v1  }
0x132: {  	v1 =	vld [tilespmem:s22+$0x10];
	_ =	sdelay $0x4  }
0x133: {  	[tilespmem:s0+$0x158] =	vst.add.f32.msk $0xffff, v1  }
0x134: {  	v1 =	vld [tilespmem:s22+$0x20];
	_ =	sdelay $0x4  }
0x135: {  	[tilespmem:s0+$0x168] =	vst.add.f32.msk $0xffff, v1  }
0x136: {  	v1 =	vld [tilespmem:s22+$0x30];
	_ =	sdelay $0x4  }
0x137: {  	[tilespmem:s0+$0x178] =	vst.add.f32.msk $0xffff, v1  }
.LBB3_17:
0x138: {  	s23 =	sadd.s32 $0x1, s23  }
0x139: {  	p1 =	seq.s32 s23, $0x0  }
.Ltmp19:
0x13a: {  	_ = 	snop;
	(pc) =	sbr.rel @p1 .LBB3_18-.Ltmp19, $2  }
0x13b: {  	_ =	sdelay $0x2  }
0x13c: {  	s20 =	sadd.s32 $0x1, s20;
	s22 =	sadd.s32 $0x80, s22;
	s25 =	smov.u32 s26  }
.LBB3_12:
0x13d: {  	v1 =	vld.msk [tilespmem:s20+$0x0], $0x1;
	_ =	sdelay $0x4  }
0x13e: {  	(v2sf) =	vpush v1, $0x0;
	_ =	sdelay $0xe  }
0x13f: {  	s26 =	spop (v2sf)  }
0x140: {  	p1 =	sne.s32 s25, s26  }
.Ltmp20:
0x141: {  	_ = 	snop;
	(pc) =	sbr.rel @!p1 .LBB3_13-.Ltmp20, $2  }
0x142: {  	_ =	sdelay $0x2  }
0x143: {  	s0 =	sshll.u32 s19, $0x9  }
0x144: {  	p1 =	seq.s32 s25, s21  }
.Ltmp21:
0x145: {  	_ = 	snop;
	(pc) =	sbr.rel @!p1 .LBB3_15-.Ltmp21, $1  }
0x146: {  	_ =	sdelay $0x3  }
0x147: {  	s0 =	sshra.s32 s0, $0x2  }
.Ltmp22:
0x148: {  	s0 =	sadd.s32 $0x108, s0;
	(pc) =	sbr.rel .LBB3_16-.Ltmp22, $4  }
0x149: {  	[spmem:s13] =	stream.linear.scatter [tilespmem:s0], [sflag:$0x1], $0x80, $0x38;
	[tilespmem:$0x1F6E8] =	vst v63  }
0x14a: {  	_ =	swait.ge [sflag:s11], $0x80  }
0x14b: {  	[sflag:s11] =	ssyncset.done $0x0  }
0x14c: {  	[sflag:s11] =	ssyncadd.s32 $0xFFFFFF80  }
.LBB3_15:
0x14d: {  	s2 =	sshll.u32 s24, $0x9  }
0x14e: {  	s2 =	sshra.s32 s2, $0x2  }
0x14f: {  	v1 =	vld [tilespmem:s2+$0x7988];
	_ =	sdelay $0x3  }
0x150: {  	s0 =	sshra.s32 s0, $0x2  }
0x151: {  	[tilespmem:s0+$0x108] =	vst.add.f32.msk $0xffff, v1  }
0x152: {  	v1 =	vld [tilespmem:s2+$0x7998];
	_ =	sdelay $0x4  }
0x153: {  	[tilespmem:s0+$0x118] =	vst.add.f32.msk $0xffff, v1  }
0x154: {  	v1 =	vld [tilespmem:s2+$0x79A8];
	_ =	sdelay $0x4  }
0x155: {  	[tilespmem:s0+$0x128] =	vst.add.f32.msk $0xffff, v1  }
0x156: {  	v1 =	vld [tilespmem:s2+$0x79B8];
	_ =	sdelay $0x4  }
0x157: {  	[tilespmem:s0+$0x138] =	vst.add.f32.msk $0xffff, v1  }
0x158: {  	v1 =	vld [tilespmem:s2+$0x79C8];
	_ =	sdelay $0x4  }
0x159: {  	[tilespmem:s0+$0x148] =	vst.add.f32.msk $0xffff, v1  }
0x15a: {  	v1 =	vld [tilespmem:s2+$0x79D8];
	_ =	sdelay $0x4  }
0x15b: {  	[tilespmem:s0+$0x158] =	vst.add.f32.msk $0xffff, v1  }
0x15c: {  	v1 =	vld [tilespmem:s2+$0x79E8];
	_ =	sdelay $0x4  }
0x15d: {  	[tilespmem:s0+$0x168] =	vst.add.f32.msk $0xffff, v1  }
0x15e: {  	v1 =	vld [tilespmem:s2+$0x79F8];
	_ =	sdelay $0x2  }
0x15f: {  	p1 =	sgt.u32 s25, $0x270F0  }
0x160: {  	s2 =	sand.u32 @!p1 $0x3FFF8, s25  }
0x161: {  	s8 =	sadd.s32 $0x108, s0;
	[tilespmem:s0+$0x178] =	vst.add.f32.msk $0xffff, v1;
	s0 =	sadd.s32 @!p1 s1, s2;
	s2 =	sand.u32 @!p1 $0x7, s25  }
0x162: {  	[hbm4b:s0+s2] =	stream.linear.scatter @!p1 [tilespmem:s8], [sflag:$0xA], $0x80, $0x38;
	[tilespmem:$0x1F6E8] =	vst v63  }
0x163: {  	s0 =	simm.s32 $0x0  }
0x164: {  	s0 =	simm.s32 @!p1 $0x200  }
0x165: {  	s28 =	sadd.s32 s0, s28  }
.LBB3_16:
0x166: {  	s0 =	sadd.s32 $0x1, s19  }
0x167: {  	s2 =	smulhi.u32 $0x88888889, s0;
	_ =	sdelay $0x1  }
0x168: {  	v1 =	vld [tilespmem:s22+$0xFFFFFFC0];
	s2 =	sshrl.u32 s2, $0x7  }
0x169: {  	s2 =	smul.u32 $0xF0, s2;
	_ =	sdelay $0x1  }
0x16a: {  	s19 =	ssub.s32 s0, s2  }
0x16b: {  	s0 =	sshll.u32 s19, $0x7  }
0x16c: {  	[tilespmem:s0+$0x108] =	vst v1  }
0x16d: {  	v1 =	vld [tilespmem:s22+$0xFFFFFFD0];
	_ =	sdelay $0x4  }
0x16e: {  	[tilespmem:s0+$0x118] =	vst v1  }
0x16f: {  	v1 =	vld [tilespmem:s22+$0xFFFFFFE0];
	_ =	sdelay $0x4  }
0x170: {  	[tilespmem:s0+$0x128] =	vst v1  }
0x171: {  	v1 =	vld [tilespmem:s22+$0xFFFFFFF0];
	_ =	sdelay $0x4  }
0x172: {  	[tilespmem:s0+$0x138] =	vst v1  }
0x173: {  	v1 =	vld [tilespmem:s22+$0x0];
	_ =	sdelay $0x4  }
0x174: {  	[tilespmem:s0+$0x148] =	vst v1  }
0x175: {  	v1 =	vld [tilespmem:s22+$0x10];
	_ =	sdelay $0x4  }
0x176: {  	[tilespmem:s0+$0x158] =	vst v1  }
0x177: {  	v1 =	vld [tilespmem:s22+$0x20];
	_ =	sdelay $0x4  }
0x178: {  	[tilespmem:s0+$0x168] =	vst v1  }
0x179: {  	v1 =	vld [tilespmem:s22+$0x30]  }
.Ltmp23:
0x17a: {  	_ = 	snop;
	(pc) =	sbr.rel .LBB3_17-.Ltmp23, $2  }
0x17b: {  	_ =	sdelay $0x2  }
0x17c: {  	s24 =	sadd.s32 $0x1, s24;
	[tilespmem:s0+$0x178] =	vst v1  }
.LBB3_19:
.Ltmp24:
0x17d: {  	(pc) =	sbr.rel .LBB3_20-.Ltmp24, $4  }
0x17e: {  	_ = 	snop  }
0x17f: {  	s0 =	simm.s32 $0x2  }
0x180: {  	_ =	swait.ge [sflag:s0], $0x0  }
0x181: {  	s26 =	smov.u32 s25;
	[sflag:s0] =	ssyncset.done $0x0;
	s0 =	simm.s32 $0x0  }
.LBB3_22:
0x182: {  	_ =	sfence.sel $0x180000  }
0x183: {  	s0 =	simm.s32 $0x7;
	[bflag:$0x0] =	sbarrier.arrive $0xFFFF  }
0x184: {  	s25 =	simm.s32 $0x8;
	[sflag:s0] =	ssyncpa.u1 $0x1  }
0x185: {  	s26 =	simm.s32 $0x9;
	[sflag:s25] =	ssyncpa.u1 $0x1  }
0x186: {  	s28 =	simm.s32 $0x2;
	[sflag:s26] =	ssyncpa.u1 $0x1  }
0x187: {  	[sflag:s28] =	ssyncpa.u1 $0x1  }
0x188: {  	v0 =	vld [tilespmem:$0xF208];
	_ =	sdelay $0x4  }
0x189: {  	(v2sf) =	vpush v0, $0x0  }
0x18a: {  	(v2sf) =	vpush v0, $0x1;
	_ =	sdelay $0x1  }
0x18b: {  	(v2sf) =	vpush v0, $0x2;
	_ =	sdelay $0xb  }
0x18c: {  	s0 =	spop (v2sf)  }
0x18d: {  	s2 =	spop (v2sf)  }
0x18e: {  	s3 =	smov.u32 s0;
	p0 =	sne.s32 s0, s2  }
0x18f: {  	s4 =	spop (v2sf);
	s3 =	simm.s32 @!p0 $0xFFFFFFFF  }
0x190: {  	v2 =	vimm.s32 $0x1;
	v3 =	vlaneseq.u32;
	p0 =	seq.s32 s4, $0xFFFFFFFF;
	v1 =	vmov s3  }
0x191: {  	s7 =	stileid.u32;
	v0 =	vperm.xlane v0, v2;
	p1 =	sne.s32 @!p0 s0, s2;
	v1 =	vperm.xlane v1, v3  }
0x192: {  	vm0 =	vcmask $0x3F04;
	s6 =	simm.s32 $0xF208;
	s0 =	simm.s32 @!p0 $0x1;
	p1 =	por !p1, p0  }
0x193: {  	s3 =	sshll.u32 s7, $0x1;
	s2 =	sshll.u32 @!p0 s4, $0x9;
	s0 =	simm.s32 @p1 $0x0;
	v0 =	vsel vm0, v1, v0  }
0x194: {  	s5 =	sor.u32 $0x1000, s3;
	s2 =	sshra.s32 @!p0 s2, $0x2;
	s0 =	sor.u32 @!p0 s0, s3;
	[tilespmem:$0xF208] =	vst v0  }
0x195: {  	[spmem:s5] =	stream.linear.scatter [tilespmem:s6], [sflag:$0x1], $0x2, $0x38;
	[tilespmem:$0x1F6E8] =	vst v63  }
0x196: {  	s2 =	sadd.s32 @!p0 $0x108, s2;
	s0 =	sshll.u32 @!p0 s0, $0x7  }
0x197: {  	[spmem:s0] =	stream.linear.scatter @!p0 [tilespmem:s2], [sflag:$0x1], $0x80, $0x38;
	[tilespmem:$0x1F6E8] =	vst v63  }
0x198: {  	s0 =	simm.s32 @!p0 $0x82  }
0x199: {  	s3 =	simm.s32 $0x1;
	s0 =	simm.s32 @p0 $0x2  }
0x19a: {  	_ =	swait.ge [sflag:s3], s0  }
0x19b: {  	s0 =	ssub.s32 $0x0, s0;
	[sflag:s3] =	ssyncset.done $0x0  }
0x19c: {  	[sflag:s3] =	ssyncadd.s32 s0  }
0x19d: {  	_ =	sfence.stream.spmem  }
0x19e: {  	s29 =	simm.s32 $0x3;
	[bflag:$0x0] =	sbarrier.arrive $0xFFFF  }
0x19f: {  	s30 =	simm.s32 $0x4;
	[sflag:s29] =	ssyncpa.u1 $0x1  }
0x1a0: {  	s31 =	simm.s32 $0x3C;
	[sflag:s30] =	ssyncpa.u1 $0x1  }
0x1a1: {  	p0 =	sne.s32 s7, $0x0;
	[sflag:s31] =	ssyncpa.u1 $0x1  }
0x1a2: {  	_ =	sfence @p0  }
0x1a3: {  	[sflag:s3] =	ssyncpa.u1 @p0 $0x1  }
0x1a4: {  	_ =	strace @p0 $0x9000004D  }
0x1a5: {  	[bflag:$0x2] =	sbarrier.arrive @p0 $0xFFFF  }
0x1a6: {  	_ =	shalt @p0  }
.LBB3_23:
0x1a7: {  	_ =	sfence.stream.spmem;
	s0 =	simm.s32 $0x5  }
0x1a8: {  	s2 =	simm.s32 $0x1000;
	s3 =	simm.s32 $0xF218;
	[sflag:s0] =	ssyncpa.u1 $0x0  }
0x1a9: {  	[tilespmem:s3], [sflag:$0x5] =	stream.linear.gather [spmem:s2], $0x20, $0x38;
	[tilespmem:$0x1F6E8] =	vst v63  }
0x1aa: {  	s30 =	simm.s32 $0xF238;
	s2 =	simm.s32 $0x0  }
0x1ab: {  	[tilespmem:s30], [sflag:$0x5] =	stream.linear.gather [spmem:s2], $0x1000, $0x38;
	[tilespmem:$0x1F6E8] =	vst v63  }
.Ltmp25:
0x1ac: {  	_ = 	snop;
	(pc) =	sbr.rel .LBB3_24-.Ltmp25, $4  }
0x1ad: {  	_ =	swait.ge [sflag:s0], $0x1020  }
0x1ae: {  	[sflag:s0] =	ssyncset.done $0x0  }
0x1af: {  	s31 =	simm.s32 $0x6;
	[sflag:s0] =	ssyncadd.s32 $0xFFFFEFE0  }
0x1b0: {  	s3 =	simm.s32 $0x0;
	[sflag:s31] =	ssyncpa.u1 $0x0  }
.LBB3_30:
0x1b1: {  	p0 =	slt.u32 s4, $0x270F1  }
0x1b2: {  	s0 =	sand.u32 @p0 $0x3FFF8, s4  }
0x1b3: {  	s4 =	sand.u32 @p0 $0x7, s4;
	s5 =	simm.s32 @p0 $0xF188;
	s0 =	sadd.s32 @p0 s1, s0  }
0x1b4: {  	[tilespmem:s5], [sflag:$0x6] =	stream.linear.gather @p0 [hbm4b:s0+s4], $0x80, $0x38;
	[tilespmem:$0x1F6E8] =	vst v63  }
0x1b5: {  	s0 =	simm.s32 @p0 $0x6  }
0x1b6: {  	_ =	swait.ge @p0 [sflag:s0], $0x80  }
0x1b7: {  	[sflag:s0] =	ssyncset.done @p0 $0x0  }
0x1b8: {  	[sflag:s0] =	ssyncadd.s32 @p0 $0xFFFFFF80  }
0x1b9: {  	v1 =	vld @p0 [tilespmem:$0xF188];
	_ =	sdelay $0x2  }
0x1ba: {  	s0 =	sshll.u32 @p0 s3, $0x9  }
0x1bb: {  	s4 =	sshrl.u32 @p0 s0, $0x2  }
0x1bc: {  	[tilespmem:s4+$0xF238] =	vst.add.f32.msk @p0 $0xffff, v1  }
0x1bd: {  	v1 =	vld @p0 [tilespmem:$0xF198];
	_ =	sdelay $0x4  }
0x1be: {  	[tilespmem:s4+$0xF248] =	vst.add.f32.msk @p0 $0xffff, v1  }
0x1bf: {  	v1 =	vld @p0 [tilespmem:$0xF1A8];
	_ =	sdelay $0x4  }
0x1c0: {  	[tilespmem:s4+$0xF258] =	vst.add.f32.msk @p0 $0xffff, v1  }
0x1c1: {  	v1 =	vld @p0 [tilespmem:$0xF1B8];
	_ =	sdelay $0x4  }
0x1c2: {  	[tilespmem:s4+$0xF268] =	vst.add.f32.msk @p0 $0xffff, v1  }
0x1c3: {  	v1 =	vld @p0 [tilespmem:$0xF1C8];
	_ =	sdelay $0x4  }
0x1c4: {  	[tilespmem:s4+$0xF278] =	vst.add.f32.msk @p0 $0xffff, v1  }
0x1c5: {  	v1 =	vld @p0 [tilespmem:$0xF1D8];
	_ =	sdelay $0x4  }
0x1c6: {  	[tilespmem:s4+$0xF288] =	vst.add.f32.msk @p0 $0xffff, v1  }
0x1c7: {  	v1 =	vld @p0 [tilespmem:$0xF1E8];
	_ =	sdelay $0x4  }
0x1c8: {  	[tilespmem:s4+$0xF298] =	vst.add.f32.msk @p0 $0xffff, v1  }
0x1c9: {  	v1 =	vld @p0 [tilespmem:$0xF1F8];
	_ =	sdelay $0x3  }
0x1ca: {  	s5 =	sshll.u32 @!p0 s3, $0x9  }
0x1cb: {  	s5 =	smov.u32 @p0 s0;
	[tilespmem:s4+$0xF2A8] =	vst.add.f32.msk @p0 $0xffff, v1  }
0x1cc: {  	s0 =	sshrl.u32 s5, $0x2;
	[tilespmem:s2+$0xF218] =	vst.msk $0x1, v0  }
0x1cd: {  	v0 =	vld [tilespmem:s0+$0xF238];
	_ =	sdelay $0x2  }
0x1ce: {  	s31 =	sshll.u32 s2, $0x9  }
0x1cf: {  	s4 =	sshra.s32 s31, $0x2  }
0x1d0: {  	[tilespmem:s4+$0xF238] =	vst v0  }
0x1d1: {  	v0 =	vld [tilespmem:s0+$0xF248];
	_ =	sdelay $0x4  }
0x1d2: {  	[tilespmem:s4+$0xF248] =	vst v0  }
0x1d3: {  	v0 =	vld [tilespmem:s0+$0xF258];
	_ =	sdelay $0x4  }
0x1d4: {  	[tilespmem:s4+$0xF258] =	vst v0  }
0x1d5: {  	v0 =	vld [tilespmem:s0+$0xF268];
	_ =	sdelay $0x4  }
0x1d6: {  	[tilespmem:s4+$0xF268] =	vst v0  }
0x1d7: {  	v0 =	vld [tilespmem:s0+$0xF278];
	_ =	sdelay $0x4  }
0x1d8: {  	[tilespmem:s4+$0xF278] =	vst v0  }
0x1d9: {  	v0 =	vld [tilespmem:s0+$0xF288];
	_ =	sdelay $0x4  }
0x1da: {  	[tilespmem:s4+$0xF288] =	vst v0  }
0x1db: {  	v0 =	vld [tilespmem:s0+$0xF298];
	_ =	sdelay $0x4  }
0x1dc: {  	[tilespmem:s4+$0xF298] =	vst v0  }
0x1dd: {  	v0 =	vld [tilespmem:s0+$0xF2A8];
	_ =	sdelay $0x4  }
0x1de: {  	s2 =	sadd.s32 $0x1, s2;
	[tilespmem:s4+$0xF2A8] =	vst v0  }
.LBB3_31:
0x1df: {  	s3 =	sadd.s32 $0x1, s3  }
0x1e0: {  	p0 =	sne.s32 s3, $0x20  }
.Ltmp26:
0x1e1: {  	_ = 	snop;
	(pc) =	sbr.rel @!p0 .LBB3_32-.Ltmp26, $1  }
0x1e2: {  	_ =	sdelay $0x3  }
.LBB3_24:
0x1e3: {  	v0 =	vld.msk [tilespmem:s3+$0xF218], $0x1;
	_ =	sdelay $0x4  }
0x1e4: {  	(v2sf) =	vpush v0, $0x0;
	_ =	sdelay $0xe  }
0x1e5: {  	s4 =	spop (v2sf)  }
0x1e6: {  	p0 =	seq.s32 s4, $0xFFFFFFFF  }
.Ltmp27:
0x1e7: {  	_ = 	snop;
	(pc) =	sbr.rel @p0 .LBB3_31-.Ltmp27, $1  }
0x1e8: {  	_ =	sdelay $0x3  }
0x1e9: {  	p0 =	slt.s32 s2, $0x1  }
.Ltmp28:
0x1ea: {  	_ = 	snop;
	(pc) =	sbr.rel @p0 .LBB3_30-.Ltmp28, $1  }
0x1eb: {  	_ =	sdelay $0x3  }
0x1ec: {  	s5 =	simm.s32 $0xF218;
	p0 =	por $0x0, $0x0  }
0x1ed: {  	v1 =	vld.msk @!p0 [tilespmem:s5+$0x0], $0x1;
	_ =	sdelay $0x4  }
0x1ee: {  	(v2sf) =	vpush @!p0 v1, $0x0;
	_ =	sdelay $0xd  }
0x1ef: {  	p2 =	sne.s32 s2, $0x1  }
.Ltmp29:
0x1f0: {  	s0 =	spop @!p0 (v2sf);
	(pc) =	sbr.rel @!p2 .LBB3_28-.Ltmp29, $4  }
0x1f1: {  	p1 =	seq.s32 @!p0 s4, s0  }
0x1f2: {  	s6 =	simm.s32 $0x0;
	p1 =	por !p1, p0  }
0x1f3: {  	s0 =	simm.s32 $0xFFFFFFFF;
	s6 =	simm.s32 @p1 $0xFFFFFFFF  }
0x1f4: {  	s7 =	simm.s32 $0x1;
	s6 =	smov.u32 @p0 s0  }
.LBB3_27:
0x1f5: {  	s0 =	smov.u32 s6;
	p0 =	sne.s32 s6, $0xFFFFFFFF  }
0x1f6: {  	s5 =	sadd.s32 $0x1, s5;
	s6 =	smov.u32 s7;
	s7 =	sadd.s32 $0x1, s7  }
0x1f7: {  	p1 =	sne.s32 s2, s7;
	v1 =	vld.msk @!p0 [tilespmem:s5+$0x0], $0x1;
	_ =	sdelay $0x4  }
0x1f8: {  	(v2sf) =	vpush @!p0 v1, $0x0;
	_ =	sdelay $0xe  }
.Ltmp30:
0x1f9: {  	s8 =	spop @!p0 (v2sf);
	(pc) =	sbr.rel @p1 .LBB3_27-.Ltmp30, $4  }
0x1fa: {  	p2 =	seq.s32 @!p0 s4, s8  }
0x1fb: {  	p2 =	por !p2, p0  }
0x1fc: {  	s6 =	simm.s32 @p2 $0xFFFFFFFF  }
0x1fd: {  	s6 =	smov.u32 @p0 s0  }
.LBB3_28:
0x1fe: {  	p0 =	seq.s32 s6, $0xFFFFFFFF  }
.Ltmp31:
0x1ff: {  	_ = 	snop;
	(pc) =	sbr.rel @p0 .LBB3_30-.Ltmp31, $1  }
0x200: {  	_ =	sdelay $0x3  }
0x201: {  	s0 =	sshll.u32 s3, $0x7  }
0x202: {  	s0 =	sand.u32 $0x3FFFFF80, s0  }
0x203: {  	v0 =	vld [tilespmem:s0+$0xF238];
	_ =	sdelay $0x2  }
0x204: {  	s4 =	sshll.u32 s6, $0x9  }
0x205: {  	s4 =	sshra.s32 s4, $0x2  }
0x206: {  	[tilespmem:s4+$0xF238] =	vst.add.f32.msk $0xffff, v0  }
0x207: {  	v0 =	vld [tilespmem:s0+$0xF248];
	_ =	sdelay $0x4  }
0x208: {  	[tilespmem:s4+$0xF248] =	vst.add.f32.msk $0xffff, v0  }
0x209: {  	v0 =	vld [tilespmem:s0+$0xF258];
	_ =	sdelay $0x4  }
0x20a: {  	[tilespmem:s4+$0xF258] =	vst.add.f32.msk $0xffff, v0  }
0x20b: {  	v0 =	vld [tilespmem:s0+$0xF268];
	_ =	sdelay $0x4  }
0x20c: {  	[tilespmem:s4+$0xF268] =	vst.add.f32.msk $0xffff, v0  }
0x20d: {  	v0 =	vld [tilespmem:s0+$0xF278];
	_ =	sdelay $0x4  }
0x20e: {  	[tilespmem:s4+$0xF278] =	vst.add.f32.msk $0xffff, v0  }
0x20f: {  	v0 =	vld [tilespmem:s0+$0xF288];
	_ =	sdelay $0x4  }
0x210: {  	[tilespmem:s4+$0xF288] =	vst.add.f32.msk $0xffff, v0  }
0x211: {  	v0 =	vld [tilespmem:s0+$0xF298];
	_ =	sdelay $0x4  }
0x212: {  	[tilespmem:s4+$0xF298] =	vst.add.f32.msk $0xffff, v0  }
0x213: {  	v0 =	vld [tilespmem:s0+$0xF2A8]  }
.Ltmp32:
0x214: {  	_ = 	snop;
	(pc) =	sbr.rel .LBB3_31-.Ltmp32, $2  }
0x215: {  	_ =	sdelay $0x2  }
0x216: {  	[tilespmem:s4+$0xF2A8] =	vst.add.f32.msk $0xffff, v0  }
.LBB3_32:
0x217: {  	p0 =	slt.s32 s2, $0x1  }
.Ltmp33:
0x218: {  	_ = 	snop;
	(pc) =	sbr.rel @p0 .LBB3_36-.Ltmp33, $3  }
0x219: {  	_ =	sdelay $0x1  }
0x21a: {  	s0 =	simm.s32 $0x6  }
0x21b: {  	s3 =	simm.s32 $0x0;
	[sflag:s0] =	ssyncpa.u1 $0x1  }
0x21c: {  	s0 =	simm.s32 $0xF218  }
0x21d: {  	v0 =	vld.msk [tilespmem:s0+$0x0], $0x1;
	_ =	sdelay $0x4  }
0x21e: {  	(v2sf) =	vpush v0, $0x0;
	_ =	sdelay $0xd  }
0x21f: {  	s2 =	sadd.s32 $0xFFFFFFFF, s2  }
0x220: {  	p1 =	sne.s32 s2, $0x0;
	s0 =	spop (v2sf)  }
.Ltmp34:
0x221: {  	p0 =	sgt.u32 s0, $0x270F0;
	(pc) =	sbr.rel @!p1 .LBB3_35-.Ltmp34, $4  }
0x222: {  	s4 =	simm.s32 $0xF238;
	s5 =	sand.u32 @!p0 $0x3FFF8, s0  }
0x223: {  	s6 =	simm.s32 $0x0;
	s0 =	sand.u32 @!p0 $0x7, s0;
	s5 =	sadd.s32 @!p0 s1, s5  }
0x224: {  	[hbm4b:s5+s0] =	stream.linear.scatter @!p0 [tilespmem:s4], [sflag:$0x5], $0x80, $0x38;
	[tilespmem:$0x1F6E8] =	vst v63  }
0x225: {  	s6 =	simm.s32 @!p0 $0x200;
	s5 =	simm.s32 $0xF219  }
.LBB3_34:
0x226: {  	v0 =	vld.msk [tilespmem:s5+$0x0], $0x1;
	s2 =	sadd.s32 $0xFFFFFFFF, s2;
	s3 =	sadd.s32 s3, s6  }
0x227: {  	p0 =	sne.s32 s2, $0x0;
	_ =	sdelay $0x3  }
0x228: {  	(v2sf) =	vpush v0, $0x0;
	_ =	sdelay $0xe  }
.Ltmp35:
0x229: {  	s0 =	spop (v2sf);
	(pc) =	sbr.rel @p0 .LBB3_34-.Ltmp35, $4  }
0x22a: {  	s6 =	simm.s32 $0x0;
	p1 =	sgt.u32 s0, $0x270F0  }
0x22b: {  	s4 =	sadd.s32 $0x80, s4;
	s6 =	simm.s32 @!p1 $0x200;
	s7 =	sand.u32 @!p1 $0x3FFF8, s0  }
0x22c: {  	s5 =	sadd.s32 $0x1, s5;
	s0 =	sand.u32 @!p1 $0x7, s0;
	s7 =	sadd.s32 @!p1 s1, s7  }
0x22d: {  	[hbm4b:s7+s0] =	stream.linear.scatter @!p1 [tilespmem:s4], [sflag:$0x5], $0x80, $0x38;
	[tilespmem:$0x1F6E8] =	vst v63  }
.LBB3_35:
0x22e: {  	s0 =	sadd.s32 s3, s6  }
0x22f: {  	s3 =	sshrl.u32 s0, $0x2  }
.LBB3_36:
0x230: {  	s0 =	simm.s32 $0x5  }
0x231: {  	_ =	swait.ge [sflag:s0], s3  }
0x232: {  	s1 =	ssub.s32 $0x0, s3;
	[sflag:s0] =	ssyncset.done $0x0  }
0x233: {  	[sflag:s0] =	ssyncadd.s32 s1  }
0x234: {  	[sflag:s0] =	ssyncpa.u1 $0x1  }
0x235: {  	s30 =	simm.s32 $0x1;
	_ =	sfence  }
0x236: {  	[sflag:s30] =	ssyncpa.u1 $0x1  }
0x237: {  	_ =	strace $0x9000004D  }
0x238: {  	[bflag:$0x2] =	sbarrier.arrive $0xFFFF  }
0x239: {  	s31 =	rddreg [dreg:$0x1]  }
0x23a: {  	s0 =	sadd.s32 $0x100000, s31  }
0x23b: {  	[sflag:s0] =	ssyncadd.tile.s32 $0x1;
	_ =	shalt  }
.Lfunc_end3:
_tile_overlayer_lowered:
.L_overlay_start_3:
0x23c: {  	(tag) =	ssettag $0x3  }
0x23d: {  	s0 =	rddreg [dreg:$0x0];
	s2 =	stileid.u32  }
0x23e: {  	s1 =	rddreg [dreg:$0x1];
	p0 =	sne.s32 s2, $0x0  }
0x23f: {  	s3 =	rddreg [dreg:$0x2];
	[bflag:$0x3] =	sbarrier.arrive $0xFFFF;
	s2 =	simm.s32 @!p0 $0x1C01  }
0x240: {  	[timem:s3], [sflag:s2] =	dma.local @!p0 [hbm:s0], s1  }
0x241: {  	s0 =	simm.s32 @!p0 $0x1  }
0x242: {  	_ =	swait.ge @!p0 [sflag:s0], s1  }
0x243: {  	s1 =	ssub.s32 @!p0 $0x0, s1;
	[sflag:s0] =	ssyncset.done @!p0 $0x0  }
0x244: {  	[sflag:s0] =	ssyncadd.s32 @!p0 s1  }
0x245: {  	[bflag:$0x3] =	sbarrier.arrive $0xFFFF  }
0x246: {  	_ =	shalt  }

// kernel: scatter_offload_async_start.2
scs
__scs_entry_jumppad:
0x0: {  	(pc) =	sbr.rel $0x88, $3  }
0x1: {  	(tag) =	ssettag $0x0;
	lr =	simm.s32 $0x1  }
0x2: {  	[smem:$0x3F97] =	sst lr;
	_ =	strace $0xD0000000  }
0x3: {  	_ = 	snop  }
0x4: {  	_ = 	snop  }
0x5: {  	_ = 	snop  }
0x6: {  	_ = 	snop  }
0x7: {  	_ = 	snop  }
__scs_overlays_trampoline_lowered:
0x8: {  	[smem:$0x3FA6] =	sst s0  }
0x9: {  	[smem:$0x3FA7] =	sst s1  }
0xa: {  	[smem:$0x3FA8] =	sst s2  }
0xb: {  	[smem:$0x3FA9] =	sst s3  }
0xc: {  	[smem:$0x3FAA] =	sst s4  }
0xd: {  	[smem:$0x3FAB] =	sst s5  }
0xe: {  	[smem:$0x3FAC] =	sst s6  }
0xf: {  	[smem:$0x3FAD] =	sst s7  }
0x10: {  	[smem:$0x3FAE] =	sst s8  }
0x11: {  	[smem:$0x3FAF] =	sst s9;
	s0 =	simm.s32 @!p0 $0x0  }
0x12: {  	s1 =	sld [smem:$0x3F95];
	s0 =	simm.s32 @p0 $0x1  }
0x13: {  	[smem:$0x3FB0] =	sst s0;
	s0 =	simm.s32 @!p1 $0x0  }
0x14: {  	s2 =	sld [smem:$0x3F94];
	s0 =	simm.s32 @p1 $0x1  }
0x15: {  	[smem:$0x3FB1] =	sst s0;
	s0 =	simm.s32 @!p2 $0x0  }
0x16: {  	s3 =	sld [smem:$0x3FDB];
	s0 =	simm.s32 @p2 $0x1  }
0x17: {  	s4 =	simm.s32 $0x1BF5;
	[smem:$0x3FB3] =	sst s0  }
0x18: {  	s0 =	sld [smem:$0x3F96];
	_ =	swait.ge [sflag:s4], $0x0  }
0x19: {  	s7 =	sld [smem:$0x3F97]  }
0x1a: {  	s8 =	sadd.s32 $0xFFFFE003, lr  }
0x1b: {  	s9 =	sadd.s32 $0xFFFFFEF7, lr;
	s5 =	simm.s32 $0xFFFFFFFF;
	p2 =	slt.u32 s8, $0xFFFFF086  }
0x1c: {  	p1 =	slt.u32 s9, $0xF7A;
	s5 =	simm.s32 @!p2 $0x0  }
0x1d: {  	s5 =	simm.s32 @p1 $0x1;
	p0 =	seq.s32 s7, s2  }
0x1e: {  	s7 =	smul.u32 @!p0 $0xF7A, s2;
	p2 =	seq.s32 @!p0 s5, $0x0  }
0x1f: {  	s9 =	smul.u32 $0xF7A, s1;
	s8 =	simm.s32 @!p0 $0x1BF5;
	p2 =	por !p2, p0  }
0x20: {  	[sflag:s8] =	ssyncset.s32 @!p0 $0xFFFFF086;
	s6 =	sadd.s32 @!p0 s3, s7;
	s7 =	simm.s32 @!p0 $0x108  }
0x21: {  	s3 =	sadd.s32 s3, s9;
	s6 =	sadd.s32 @!p0 $0x88, s6;
	s7 =	simm.s32 @p2 $0x1082  }
0x22: {  	[simem:s7], [sflag:s8] =	dma.local @!p0 [hbm:s6], $0xF7A  }
0x23: {  	s9 =	sor.u32 $0xD0000000, s2;
	s6 =	simm.s32 $0x108;
	_ =	swait.ge @!p0 [sflag:s8], $0x0  }
0x24: {  	s3 =	sadd.s32 $0x88, s3;
	s6 =	simm.s32 @!p1 $0x1082;
	[sflag:s4] =	ssyncset.s32 $0xFFFFF086  }
0x25: {  	[simem:s6], [sflag:s4] =	dma.local [hbm:s3], $0xF7A  }
0x26: {  	[smem:$0x3F97] =	sst s1;
	(tag) =	ssettag s2;
	_ =	strace s9  }
0x27: {  	s1 =	sld [smem:$0x3FA7]  }
0x28: {  	s2 =	sld [smem:$0x3FA8]  }
0x29: {  	s4 =	sld [smem:$0x3FAA]  }
0x2a: {  	p0 =	seq.s32 s5, $0x0;
	s5 =	sld [smem:$0x3FAB]  }
0x2b: {  	s6 =	sld [smem:$0x3FAC]  }
0x2c: {  	s7 =	sld [smem:$0x3FAD]  }
0x2d: {  	s3 =	simm.s32 $0x108;
	s8 =	sld [smem:$0x3FAE]  }
0x2e: {  	s3 =	simm.s32 @!p0 $0x1082;
	s9 =	sld [smem:$0x3FAF]  }
0x2f: {  	lr =	sadd.s32 s0, s3;
	s0 =	sld [smem:$0x3FA6]  }
0x30: {  	s3 =	sld [smem:$0x3FA9]  }
0x31: {  	[smem:$0x3FB2] =	sst s10  }
0x32: {  	s10 =	sld [smem:$0x3FB0];
	_ =	sdelay $0x3  }
0x33: {  	p0 =	seq.s32 s10, $0x1;
	s10 =	sld [smem:$0x3FB2];
	_ =	sdelay $0x3  }
0x34: {  	[smem:$0x3FB2] =	sst s10  }
0x35: {  	s10 =	sld [smem:$0x3FB1];
	_ =	sdelay $0x3  }
0x36: {  	p1 =	seq.s32 s10, $0x1;
	s10 =	sld [smem:$0x3FB2];
	_ =	sdelay $0x3  }
0x37: {  	[smem:$0x3FB2] =	sst s10  }
0x38: {  	s10 =	sld [smem:$0x3FB3]  }
0x39: {  	_ = 	snop;
	(pc) =	sbr.ind lr, $3  }
0x3a: {  	_ = 	snop  }
0x3b: {  	_ = 	snop  }
0x3c: {  	p2 =	seq.s32 s10, $0x1;
	s10 =	sld [smem:$0x3FB2]  }
0x3d: {  	_ =	shalt  }
0x3e: {  	_ =	shalt  }
0x3f: {  	_ =	shalt  }
0x40: {  	_ =	shalt  }
0x41: {  	_ =	shalt  }
0x42: {  	_ =	shalt  }
0x43: {  	_ =	shalt  }
0x44: {  	_ =	shalt  }
0x45: {  	_ =	shalt  }
0x46: {  	_ =	shalt  }
0x47: {  	_ =	shalt  }
0x48: {  	_ =	shalt  }
0x49: {  	_ =	shalt  }
0x4a: {  	_ =	shalt  }
0x4b: {  	_ =	shalt  }
0x4c: {  	_ =	shalt  }
0x4d: {  	_ =	shalt  }
0x4e: {  	_ =	shalt  }
0x4f: {  	_ =	shalt  }
0x50: {  	_ =	shalt  }
0x51: {  	_ =	shalt  }
0x52: {  	_ =	shalt  }
0x53: {  	_ =	shalt  }
0x54: {  	_ =	shalt  }
0x55: {  	_ =	shalt  }
0x56: {  	_ =	shalt  }
0x57: {  	_ =	shalt  }
0x58: {  	_ =	shalt  }
0x59: {  	_ =	shalt  }
0x5a: {  	_ =	shalt  }
0x5b: {  	_ =	shalt  }
0x5c: {  	_ =	shalt  }
0x5d: {  	_ =	shalt  }
0x5e: {  	_ =	shalt  }
0x5f: {  	_ =	shalt  }
0x60: {  	_ =	shalt  }
0x61: {  	_ =	shalt  }
0x62: {  	_ =	shalt  }
0x63: {  	_ =	shalt  }
0x64: {  	_ =	shalt  }
0x65: {  	_ =	shalt  }
0x66: {  	_ =	shalt  }
0x67: {  	_ =	shalt  }
0x68: {  	_ =	shalt  }
0x69: {  	_ =	shalt  }
0x6a: {  	_ =	shalt  }
0x6b: {  	_ =	shalt  }
0x6c: {  	_ =	shalt  }
0x6d: {  	_ =	shalt  }
0x6e: {  	_ =	shalt  }
0x6f: {  	_ =	shalt  }
0x70: {  	_ =	shalt  }
0x71: {  	_ =	shalt  }
0x72: {  	_ =	shalt  }
0x73: {  	_ =	shalt  }
0x74: {  	_ =	shalt  }
0x75: {  	_ =	shalt  }
0x76: {  	_ =	shalt  }
0x77: {  	_ =	shalt  }
0x78: {  	_ =	shalt  }
0x79: {  	_ =	shalt  }
0x7a: {  	_ =	shalt  }
0x7b: {  	_ =	shalt  }
0x7c: {  	_ =	shalt  }
0x7d: {  	_ =	shalt  }
0x7e: {  	_ =	shalt  }
0x7f: {  	_ =	shalt  }
0x80: {  	_ =	shalt  }
0x81: {  	_ =	shalt  }
0x82: {  	_ =	shalt  }
0x83: {  	_ =	shalt  }
0x84: {  	_ =	shalt  }
0x85: {  	_ =	shalt  }
0x86: {  	_ =	shalt  }
0x87: {  	_ =	shalt  }
.Lfunc_end0:
.L_simem_size_0:
called_computation.2_lowered:
.L_overlay_start_0:
0x88: {  	s0 =	sld [smem:$0x3FD9]  }
0x89: {  	s1 =	sld [smem:$0x3FFE];
	_ =	sdelay $0x3  }
0x8a: {  	s0 =	sadd.s32 s1, s0  }
0x8b: {  	[smem:$0x3FBE] =	sst s0  }
0x8c: {  	_ = 	snop  }
0x8d: {  	s14 =	sld [smem:$0x3FD0];
	(tm) =	ssettm $0x1  }
0x8e: {  	s15 =	sld [smem:$0x3FFB];
	_ =	sdelay $0x3  }
0x8f: {  	_ =	strace s15  }
0x90: {  	s0 =	sld [smem:$0x3FFC];
	_ =	sdelay $0x3  }
0x91: {  	_ =	strace s0  }
0x92: {  	s0 =	sld [smem:$0x3FFD];
	_ =	sdelay $0x3  }
0x93: {  	_ =	strace s0  }
0x94: {  	_ =	strace $0x8FFFFFFF  }
0x95: {  	s16 =	sld [smem:$0x3FDB];
	_ =	sdelay $0x1  }
0x96: {  	s2 =	simm.s32 $_scs_section_size  }
0x97: {  	s3 =	simm.s32 $_size__tile_overlayer_lowered;
	s4 =	simm.s32 $_tile_overlayer_lowered  }
0x98: {  	s5 =	simm.s32 $0x1BFF;
	s17 =	sshll.u32 s4, $0x1;
	s2 =	sadd.s32 s2, s16  }
0x99: {  	s18 =	simm.s32 $0x0;
	s3 =	sshll.u32 s3, $0x1;
	s4 =	sadd.s32 s17, s2  }
0x9a: {  	[timem:s18], [sflag:s5] =	dma.local [hbm:s4], s3  }
0x9b: {  	_ =	swait.ge [sflag:s5], s3  }
0x9c: {  	s3 =	ssub.s32 $0x0, s3;
	[sflag:s5] =	ssyncset.done $0x0  }
0x9d: {  	[sflag:s5] =	ssyncadd.s32 s3;
	_ =	sdelay $0x1  }
0x9e: {  	s19 =	simm.s32 $0x1B8B  }
0x9f: {  	_ =	swait.ge [sflag:s19], $0x1  }
0xa0: {  	[sflag:s19] =	ssyncset.done $0x0  }
0xa1: {  	s21 =	simm.s32 $0x1B8E;
	s20 =	sld [smem:$0x3FFE];
	[sflag:s19] =	ssyncadd.s32 $0xFFFFFFFF  }
0xa2: {  	s22 =	simm.s32 $execute0_lowered;
	[smem:$0x3FD2] =	sst s21  }
0xa3: {  	s4 =	sshll.u32 s22, $0x1;
	_ =	strace $0x8000004F;
	[dreg:$0x1] =	wrdreg $0xFFFFFFFF  }
0xa4: {  	s23 =	simm.s32 $_size_execute0_lowered;
	s4 =	sadd.s32 s2, s4;
	[dreg:$0x0] =	wrdreg $0x0  }
0xa5: {  	s5 =	sshll.u32 s23, $0x1;
	[dreg:$0x2] =	wrdreg s4  }
0xa6: {  	[dreg:$0x3] =	wrdreg s5  }
0xa7: {  	[dreg:$0x4] =	wrdreg $0xC0  }
0xa8: {  	s24 =	simm.s32 $execute1_lowered;
	_ =	task [dreg:s18], $0x5FFFF  }
0xa9: {  	s4 =	sshll.u32 s24, $0x1;
	[dreg:$0x1] =	wrdreg $0xFFFFFFFF  }
0xaa: {  	s2 =	sadd.s32 s2, s4;
	[dreg:$0x0] =	wrdreg $0x60  }
0xab: {  	[dreg:$0x2] =	wrdreg s2  }
0xac: {  	[dreg:$0x3] =	wrdreg s14  }
0xad: {  	[dreg:$0x4] =	wrdreg s20  }
0xae: {  	[dreg:$0x5] =	wrdreg $0xB  }
0xaf: {  	_ =	task.clear_ibuf [dreg:s18], $0x6FFFF;
	_ =	strace $0x9000004F  }
0xb0: {  	s25 =	simm.s32 $0xB;
	_ =	strace $0x80000051  }
0xb1: {  	_ =	swait.ge [sflag:s25], $0x1  }
0xb2: {  	[sflag:s25] =	ssyncadd.s32 $0xFFFFFFFF  }
0xb3: {  	_ =	strace $0x90000051  }
0xb4: {  	_ =	strace $0x80000052;
	[dreg:$0x1] =	wrdreg $0xFFFFFFFF  }
0xb5: {  	[dreg:$0x0] =	wrdreg $0x2030  }
0xb6: {  	[dreg:$0x2] =	wrdreg s20  }
0xb7: {  	[dreg:$0x3] =	wrdreg $0xC  }
0xb8: {  	_ =	task.clear_ibuf [dreg:s18], $0x4FFFF;
	_ =	strace $0x90000052  }
0xb9: {  	s26 =	simm.s32 $0xC;
	_ =	strace $0x80000054  }
0xba: {  	_ =	swait.ge [sflag:s26], $0x1  }
0xbb: {  	[sflag:s26] =	ssyncadd.s32 $0xFFFFFFFF  }
0xbc: {  	_ =	strace $0x90000054  }
0xbd: {  	_ =	sfence  }
0xbe: {  	s28 =	sld [smem:$0x0];
	_ =	sdelay $0x1  }
0xbf: {  	s29 =	srdreg.scid  }
0xc0: {  	s30 =	sshll.u32 s29, $0xD;
	s31 =	sshrl.u32 s29, $0x2  }
0xc1: {  	s3 =	sand.u32 $0x4000, s30;
	s2 =	sand.u32 $0x1, s29;
	s1 =	sadd.s32 s31, s28  }
0xc2: {  	s2 =	sor.u32 s3, s2;
	s1 =	sshll.u32 s1, $0x11  }
0xc3: {  	s1 =	sor.u32 s1, s2  }
0xc4: {  	s1 =	sadd.s32 $0x8F2B, s1  }
0xc5: {  	[sflag:s1] =	ssyncadd.remote.s32 $0x1  }
0xc6: {  	_ =	sfence.sel $0xFFFF  }
0xc7: {  	[dreg:$0x0] =	wrdreg $0xFFFFFFFF;
	(pc) =	sbr.abs _section_cstart, $3  }
0xc8: {  	[dreg:$0x1] =	wrdreg $0xFFFFFFFF  }
0xc9: {  	_ =	task.clear_ibuf [dreg:s18], $0x2FFFF;
	_ =	strace $0x9FFFFFFF  }
0xca: {  	(tm) =	ssettm $0x7FFFFFFF  }
0xcb: {  	_ =	shalt  }
tec
execute0_lowered:
.L_overlay_start_1:
0x0: {  	(tag) =	ssettag $0x1  }
0x1: {  	s3 =	rddreg [dreg:$0x0]  }
0x2: {  	s2 =	rddreg [dreg:$0x1]  }
0x3: {  	s4 =	rddreg [dreg:$0x2]  }
0x4: {  	s0 =	rddreg [dreg:$0x3];
	s5 =	stileid.u32;
	[bflag:$0x3] =	sbarrier.arrive $0xFFFF  }
0x5: {  	s1 =	simm.s32 $_size_execute1_lowered;
	s31 =	simm.s32 $0x2;
	p0 =	sne.s32 s5, $0x0  }
0x6: {  	s1 =	sshll.u32 s1, $0x1;
	s6 =	simm.s32 @!p0 $0x1C3F;
	s7 =	simm.s32 @!p0 $0x4060  }
0x7: {  	[timem:s7], [sflag:s6] =	dma.local @!p0 [hbm:s3], s1  }
.Ltmp0:
0x8: {  	s8 =	simm.s32 $0x0;
	s12 =	simm.s32 $0x0;
	(pc) =	sbr.rel .LBB2_1-.Ltmp0, $4  }
0x9: {  	s10 =	simm.s32 $0x0;
	s11 =	simm.s32 $0x0;
	s3 =	sshll.u32 s5, $0x7  }
0xa: {  	s5 =	simm.s32 $0x1;
	_ =	strace $0x80000050;
	s30 =	ssub.s32 $0x2700, s3  }
0xb: {  	s4 =	sadd.s32 $0x15000, s4;
	[sflag:s5] =	ssyncpa.u1 $0x0;
	s6 =	sshrl.u32 s30, $0xB  }
0xc: {  	s9 =	smov.u32 s3;
	[sflag:s31] =	ssyncpa.u1 $0x0;
	s7 =	sadd.s32 $0x2, s6  }
.LBB2_4:
0xd: {  	_ = 	snop  }
.LBB2_7:
0xe: {  	_ =	sdelay $0x3  }
0xf: {  	[tilespmem:v0+s16+$0x0 ss:$0x1] =	vst.idx.msk @p1 $0xffff, v2  }
0x10: {  	v56 =	vld.idx.msk [tilespmem:v1+s15+$0x0 ss:$0x1], $0xffff;
	s24 =	sor.u32 $0x70, s15;
	[tilespmem:v0+s17+$0x0 ss:$0x1] =	vst.idx.msk @p1 $0xffff, v4  }
0x11: {  	s25 =	sor.u32 $0x10, s15;
	[tilespmem:v0+s18+$0x0 ss:$0x1] =	vst.idx.msk @p1 $0xffff, v3;
	v57 =	vld.idx.msk [tilespmem:v1+s24+$0x0 ss:$0x1], $0xffff  }
0x12: {  	s26 =	sor.u32 $0x20, s15;
	[tilespmem:v0+s19+$0x0 ss:$0x1] =	vst.idx.msk @p1 $0xffff, v5;
	v58 =	vld.idx.msk [tilespmem:v1+s25+$0x0 ss:$0x1], $0xffff  }
0x13: {  	s28 =	sor.u32 $0x30, s15;
	[tilespmem:v0+s20+$0x0 ss:$0x1] =	vst.idx.msk @p1 $0xffff, v6;
	v59 =	vld.idx.msk [tilespmem:v1+s26+$0x0 ss:$0x1], $0xffff  }
0x14: {  	s29 =	sor.u32 $0x40, s15;
	[tilespmem:v0+s21+$0x0 ss:$0x1] =	vst.idx.msk @p1 $0xffff, v7;
	v60 =	vld.idx.msk [tilespmem:v1+s28+$0x0 ss:$0x1], $0xffff  }
0x15: {  	s30 =	sor.u32 $0x50, s15;
	v61 =	vld.idx.msk [tilespmem:v1+s29+$0x0 ss:$0x1], $0xffff;
	[tilespmem:v0+s15+$0x0 ss:$0x1] =	vst.idx.msk $0xffff, v56  }
0x16: {  	s31 =	sor.u32 $0x60, s15;
	v62 =	vld.idx.msk [tilespmem:v1+s30+$0x0 ss:$0x1], $0xffff;
	[tilespmem:v0+s24+$0x0 ss:$0x1] =	vst.idx.msk $0xffff, v57  }
0x17: {  	v63 =	vld.idx.msk [tilespmem:v1+s31+$0x0 ss:$0x1], $0xffff;
	[tilespmem:v0+s25+$0x0 ss:$0x1] =	vst.idx.msk $0xffff, v58  }
0x18: {  	[tilespmem:v0+s26+$0x0 ss:$0x1] =	vst.idx.msk $0xffff, v59  }
0x19: {  	[tilespmem:v0+s28+$0x0 ss:$0x1] =	vst.idx.msk $0xffff, v60  }
0x1a: {  	[tilespmem:v0+s29+$0x0 ss:$0x1] =	vst.idx.msk $0xffff, v61  }
0x1b: {  	[tilespmem:v0+s30+$0x0 ss:$0x1] =	vst.idx.msk $0xffff, v62  }
0x1c: {  	[tilespmem:v0+s31+$0x0 ss:$0x1] =	vst.idx.msk $0xffff, v63  }
.LBB2_8:
0x1d: {  	s15 =	sand.u32 $0x1FFFFFF, s10  }
0x1e: {  	s16 =	smulhi.u32 $0x1A36E2F, s15;
	_ =	sdelay $0x1  }
0x1f: {  	s16 =	sshrl.u32 s16, $0x6  }
0x20: {  	s16 =	smul.u32 $0x2710, s16;
	_ =	sdelay $0x1  }
0x21: {  	s15 =	ssub.s32 s15, s16  }
0x22: {  	s15 =	sshll.u32 s15, $0x4  }
0x23: {  	s15 =	sadd.s32 s4, s15  }
0x24: {  	[hbm4b:s15+s8] =	stream.linear.scatter [tilespmem:s14], [sflag:$0x2], s13, $0x38;
	[tilespmem:$0x10000] =	vst v63  }
.LBB2_9:
0x25: {  	p1 =	slt.u32 s11, $0x2  }
0x26: {  	p2 =	sgt.s32 @!p1 s12, $0x2690  }
0x27: {  	s13 =	smov.u32 s12;
	s14 =	sshra.s32 @!p1 s12, $0x1F;
	p2 =	por !p2, p1  }
0x28: {  	s12 =	sand.u32 @!p1 s14, s12;
	s13 =	simm.s32 @p2 $0x2690  }
0x29: {  	s12 =	ssub.s32 @!p1 s13, s12  }
0x2a: {  	s12 =	sadd.s32 @!p1 $0xFFFFD970, s12  }
0x2b: {  	s13 =	sshll.u32 @!p1 s12, $0x9  }
0x2c: {  	p2 =	sgt.s32 @!p1 s12, $0x7F;
	s12 =	ssub.s32 @!p1 $0x10000, s13  }
0x2d: {  	s14 =	sadd.s32 $0x800, s9;
	p2 =	por !p2, p1;
	s12 =	sshrl.u32 @!p1 s12, $0x2  }
0x2e: {  	s12 =	simm.s32 @!p2 $0x0;
	p2 =	sgt.s32 s14, $0x270F  }
0x2f: {  	s14 =	smov.u32 @p2 s3;
	p2 =	sne.s32 s11, s7  }
.Ltmp1:
0x30: {  	_ = 	snop;
	(pc) =	sbr.rel @!p2 .LBB2_10-.Ltmp1, $4  }
0x31: {  	s13 =	simm.s32 @!p1 $0x2  }
0x32: {  	_ =	swait.ge @!p1 [sflag:s13], s12;
	s15 =	ssub.s32 @!p1 $0x0, s12  }
0x33: {  	s12 =	smov.u32 s10;
	s11 =	sadd.s32 $0x1, s11;
	[sflag:s13] =	ssyncset.done @!p1 $0x0  }
0x34: {  	s10 =	smov.u32 s9;
	s9 =	smov.u32 s14;
	[sflag:s13] =	ssyncadd.s32 @!p1 s15  }
.LBB2_1:
0x35: {  	p1 =	sgt.u32 s11, s6  }
0x36: {  	s13 =	sand.u32 @!p1 $0x1FFFFFF, s9  }
0x37: {  	p2 =	sgt.s32 @!p1 s9, $0x2690;
	s14 =	smulhi.u32 @!p1 $0x1A36E2F, s13  }
0x38: {  	s15 =	smov.u32 s9;
	s16 =	sshra.s32 @!p1 s9, $0x1F;
	p2 =	por !p2, p1  }
0x39: {  	s16 =	sand.u32 @!p1 s16, s9;
	s15 =	simm.s32 @p2 $0x2690;
	s14 =	sshrl.u32 @!p1 s14, $0x6  }
0x3a: {  	s15 =	ssub.s32 @!p1 s15, s16;
	s14 =	smul.u32 @!p1 $0x2710, s14  }
0x3b: {  	s16 =	sxor.u32 @!p1 $0xFFFFFFFF, s11;
	s15 =	sadd.s32 @!p1 $0xFFFFD970, s15  }
0x3c: {  	s16 =	sshll.u32 @!p1 s16, $0xE;
	s13 =	ssub.s32 @!p1 s13, s14;
	s14 =	sshll.u32 @!p1 s15, $0x9  }
0x3d: {  	s16 =	sand.u32 @!p1 $0x4000, s16;
	p2 =	sgt.s32 @!p1 s15, $0x7F;
	s14 =	ssub.s32 @!p1 $0x10000, s14  }
0x3e: {  	p2 =	por !p2, p1;
	s13 =	sshll.u32 @!p1 s13, $0x4;
	s14 =	sshrl.u32 @!p1 s14, $0x2  }
0x3f: {  	s15 =	simm.s32 @!p1 $0x0;
	s13 =	sadd.s32 @!p1 s2, s13;
	s14 =	simm.s32 @!p2 $0x0  }
0x40: {  	[tilespmem:s16], [sflag:$0x1] =	stream.linear.gather @!p1 [hbm4b:s13+s15], s14, $0x38;
	[tilespmem:$0x10000] =	vst v63  }
0x41: {  	p1 =	seq.s32 s11, $0x0  }
0x42: {  	p2 =	sge.u32 @!p1 s11, s7  }
0x43: {  	p1 =	por p1, p2  }
.Ltmp2:
0x44: {  	_ = 	snop;
	(pc) =	sbr.rel @p1 .LBB2_9-.Ltmp2, $1  }
0x45: {  	_ =	sdelay $0x3  }
0x46: {  	p1 =	sgt.s32 s10, $0x2690;
	s13 =	smov.u32 s10;
	s14 =	sshra.s32 s10, $0x1F  }
0x47: {  	s13 =	simm.s32 @!p1 $0x2690;
	s14 =	sand.u32 s14, s10  }
0x48: {  	s13 =	ssub.s32 s13, s14  }
0x49: {  	s13 =	sadd.s32 $0xFFFFD970, s13  }
0x4a: {  	s31 =	sshll.u32 s13, $0x9  }
0x4b: {  	s14 =	ssub.s32 $0x10000, s31  }
0x4c: {  	p1 =	sgt.s32 s13, $0x7F;
	s13 =	sshrl.u32 s14, $0x2;
	s14 =	sadd.s32 $0x80, s10  }
0x4d: {  	s13 =	simm.s32 @p1 $0x0;
	p1 =	slt.s32 s14, $0x2710  }
0x4e: {  	s14 =	simm.s32 @!p1 $0x2710  }
0x4f: {  	s16 =	ssub.s32 s14, s10  }
0x50: {  	p1 =	slt.s32 s16, $0x1  }
.Ltmp3:
0x51: {  	_ = 	snop;
	(pc) =	sbr.rel @p1 .LBB2_8-.Ltmp3, $4  }
0x52: {  	_ = 	snop  }
0x53: {  	s15 =	sshll.u32 s11, $0xE;
	_ =	swait.ge [sflag:s5], s13  }
0x54: {  	s15 =	sand.u32 $0x4000, s15;
	s17 =	ssub.s32 $0x0, s13;
	[sflag:s5] =	ssyncset.done $0x0  }
0x55: {  	s14 =	sor.u32 $0x8000, s15;
	[sflag:s5] =	ssyncadd.s32 s17  }
0x56: {  	p2 =	sne.s32 s16, $0x1  }
.Ltmp4:
0x57: {  	v1 =	vmov s15;
	v0 =	vmov s14;
	(pc) =	sbr.rel @!p2 .LBB2_4-.Ltmp4, $3  }
0x58: {  	_ =	sdelay $0x1  }
0x59: {  	s17 =	simm.s32 $0x0  }
0x5a: {  	s23 =	sadd.s32 $0xFFFFFFFF, s16;
	p1 =	por $0x0, $0x0;
	s15 =	sand.u32 $0x3F80, s17  }
0x5b: {  	_ =	sdelay $0x3  }
0x5c: {  	v6 =	vld.idx.msk [tilespmem:v1+s15+$0x0 ss:$0x1], $0xffff;
	s24 =	sor.u32 $0x70, s15  }
0x5d: {  	s16 =	sor.u32 $0x10, s15;
	v8 =	vld.idx.msk [tilespmem:v1+s24+$0x0 ss:$0x1], $0xffff  }
0x5e: {  	s17 =	sor.u32 $0x20, s15;
	p2 =	sne.s32 s23, $0x1;
	v2 =	vld.idx.msk [tilespmem:v1+s16+$0x0 ss:$0x1], $0xffff  }
.Ltmp5:
0x5f: {  	s18 =	sor.u32 $0x30, s15;
	v4 =	vld.idx.msk [tilespmem:v1+s17+$0x0 ss:$0x1], $0xffff;
	(pc) =	sbr.rel @!p2 .LBB2_7-.Ltmp5, $4  }
0x60: {  	s19 =	sor.u32 $0x40, s15;
	v3 =	vld.idx.msk [tilespmem:v1+s18+$0x0 ss:$0x1], $0xffff  }
0x61: {  	s21 =	sor.u32 $0x60, s15;
	v5 =	vld.idx.msk [tilespmem:v1+s19+$0x0 ss:$0x1], $0xffff  }
0x62: {  	s20 =	sor.u32 $0x50, s15;
	s22 =	simm.s32 $0x80;
	v7 =	vld.idx.msk [tilespmem:v1+s21+$0x0 ss:$0x1], $0xffff;
	[tilespmem:v0+s15+$0x0 ss:$0x1] =	vst.idx.msk $0xffff, v6  }
0x63: {  	s23 =	sadd.s32 $0xFFFFFFFF, s23;
	p1 =	por $0x1, $0x1;
	v6 =	vld.idx.msk [tilespmem:v1+s20+$0x0 ss:$0x1], $0xffff;
	s15 =	sand.u32 $0x3F80, s22;
	[tilespmem:v0+s24+$0x0 ss:$0x1] =	vst.idx.msk $0xffff, v8  }
.LBB2_6:
0x64: {  	p2 =	sne.s32 s23, $0x1;
	v8 =	vld.idx.msk [tilespmem:v1+s15+$0x0 ss:$0x1], $0xffff;
	s24 =	sor.u32 $0x70, s15;
	[tilespmem:v0+s16+$0x0 ss:$0x1] =	vst.idx.msk $0xffff, v2;
	s16 =	sor.u32 $0x10, s15  }
0x65: {  	s25 =	sor.u32 $0x30, s15;
	s26 =	sor.u32 $0x40, s15;
	v9 =	vld.idx.msk [tilespmem:v1+s24+$0x0 ss:$0x1], $0xffff;
	[tilespmem:v0+s17+$0x0 ss:$0x1] =	vst.idx.msk $0xffff, v4;
	s17 =	sor.u32 $0x20, s15  }
0x66: {  	s28 =	sor.u32 $0x50, s15;
	s29 =	sor.u32 $0x60, s15;
	v2 =	vld.idx.msk [tilespmem:v1+s16+$0x0 ss:$0x1], $0xffff;
	[tilespmem:v0+s18+$0x0 ss:$0x1] =	vst.idx.msk $0xffff, v3;
	s18 =	smov.u32 s25  }
.Ltmp6:
0x67: {  	v4 =	vld.idx.msk [tilespmem:v1+s17+$0x0 ss:$0x1], $0xffff;
	[tilespmem:v0+s19+$0x0 ss:$0x1] =	vst.idx.msk $0xffff, v5;
	s19 =	smov.u32 s26;
	(pc) =	sbr.rel @p2 .LBB2_6-.Ltmp6, $4  }
0x68: {  	v3 =	vld.idx.msk [tilespmem:v1+s18+$0x0 ss:$0x1], $0xffff;
	[tilespmem:v0+s20+$0x0 ss:$0x1] =	vst.idx.msk $0xffff, v6;
	s20 =	smov.u32 s28  }
0x69: {  	v5 =	vld.idx.msk [tilespmem:v1+s19+$0x0 ss:$0x1], $0xffff;
	[tilespmem:v0+s21+$0x0 ss:$0x1] =	vst.idx.msk $0xffff, v7;
	s21 =	smov.u32 s29  }
0x6a: {  	s22 =	sadd.s32 $0x80, s22;
	[tilespmem:v0+s15+$0x0 ss:$0x1] =	vst.idx.msk $0xffff, v8;
	v6 =	vld.idx.msk [tilespmem:v1+s20+$0x0 ss:$0x1], $0xffff  }
0x6b: {  	s23 =	sadd.s32 $0xFFFFFFFF, s23;
	s15 =	sand.u32 $0x3F80, s22;
	v7 =	vld.idx.msk [tilespmem:v1+s21+$0x0 ss:$0x1], $0xffff;
	[tilespmem:v0+s24+$0x0 ss:$0x1] =	vst.idx.msk $0xffff, v9  }
.Ltmp7:
0x6c: {  	_ = 	snop;
	(pc) =	sbr.rel .LBB2_7-.Ltmp7, $1  }
0x6d: {  	_ =	sdelay $0x3  }
.LBB2_10:
0x6e: {  	_ =	sfence.sel $0x180000  }
0x6f: {  	s2 =	simm.s32 $0x1;
	[bflag:$0x0] =	sbarrier.arrive $0xFFFF  }
0x70: {  	s31 =	simm.s32 $0x2;
	[sflag:s2] =	ssyncpa.u1 $0x1  }
0x71: {  	[sflag:s31] =	ssyncpa.u1 $0x1  }
0x72: {  	_ =	strace $0x90000050  }
0x73: {  	s0 =	sadd.s32 @!p0 $0x100000, s0;
	[bflag:$0x2] =	sbarrier.arrive $0xFFFF  }
0x74: {  	[sflag:s0] =	ssyncadd.tile.s32 @!p0 $0x1;
	s0 =	simm.s32 @!p0 $0x3F  }
0x75: {  	_ =	swait.ge @!p0 [sflag:s0], s1  }
0x76: {  	s1 =	ssub.s32 @!p0 $0x0, s1;
	[sflag:s0] =	ssyncset.done @!p0 $0x0  }
0x77: {  	[sflag:s0] =	ssyncadd.s32 @!p0 s1  }
0x78: {  	[bflag:$0x3] =	sbarrier.arrive $0xFFFF  }
0x79: {  	_ =	shalt  }
.Lfunc_end2:
execute1_lowered:
.L_overlay_start_2:
0x7a: {  	(tag) =	ssettag $0x2  }
0x7b: {  	s0 =	rddreg [dreg:$0x0];
	_ =	strace $0x80000053;
	s1 =	simm.s32 $0x1  }
0x7c: {  	s8 =	simm.s32 $0x108;
	v0 =	vimm.s32 $0x0;
	[sflag:s1] =	ssyncpa.u1 $0x0  }
0x7d: {  	[tilespmem:s8+$0x70] =	vst v0  }
0x7e: {  	[tilespmem:s8+$0x60] =	vst v0  }
0x7f: {  	[tilespmem:s8+$0x50] =	vst v0  }
0x80: {  	[tilespmem:s8+$0x40] =	vst v0  }
0x81: {  	[tilespmem:s8+$0x30] =	vst v0  }
0x82: {  	s2 =	simm.s32 $0x40;
	s1 =	sadd.s32 $0x15000, s0;
	[tilespmem:s8+$0x20] =	vst v0  }
0x83: {  	s3 =	sadd.s32 $0xA800, s0;
	s4 =	sadd.s32 $0x42C400, s0;
	s5 =	sadd.s32 $0xFC00, s0;
	[tilespmem:s8+$0x10] =	vst v0  }
.LBB3_1:
0x84: {  	s2 =	sadd.s32 $0x40, s2;
	[tilespmem:s8+$0x0] =	vst v0;
	s8 =	sadd.s32 $0x80, s8  }
0x85: {  	p0 =	slt.u32 s2, $0x3C40;
	[tilespmem:s8+$0x70] =	vst v0  }
0x86: {  	[tilespmem:s8+$0x60] =	vst v0  }
.Ltmp8:
0x87: {  	[tilespmem:s8+$0x50] =	vst v0;
	(pc) =	sbr.rel @p0 .LBB3_1-.Ltmp8, $4  }
0x88: {  	[tilespmem:s8+$0x40] =	vst v0  }
0x89: {  	[tilespmem:s8+$0x30] =	vst v0  }
0x8a: {  	[tilespmem:s8+$0x20] =	vst v0  }
0x8b: {  	[tilespmem:s8+$0x10] =	vst v0  }
0x8c: {  	s13 =	stileid.u32  }
0x8d: {  	s0 =	smul.u32 $0x2C, s13  }
0x8e: {  	s2 =	smin.u32 s13, $0x5  }
0x8f: {  	s0 =	sadd.s32 s2, s0  }
0x90: {  	p0 =	slt.u32 s13, $0x5;
	s6 =	smul.u32 $0xF0, s0;
	s0 =	simm.s32 $0x2A30  }
0x91: {  	s0 =	simm.s32 @!p0 $0x2940  }
0x92: {  	s0 =	sadd.s32 s0, s6  }
0x93: {  	s7 =	smin.u32 s0, $0x29810  }
0x94: {  	s0 =	ssub.s32 s7, s6  }
0x95: {  	p0 =	sgt.s32 s0, $0x0  }
0x96: {  	s0 =	simm.s32 @!p0 $0x0  }
0x97: {  	s31 =	smulhi.u32 $0x88888889, s0  }
0x98: {  	s30 =	simm.s32 $0x2;
	s9 =	simm.s32 $0x7;
	s10 =	simm.s32 $0x8  }
0x99: {  	s19 =	simm.s32 $0x0;
	s15 =	simm.s32 $0xA;
	s2 =	sshrl.u32 s31, $0x7  }
0x9a: {  	s17 =	simm.s32 $0x0;
	s18 =	simm.s32 $0x0;
	s11 =	smul.u32 $0xF0, s2  }
.Ltmp9:
0x9b: {  	[tilespmem:s8+$0x0] =	vst v0;
	v0 =	vimm.s32 $0xFFFFFFFF;
	[sflag:s30] =	ssyncpa.u1 $0x0;
	s13 =	sshll.u32 s13, $0x8;
	(pc) =	sbr.rel .LBB3_3-.Ltmp9, $4  }
0x9c: {  	[tilespmem:$0xF208] =	vst v0;
	[sflag:s9] =	ssyncpa.u1 $0x0;
	p0 =	sne.s32 s0, s11;
	s0 =	simm.s32 $0x1  }
0x9d: {  	[sflag:s10] =	ssyncpa.u1 $0x0;
	s10 =	simm.s32 $0x9;
	s0 =	simm.s32 @!p0 $0x0  }
0x9e: {  	[sflag:s10] =	ssyncpa.u1 $0x0;
	s16 =	smov.u32 s6;
	s12 =	sadd.s32 s0, s2  }
0x9f: {  	v0 =	vlaneseq.u32;
	s11 =	simm.s32 $0x1;
	p0 =	por $0x0, $0x0;
	s14 =	sadd.s32 $0x1, s12  }
.LBB3_18:
0xa0: {  	s0 =	sshrl.u32 s28, $0x2  }
.LBB3_20:
0xa1: {  	_ =	swait.ge [sflag:s15], s0  }
0xa2: {  	s31 =	ssub.s32 $0x0, s0;
	v1 =	vmov s21;
	vm0 =	veq.s32 v0, $0x0;
	[sflag:s15] =	ssyncset.done $0x0  }
0xa3: {  	vm15 =	veq.s32 v0, $0x2;
	v1 =	vsel vm0, s26, v1;
	[sflag:s15] =	ssyncadd.s32 s31  }
0xa4: {  	v1 =	vsel vm15, s19, v1;
	[sflag:s15] =	ssyncpa.u1 $0x1  }
0xa5: {  	[tilespmem:$0xF208] =	vst v1  }
.LBB3_21:
0xa6: {  	s0 =	sadd.s32 $0xF0, s16  }
0xa7: {  	s2 =	smov.u32 s6;
	p1 =	slt.s32 s0, s7  }
0xa8: {  	s2 =	smov.u32 @p1 s0;
	p1 =	sne.s32 s18, s14  }
.Ltmp10:
0xa9: {  	_ = 	snop;
	(pc) =	sbr.rel @!p1 .LBB3_22-.Ltmp10, $3  }
0xaa: {  	_ =	sdelay $0x1  }
0xab: {  	s19 =	smov.u32 s17;
	s31 =	sadd.s32 $0x1, s18;
	s17 =	smov.u32 s16  }
0xac: {  	p0 =	por !p0, !p0;
	s18 =	smov.u32 s31;
	s16 =	smov.u32 s2  }
.LBB3_3:
0xad: {  	p1 =	sge.u32 s18, s12  }
0xae: {  	s0 =	smulhi.u32 @!p1 $0xAAAAAAAB, s18  }
0xaf: {  	s2 =	smov.u32 s16;
	p2 =	sgt.s32 @!p1 s16, $0x29720  }
0xb0: {  	s20 =	sshra.s32 @!p1 s16, $0x1F;
	p2 =	por !p2, p1;
	s0 =	sshrl.u32 @!p1 s0, $0x1  }
0xb1: {  	s20 =	sand.u32 @!p1 s20, s16;
	s2 =	simm.s32 @p2 $0x29720;
	s0 =	smul.u32 @!p1 $0x3, s0  }
0xb2: {  	s2 =	ssub.s32 @!p1 s2, s20  }
0xb3: {  	s2 =	sadd.s32 @!p1 $0xFFFD68E0, s2;
	s0 =	ssub.s32 @!p1 s18, s0  }
0xb4: {  	s20 =	sshll.u32 @!p1 s2, $0x2;
	p2 =	sgt.s32 @!p1 s2, $0xEF;
	s0 =	smul.u32 @!p1 $0x3C0, s0  }
0xb5: {  	s21 =	sand.u32 @!p1 $0x7, s16;
	s2 =	ssub.s32 @!p1 $0x3C0, s20;
	p2 =	por !p2, p1  }
0xb6: {  	s20 =	sshrl.u32 @!p1 s16, $0x3;
	s2 =	sshrl.u32 @!p1 s2, $0x2;
	s0 =	sshrl.u32 @!p1 s0, $0x2  }
0xb7: {  	s20 =	sadd.s32 @!p1 s5, s20;
	s2 =	simm.s32 @!p2 $0x0;
	s0 =	sadd.s32 @!p1 $0x10238, s0  }
0xb8: {  	[tilespmem:s0], [sflag:$0x8] =	stream.linear.gather @!p1 [hbm4b:s20+s21], s2, $0x38;
	[tilespmem:$0x1F6E8] =	vst v63  }
0xb9: {  	s0 =	sadd.s32 $0xFFFFFFFF, s18  }
0xba: {  	p1 =	sge.u32 s0, s12  }
0xbb: {  	p2 =	sgt.s32 @!p1 s17, $0x29720  }
0xbc: {  	s2 =	smov.u32 s17;
	s20 =	sshra.s32 @!p1 s17, $0x1F;
	p2 =	por !p2, p1  }
0xbd: {  	s20 =	sand.u32 @!p1 s20, s17;
	s2 =	simm.s32 @p2 $0x29720  }
0xbe: {  	s2 =	ssub.s32 @!p1 s2, s20  }
0xbf: {  	s2 =	sadd.s32 @!p1 $0xFFFD68E0, s2  }
0xc0: {  	s21 =	sand.u32 @!p1 $0x1, s0;
	s20 =	sshll.u32 @!p1 s2, $0x2  }
0xc1: {  	p2 =	sgt.s32 @!p1 s2, $0xEF;
	s2 =	ssub.s32 @!p1 $0x3C0, s20;
	s20 =	smulhi.u32 @!p1 $0xAAAAAAAB, s0  }
0xc2: {  	s23 =	smul.u32 @!p1 $0x3C0, s21;
	p2 =	por !p2, p1;
	s2 =	sshrl.u32 @!p1 s2, $0x2  }
0xc3: {  	s22 =	simm.s32 @!p1 $0x8;
	s2 =	simm.s32 @!p2 $0x0;
	s20 =	sshrl.u32 @!p1 s20, $0x1  }
0xc4: {  	s23 =	sshrl.u32 @!p1 s23, $0x2;
	_ =	swait.ge @!p1 [sflag:s22], s2;
	s20 =	smul.u32 @!p1 $0x3, s20  }
0xc5: {  	s23 =	sor.u32 @!p1 $0x10508, s23;
	s24 =	ssub.s32 @!p1 $0x0, s2;
	[sflag:s22] =	ssyncset.done @!p1 $0x0  }
0xc6: {  	[sflag:s22] =	ssyncadd.s32 @!p1 s24;
	s22 =	sshrl.u32 @!p1 s17, $0x3;
	s0 =	ssub.s32 @!p1 s0, s20  }
0xc7: {  	s24 =	sand.u32 @!p1 $0x7, s17;
	s22 =	sadd.s32 @!p1 s3, s22;
	s0 =	smul.u32 @!p1 $0x3C0, s0  }
0xc8: {  	[tilespmem:s23], [sflag:$0x9] =	stream.linear.gather @!p1 [hbm4b:s22+s24], s2, $0x38;
	[tilespmem:$0x1F6E8] =	vst v63  }
0xc9: {  	s20 =	ssub.s32 @!p1 $0x29810, s17;
	s2 =	smul.u32 @!p1 $0x1E000, s21  }
0xca: {  	p2 =	slt.s32 @!p1 s20, $0xF0  }
0xcb: {  	p2 =	por !p2, p1;
	s0 =	sshrl.u32 @!p1 s0, $0x2;
	s2 =	sshrl.u32 @!p1 s2, $0x2  }
0xcc: {  	s20 =	simm.s32 @p2 $0xF0;
	s0 =	sadd.s32 @!p1 $0x10238, s0;
	s2 =	sor.u32 @!p1 $0x106E8, s2  }
0xcd: {  	[tilespmem:s2], [sflag:$0x7] =	stream.indirect.gather @!p1 [hbm4b:s4+s20], $0x80, s0, s20, $0xb8;
	[tilespmem:$0x1F6E8] =	vst v63  }
0xce: {  	p1 =	slt.u32 s18, $0x2  }
.Ltmp11:
0xcf: {  	_ = 	snop;
	(pc) =	sbr.rel @p1 .LBB3_21-.Ltmp11, $1  }
0xd0: {  	_ =	sdelay $0x3  }
0xd1: {  	p1 =	sgt.s32 s19, $0x29720;
	s0 =	smov.u32 s19  }
0xd2: {  	s2 =	sshra.s32 s19, $0x1F;
	s20 =	ssub.s32 $0x29810, s19;
	s0 =	simm.s32 @!p1 $0x29720  }
0xd3: {  	s2 =	sand.u32 s2, s19;
	p1 =	slt.s32 s20, $0xF0;
	s21 =	smov.u32 s20  }
0xd4: {  	s0 =	ssub.s32 s0, s2;
	s21 =	simm.s32 @!p1 $0xF0  }
0xd5: {  	s0 =	sadd.s32 $0xFFFD68E0, s0;
	s28 =	sshll.u32 s21, $0x7  }
0xd6: {  	s29 =	sshll.u32 s0, $0x2;
	s2 =	sand.u32 $0x3FFFFF80, s28  }
0xd7: {  	p1 =	sgt.s32 s0, $0xEF;
	s30 =	ssub.s32 $0x3C0, s29;
	_ =	swait.ge [sflag:s9], s2  }
0xd8: {  	s2 =	ssub.s32 $0x0, s2;
	[sflag:s9] =	ssyncset.done $0x0;
	s0 =	sshrl.u32 s30, $0x2  }
0xd9: {  	[sflag:s9] =	ssyncadd.s32 s2;
	s0 =	simm.s32 @p1 $0x0  }
0xda: {  	_ =	swait.ge [sflag:s10], s0  }
0xdb: {  	s0 =	ssub.s32 $0x0, s0;
	[sflag:s10] =	ssyncset.done $0x0  }
0xdc: {  	[sflag:s10] =	ssyncadd.s32 s0  }
0xdd: {  	v1 =	vld [tilespmem:$0xF208];
	_ =	sdelay $0x4  }
0xde: {  	(v2sf) =	vpush v1, $0x0  }
0xdf: {  	(v2sf) =	vpush v1, $0x1  }
0xe0: {  	(v2sf) =	vpush v1, $0x2;
	_ =	sdelay $0x3  }
0xe1: {  	s0 =	sadd.s32 $0xF0, s19  }
0xe2: {  	p1 =	slt.s32 s7, s0  }
0xe3: {  	s0 =	smov.u32 @p1 s7;
	p1 =	sgt.s32 s20, $0x0  }
0xe4: {  	s23 =	ssub.s32 s0, s19;
	s20 =	simm.s32 @!p1 $0x0  }
0xe5: {  	p1 =	slt.s32 s20, s23  }
0xe6: {  	s23 =	smov.u32 @p1 s20  }
0xe7: {  	s22 =	simm.s32 $0x1;
	p1 =	slt.s32 s23, $0x1  }
.Ltmp12:
0xe8: {  	s22 =	simm.s32 @!p0 $0x0;
	(pc) =	sbr.rel @p1 .LBB3_8-.Ltmp12, $4  }
0xe9: {  	s31 =	smul.u32 $0x3C0, s22  }
0xea: {  	s24 =	spop (v2sf)  }
0xeb: {  	s0 =	sshrl.u32 s31, $0x2;
	s26 =	spop (v2sf)  }
0xec: {  	s20 =	sor.u32 $0x10508, s0;
	s19 =	spop (v2sf)  }
0xed: {  	s0 =	smin.u32 s23, $0x10  }
0xee: {  	v1 =	vmov s0  }
0xef: {  	p2 =	sgt.s32 s23, $0x10;
	vm1 =	vgt.u32 v1, v0  }
.Ltmp13:
0xf0: {  	_ = 	snop;
	(pc) =	sbr.rel @!p2 .LBB3_7-.Ltmp13, $2  }
0xf1: {  	_ =	sdelay $0x2  }
0xf2: {  	s25 =	simm.s32 $0x10;
	s28 =	sadd.s32 $0xFFFFFFF0, s23;
	s21 =	smov.u32 s20;
	vm0 =	vmmov vm1  }
.LBB3_6:
0xf3: {  	s0 =	smin.u32 s28, $0x10;
	s25 =	sadd.s32 $0x10, s25;
	v1 =	vld.msk [tilespmem:s21+$0x0 ss:$0x1], vm1  }
0xf4: {  	v2 =	vmov s0;
	p2 =	slt.s32 s25, s23  }
0xf5: {  	vm1 =	vgt.u32 v2, v0  }
.Ltmp14:
0xf6: {  	(pc) =	sbr.rel @p2 .LBB3_6-.Ltmp14, $3  }
0xf7: {  	_ =	sdelay $0x1  }
0xf8: {  	v1 =	vshll.u32 v1, $0x4  }
0xf9: {  	s28 =	sadd.s32 $0xFFFFFFF0, s28;
	[tilespmem:s21+$0x0] =	vst.msk vm0, v1;
	s21 =	sadd.s32 $0x10, s21;
	vm0 =	vmmov vm1  }
.LBB3_7:
0xfa: {  	_ =	sdelay $0x4  }
0xfb: {  	v1 =	vld.msk [tilespmem:s21+$0x0 ss:$0x1], vm1;
	_ =	sdelay $0x4  }
0xfc: {  	v1 =	vshll.u32 v1, $0x4  }
0xfd: {  	[tilespmem:s21+$0x0] =	vst.msk vm0, v1  }
.LBB3_8:
0xfe: {  	s0 =	sand.u32 $0x1, s18  }
0xff: {  	s0 =	smul.u32 $0xF0, s0  }
0x100: {  	p2 =	sne.s32 s26, $0xFFFFFFFF  }
0x101: {  	v1 =	vld.msk @!p2 [tilespmem:s0+$0x10508], $0x1;
	_ =	sdelay $0x4  }
0x102: {  	(v2sf) =	vpush @!p2 v1, $0x0;
	_ =	sdelay $0xc  }
.Ltmp15:
0x103: {  	_ = 	snop;
	(pc) =	sbr.rel @p1 .LBB3_19-.Ltmp15, $4  }
0x104: {  	_ = 	snop  }
0x105: {  	s25 =	spop @!p2 (v2sf)  }
0x106: {  	s19 =	simm.s32 @!p2 $0x0;
	s21 =	smov.u32 s25  }
0x107: {  	[sflag:s15] =	ssyncpa.u1 $0x0;
	s25 =	smov.u32 @p2 s24;
	s21 =	smov.u32 @p2 s26  }
0x108: {  	v1 =	vld.msk [tilespmem:s20+$0x0], $0x1;
	_ =	sdelay $0x4  }
0x109: {  	(v2sf) =	vpush v1, $0x0;
	_ =	sdelay $0xe  }
0x10a: {  	s0 =	smul.u32 $0x1E000, s22;
	s29 =	spop (v2sf)  }
0x10b: {  	s23 =	ssub.s32 $0x0, s23;
	p1 =	seq.s32 s25, s29  }
0x10c: {  	s26 =	sadd.s32 $0x1, s23;
	s0 =	sshrl.u32 s0, $0x2;
	p2 =	sgt.s32 @!p1 s25, $0x0  }
0x10d: {  	s22 =	sor.u32 $0x10728, s0;
	s0 =	smov.u32 s25;
	p2 =	por !p2, p1  }
0x10e: {  	s0 =	simm.s32 @p2 $0x0;
	p2 =	seq.s32 s26, $0x0  }
.Ltmp16:
0x10f: {  	_ = 	snop;
	(pc) =	sbr.rel @p2 .LBB3_11-.Ltmp16, $4  }
0x110: {  	_ = 	snop  }
0x111: {  	s24 =	simm.s32 $0x0;
	s28 =	sadd.s32 $0x1, s20;
	s0 =	smin.u32 @!p1 s0, $0x270F0  }
0x112: {  	s30 =	simm.s32 @!p1 $0x1;
	s31 =	simm.s32 @!p1 $0x7988;
	s2 =	sand.u32 @!p1 $0x3FFF8, s0  }
0x113: {  	s30 =	smov.u32 @p1 s24;
	s0 =	sand.u32 @!p1 $0x7, s0;
	s2 =	sadd.s32 @!p1 s1, s2  }
.LBB3_10:
0x114: {  	s8 =	smov.u32 s30  }
0x115: {  	[tilespmem:s31], [sflag:$0x2] =	stream.linear.gather @!p1 [hbm4b:s2+s0], $0x80, $0x38;
	[tilespmem:$0x1F6E8] =	vst v63  }
0x116: {  	s26 =	sadd.s32 $0x1, s26;
	s0 =	smov.u32 s29;
	v1 =	vld.msk [tilespmem:s28+$0x0], $0x1  }
0x117: {  	p2 =	seq.s32 s26, $0x0;
	_ =	sdelay $0x3  }
0x118: {  	(v2sf) =	vpush v1, $0x0;
	_ =	sdelay $0xe  }
0x119: {  	s29 =	spop (v2sf)  }
0x11a: {  	p1 =	seq.s32 s0, s29  }
0x11b: {  	p3 =	sgt.s32 @!p1 s0, $0x0;
	s2 =	sshll.u32 @!p1 s30, $0x9;
	s30 =	sadd.s32 @!p1 $0x1, s30  }
.Ltmp17:
0x11c: {  	p3 =	por !p3, p1;
	s2 =	sshra.s32 @!p1 s2, $0x2;
	(pc) =	sbr.rel @!p2 .LBB3_10-.Ltmp17, $4  }
0x11d: {  	s30 =	smov.u32 @p1 s8;
	s0 =	simm.s32 @p3 $0x0;
	s31 =	sadd.s32 @!p1 $0x7988, s2  }
0x11e: {  	s0 =	smin.u32 @!p1 s0, $0x270F0  }
0x11f: {  	s2 =	sand.u32 @!p1 $0x3FFF8, s0;
	s0 =	sand.u32 @!p1 $0x7, s0  }
0x120: {  	s28 =	sadd.s32 $0x1, s28;
	s2 =	sadd.s32 @!p1 s1, s2  }
.LBB3_11:
0x121: {  	[tilespmem:s31], [sflag:$0x2] =	stream.linear.gather @!p1 [hbm4b:s2+s0], $0x80, $0x38;
	[tilespmem:$0x1F6E8] =	vst v63  }
.Ltmp18:
0x122: {  	s30 =	sshll.u32 s30, $0x7;
	(pc) =	sbr.rel .LBB3_12-.Ltmp18, $4  }
0x123: {  	s31 =	simm.s32 $0x2;
	s0 =	sand.u32 $0x3FFFFF80, s30  }
0x124: {  	_ =	swait.ge [sflag:s31], s0  }
0x125: {  	s0 =	ssub.s32 $0x0, s0;
	[sflag:s31] =	ssyncset.done $0x0  }
0x126: {  	s28 =	simm.s32 $0x0;
	[sflag:s31] =	ssyncadd.s32 s0  }
.LBB3_13:
0x127: {  	v1 =	vld [tilespmem:s22+$0xFFFFFFC0];
	_ =	sdelay $0x3  }
0x128: {  	s0 =	sshra.s32 s0, $0x2  }
0x129: {  	[tilespmem:s0+$0x108] =	vst.add.f32.msk $0xffff, v1  }
0x12a: {  	v1 =	vld [tilespmem:s22+$0xFFFFFFD0];
	_ =	sdelay $0x4  }
0x12b: {  	[tilespmem:s0+$0x118] =	vst.add.f32.msk $0xffff, v1  }
0x12c: {  	v1 =	vld [tilespmem:s22+$0xFFFFFFE0];
	_ =	sdelay $0x4  }
0x12d: {  	[tilespmem:s0+$0x128] =	vst.add.f32.msk $0xffff, v1  }
0x12e: {  	v1 =	vld [tilespmem:s22+$0xFFFFFFF0];
	_ =	sdelay $0x4  }
0x12f: {  	[tilespmem:s0+$0x138] =	vst.add.f32.msk $0xffff, v1  }
0x130: {  	v1 =	vld [tilespmem:s22+$0x0];
	_ =	sdelay $0x4  }
0x131: {  	[tilespmem:s0+$0x148] =	vst.add.f32.msk $0xffff, v1  }
0x132: {  	v1 =	vld [tilespmem:s22+$0x10];
	_ =	sdelay $0x4  }
0x133: {  	[tilespmem:s0+$0x158] =	vst.add.f32.msk $0xffff, v1  }
0x134: {  	v1 =	vld [tilespmem:s22+$0x20];
	_ =	sdelay $0x4  }
0x135: {  	[tilespmem:s0+$0x168] =	vst.add.f32.msk $0xffff, v1  }
0x136: {  	v1 =	vld [tilespmem:s22+$0x30];
	_ =	sdelay $0x4  }
0x137: {  	[tilespmem:s0+$0x178] =	vst.add.f32.msk $0xffff, v1  }
.LBB3_17:
0x138: {  	s23 =	sadd.s32 $0x1, s23  }
0x139: {  	p1 =	seq.s32 s23, $0x0  }
.Ltmp19:
0x13a: {  	_ = 	snop;
	(pc) =	sbr.rel @p1 .LBB3_18-.Ltmp19, $2  }
0x13b: {  	_ =	sdelay $0x2  }
0x13c: {  	s20 =	sadd.s32 $0x1, s20;
	s22 =	sadd.s32 $0x80, s22;
	s25 =	smov.u32 s26  }
.LBB3_12:
0x13d: {  	v1 =	vld.msk [tilespmem:s20+$0x0], $0x1;
	_ =	sdelay $0x4  }
0x13e: {  	(v2sf) =	vpush v1, $0x0;
	_ =	sdelay $0xe  }
0x13f: {  	s26 =	spop (v2sf)  }
0x140: {  	p1 =	sne.s32 s25, s26  }
.Ltmp20:
0x141: {  	_ = 	snop;
	(pc) =	sbr.rel @!p1 .LBB3_13-.Ltmp20, $2  }
0x142: {  	_ =	sdelay $0x2  }
0x143: {  	s0 =	sshll.u32 s19, $0x9  }
0x144: {  	p1 =	seq.s32 s25, s21  }
.Ltmp21:
0x145: {  	_ = 	snop;
	(pc) =	sbr.rel @!p1 .LBB3_15-.Ltmp21, $1  }
0x146: {  	_ =	sdelay $0x3  }
0x147: {  	s0 =	sshra.s32 s0, $0x2  }
.Ltmp22:
0x148: {  	s0 =	sadd.s32 $0x108, s0;
	(pc) =	sbr.rel .LBB3_16-.Ltmp22, $4  }
0x149: {  	[spmem:s13] =	stream.linear.scatter [tilespmem:s0], [sflag:$0x1], $0x80, $0x38;
	[tilespmem:$0x1F6E8] =	vst v63  }
0x14a: {  	_ =	swait.ge [sflag:s11], $0x80  }
0x14b: {  	[sflag:s11] =	ssyncset.done $0x0  }
0x14c: {  	[sflag:s11] =	ssyncadd.s32 $0xFFFFFF80  }
.LBB3_15:
0x14d: {  	s2 =	sshll.u32 s24, $0x9  }
0x14e: {  	s2 =	sshra.s32 s2, $0x2  }
0x14f: {  	v1 =	vld [tilespmem:s2+$0x7988];
	_ =	sdelay $0x3  }
0x150: {  	s0 =	sshra.s32 s0, $0x2  }
0x151: {  	[tilespmem:s0+$0x108] =	vst.add.f32.msk $0xffff, v1  }
0x152: {  	v1 =	vld [tilespmem:s2+$0x7998];
	_ =	sdelay $0x4  }
0x153: {  	[tilespmem:s0+$0x118] =	vst.add.f32.msk $0xffff, v1  }
0x154: {  	v1 =	vld [tilespmem:s2+$0x79A8];
	_ =	sdelay $0x4  }
0x155: {  	[tilespmem:s0+$0x128] =	vst.add.f32.msk $0xffff, v1  }
0x156: {  	v1 =	vld [tilespmem:s2+$0x79B8];
	_ =	sdelay $0x4  }
0x157: {  	[tilespmem:s0+$0x138] =	vst.add.f32.msk $0xffff, v1  }
0x158: {  	v1 =	vld [tilespmem:s2+$0x79C8];
	_ =	sdelay $0x4  }
0x159: {  	[tilespmem:s0+$0x148] =	vst.add.f32.msk $0xffff, v1  }
0x15a: {  	v1 =	vld [tilespmem:s2+$0x79D8];
	_ =	sdelay $0x4  }
0x15b: {  	[tilespmem:s0+$0x158] =	vst.add.f32.msk $0xffff, v1  }
0x15c: {  	v1 =	vld [tilespmem:s2+$0x79E8];
	_ =	sdelay $0x4  }
0x15d: {  	[tilespmem:s0+$0x168] =	vst.add.f32.msk $0xffff, v1  }
0x15e: {  	v1 =	vld [tilespmem:s2+$0x79F8];
	_ =	sdelay $0x2  }
0x15f: {  	p1 =	sgt.u32 s25, $0x270F0  }
0x160: {  	s2 =	sand.u32 @!p1 $0x3FFF8, s25  }
0x161: {  	s8 =	sadd.s32 $0x108, s0;
	[tilespmem:s0+$0x178] =	vst.add.f32.msk $0xffff, v1;
	s0 =	sadd.s32 @!p1 s1, s2;
	s2 =	sand.u32 @!p1 $0x7, s25  }
0x162: {  	[hbm4b:s0+s2] =	stream.linear.scatter @!p1 [tilespmem:s8], [sflag:$0xA], $0x80, $0x38;
	[tilespmem:$0x1F6E8] =	vst v63  }
0x163: {  	s0 =	simm.s32 $0x0  }
0x164: {  	s0 =	simm.s32 @!p1 $0x200  }
0x165: {  	s28 =	sadd.s32 s0, s28  }
.LBB3_16:
0x166: {  	s0 =	sadd.s32 $0x1, s19  }
0x167: {  	s2 =	smulhi.u32 $0x88888889, s0;
	_ =	sdelay $0x1  }
0x168: {  	v1 =	vld [tilespmem:s22+$0xFFFFFFC0];
	s2 =	sshrl.u32 s2, $0x7  }
0x169: {  	s2 =	smul.u32 $0xF0, s2;
	_ =	sdelay $0x1  }
0x16a: {  	s19 =	ssub.s32 s0, s2  }
0x16b: {  	s0 =	sshll.u32 s19, $0x7  }
0x16c: {  	[tilespmem:s0+$0x108] =	vst v1  }
0x16d: {  	v1 =	vld [tilespmem:s22+$0xFFFFFFD0];
	_ =	sdelay $0x4  }
0x16e: {  	[tilespmem:s0+$0x118] =	vst v1  }
0x16f: {  	v1 =	vld [tilespmem:s22+$0xFFFFFFE0];
	_ =	sdelay $0x4  }
0x170: {  	[tilespmem:s0+$0x128] =	vst v1  }
0x171: {  	v1 =	vld [tilespmem:s22+$0xFFFFFFF0];
	_ =	sdelay $0x4  }
0x172: {  	[tilespmem:s0+$0x138] =	vst v1  }
0x173: {  	v1 =	vld [tilespmem:s22+$0x0];
	_ =	sdelay $0x4  }
0x174: {  	[tilespmem:s0+$0x148] =	vst v1  }
0x175: {  	v1 =	vld [tilespmem:s22+$0x10];
	_ =	sdelay $0x4  }
0x176: {  	[tilespmem:s0+$0x158] =	vst v1  }
0x177: {  	v1 =	vld [tilespmem:s22+$0x20];
	_ =	sdelay $0x4  }
0x178: {  	[tilespmem:s0+$0x168] =	vst v1  }
0x179: {  	v1 =	vld [tilespmem:s22+$0x30]  }
.Ltmp23:
0x17a: {  	_ = 	snop;
	(pc) =	sbr.rel .LBB3_17-.Ltmp23, $2  }
0x17b: {  	_ =	sdelay $0x2  }
0x17c: {  	s24 =	sadd.s32 $0x1, s24;
	[tilespmem:s0+$0x178] =	vst v1  }
.LBB3_19:
.Ltmp24:
0x17d: {  	(pc) =	sbr.rel .LBB3_20-.Ltmp24, $4  }
0x17e: {  	_ = 	snop  }
0x17f: {  	s0 =	simm.s32 $0x2  }
0x180: {  	_ =	swait.ge [sflag:s0], $0x0  }
0x181: {  	s26 =	smov.u32 s25;
	[sflag:s0] =	ssyncset.done $0x0;
	s0 =	simm.s32 $0x0  }
.LBB3_22:
0x182: {  	_ =	sfence.sel $0x180000  }
0x183: {  	s0 =	simm.s32 $0x7;
	[bflag:$0x0] =	sbarrier.arrive $0xFFFF  }
0x184: {  	s25 =	simm.s32 $0x8;
	[sflag:s0] =	ssyncpa.u1 $0x1  }
0x185: {  	s26 =	simm.s32 $0x9;
	[sflag:s25] =	ssyncpa.u1 $0x1  }
0x186: {  	s28 =	simm.s32 $0x2;
	[sflag:s26] =	ssyncpa.u1 $0x1  }
0x187: {  	[sflag:s28] =	ssyncpa.u1 $0x1  }
0x188: {  	v0 =	vld [tilespmem:$0xF208];
	_ =	sdelay $0x4  }
0x189: {  	(v2sf) =	vpush v0, $0x0  }
0x18a: {  	(v2sf) =	vpush v0, $0x1;
	_ =	sdelay $0x1  }
0x18b: {  	(v2sf) =	vpush v0, $0x2;
	_ =	sdelay $0xb  }
0x18c: {  	s0 =	spop (v2sf)  }
0x18d: {  	s2 =	spop (v2sf)  }
0x18e: {  	s3 =	smov.u32 s0;
	p0 =	sne.s32 s0, s2  }
0x18f: {  	s4 =	spop (v2sf);
	s3 =	simm.s32 @!p0 $0xFFFFFFFF  }
0x190: {  	v2 =	vimm.s32 $0x1;
	v3 =	vlaneseq.u32;
	p0 =	seq.s32 s4, $0xFFFFFFFF;
	v1 =	vmov s3  }
0x191: {  	s7 =	stileid.u32;
	v0 =	vperm.xlane v0, v2;
	p1 =	sne.s32 @!p0 s0, s2;
	v1 =	vperm.xlane v1, v3  }
0x192: {  	vm0 =	vcmask $0x3F04;
	s6 =	simm.s32 $0xF208;
	s0 =	simm.s32 @!p0 $0x1;
	p1 =	por !p1, p0  }
0x193: {  	s3 =	sshll.u32 s7, $0x1;
	s2 =	sshll.u32 @!p0 s4, $0x9;
	s0 =	simm.s32 @p1 $0x0;
	v0 =	vsel vm0, v1, v0  }
0x194: {  	s5 =	sor.u32 $0x1000, s3;
	s2 =	sshra.s32 @!p0 s2, $0x2;
	s0 =	sor.u32 @!p0 s0, s3;
	[tilespmem:$0xF208] =	vst v0  }
0x195: {  	[spmem:s5] =	stream.linear.scatter [tilespmem:s6], [sflag:$0x1], $0x2, $0x38;
	[tilespmem:$0x1F6E8] =	vst v63  }
0x196: {  	s2 =	sadd.s32 @!p0 $0x108, s2;
	s0 =	sshll.u32 @!p0 s0, $0x7  }
0x197: {  	[spmem:s0] =	stream.linear.scatter @!p0 [tilespmem:s2], [sflag:$0x1], $0x80, $0x38;
	[tilespmem:$0x1F6E8] =	vst v63  }
0x198: {  	s0 =	simm.s32 @!p0 $0x82  }
0x199: {  	s3 =	simm.s32 $0x1;
	s0 =	simm.s32 @p0 $0x2  }
0x19a: {  	_ =	swait.ge [sflag:s3], s0  }
0x19b: {  	s0 =	ssub.s32 $0x0, s0;
	[sflag:s3] =	ssyncset.done $0x0  }
0x19c: {  	[sflag:s3] =	ssyncadd.s32 s0  }
0x19d: {  	_ =	sfence.stream.spmem  }
0x19e: {  	s29 =	simm.s32 $0x3;
	[bflag:$0x0] =	sbarrier.arrive $0xFFFF  }
0x19f: {  	s30 =	simm.s32 $0x4;
	[sflag:s29] =	ssyncpa.u1 $0x1  }
0x1a0: {  	s31 =	simm.s32 $0x3C;
	[sflag:s30] =	ssyncpa.u1 $0x1  }
0x1a1: {  	p0 =	sne.s32 s7, $0x0;
	[sflag:s31] =	ssyncpa.u1 $0x1  }
0x1a2: {  	_ =	sfence @p0  }
0x1a3: {  	[sflag:s3] =	ssyncpa.u1 @p0 $0x1  }
0x1a4: {  	_ =	strace @p0 $0x90000053  }
0x1a5: {  	[bflag:$0x2] =	sbarrier.arrive @p0 $0xFFFF  }
0x1a6: {  	_ =	shalt @p0  }
.LBB3_23:
0x1a7: {  	_ =	sfence.stream.spmem;
	s0 =	simm.s32 $0x5  }
0x1a8: {  	s2 =	simm.s32 $0x1000;
	s3 =	simm.s32 $0xF218;
	[sflag:s0] =	ssyncpa.u1 $0x0  }
0x1a9: {  	[tilespmem:s3], [sflag:$0x5] =	stream.linear.gather [spmem:s2], $0x20, $0x38;
	[tilespmem:$0x1F6E8] =	vst v63  }
0x1aa: {  	s30 =	simm.s32 $0xF238;
	s2 =	simm.s32 $0x0  }
0x1ab: {  	[tilespmem:s30], [sflag:$0x5] =	stream.linear.gather [spmem:s2], $0x1000, $0x38;
	[tilespmem:$0x1F6E8] =	vst v63  }
.Ltmp25:
0x1ac: {  	_ = 	snop;
	(pc) =	sbr.rel .LBB3_24-.Ltmp25, $4  }
0x1ad: {  	_ =	swait.ge [sflag:s0], $0x1020  }
0x1ae: {  	[sflag:s0] =	ssyncset.done $0x0  }
0x1af: {  	s31 =	simm.s32 $0x6;
	[sflag:s0] =	ssyncadd.s32 $0xFFFFEFE0  }
0x1b0: {  	s3 =	simm.s32 $0x0;
	[sflag:s31] =	ssyncpa.u1 $0x0  }
.LBB3_30:
0x1b1: {  	p0 =	slt.u32 s4, $0x270F1  }
0x1b2: {  	s0 =	sand.u32 @p0 $0x3FFF8, s4  }
0x1b3: {  	s4 =	sand.u32 @p0 $0x7, s4;
	s5 =	simm.s32 @p0 $0xF188;
	s0 =	sadd.s32 @p0 s1, s0  }
0x1b4: {  	[tilespmem:s5], [sflag:$0x6] =	stream.linear.gather @p0 [hbm4b:s0+s4], $0x80, $0x38;
	[tilespmem:$0x1F6E8] =	vst v63  }
0x1b5: {  	s0 =	simm.s32 @p0 $0x6  }
0x1b6: {  	_ =	swait.ge @p0 [sflag:s0], $0x80  }
0x1b7: {  	[sflag:s0] =	ssyncset.done @p0 $0x0  }
0x1b8: {  	[sflag:s0] =	ssyncadd.s32 @p0 $0xFFFFFF80  }
0x1b9: {  	v1 =	vld @p0 [tilespmem:$0xF188];
	_ =	sdelay $0x2  }
0x1ba: {  	s0 =	sshll.u32 @p0 s3, $0x9  }
0x1bb: {  	s4 =	sshrl.u32 @p0 s0, $0x2  }
0x1bc: {  	[tilespmem:s4+$0xF238] =	vst.add.f32.msk @p0 $0xffff, v1  }
0x1bd: {  	v1 =	vld @p0 [tilespmem:$0xF198];
	_ =	sdelay $0x4  }
0x1be: {  	[tilespmem:s4+$0xF248] =	vst.add.f32.msk @p0 $0xffff, v1  }
0x1bf: {  	v1 =	vld @p0 [tilespmem:$0xF1A8];
	_ =	sdelay $0x4  }
0x1c0: {  	[tilespmem:s4+$0xF258] =	vst.add.f32.msk @p0 $0xffff, v1  }
0x1c1: {  	v1 =	vld @p0 [tilespmem:$0xF1B8];
	_ =	sdelay $0x4  }
0x1c2: {  	[tilespmem:s4+$0xF268] =	vst.add.f32.msk @p0 $0xffff, v1  }
0x1c3: {  	v1 =	vld @p0 [tilespmem:$0xF1C8];
	_ =	sdelay $0x4  }
0x1c4: {  	[tilespmem:s4+$0xF278] =	vst.add.f32.msk @p0 $0xffff, v1  }
0x1c5: {  	v1 =	vld @p0 [tilespmem:$0xF1D8];
	_ =	sdelay $0x4  }
0x1c6: {  	[tilespmem:s4+$0xF288] =	vst.add.f32.msk @p0 $0xffff, v1  }
0x1c7: {  	v1 =	vld @p0 [tilespmem:$0xF1E8];
	_ =	sdelay $0x4  }
0x1c8: {  	[tilespmem:s4+$0xF298] =	vst.add.f32.msk @p0 $0xffff, v1  }
0x1c9: {  	v1 =	vld @p0 [tilespmem:$0xF1F8];
	_ =	sdelay $0x3  }
0x1ca: {  	s5 =	sshll.u32 @!p0 s3, $0x9  }
0x1cb: {  	s5 =	smov.u32 @p0 s0;
	[tilespmem:s4+$0xF2A8] =	vst.add.f32.msk @p0 $0xffff, v1  }
0x1cc: {  	s0 =	sshrl.u32 s5, $0x2;
	[tilespmem:s2+$0xF218] =	vst.msk $0x1, v0  }
0x1cd: {  	v0 =	vld [tilespmem:s0+$0xF238];
	_ =	sdelay $0x2  }
0x1ce: {  	s31 =	sshll.u32 s2, $0x9  }
0x1cf: {  	s4 =	sshra.s32 s31, $0x2  }
0x1d0: {  	[tilespmem:s4+$0xF238] =	vst v0  }
0x1d1: {  	v0 =	vld [tilespmem:s0+$0xF248];
	_ =	sdelay $0x4  }
0x1d2: {  	[tilespmem:s4+$0xF248] =	vst v0  }
0x1d3: {  	v0 =	vld [tilespmem:s0+$0xF258];
	_ =	sdelay $0x4  }
0x1d4: {  	[tilespmem:s4+$0xF258] =	vst v0  }
0x1d5: {  	v0 =	vld [tilespmem:s0+$0xF268];
	_ =	sdelay $0x4  }
0x1d6: {  	[tilespmem:s4+$0xF268] =	vst v0  }
0x1d7: {  	v0 =	vld [tilespmem:s0+$0xF278];
	_ =	sdelay $0x4  }
0x1d8: {  	[tilespmem:s4+$0xF278] =	vst v0  }
0x1d9: {  	v0 =	vld [tilespmem:s0+$0xF288];
	_ =	sdelay $0x4  }
0x1da: {  	[tilespmem:s4+$0xF288] =	vst v0  }
0x1db: {  	v0 =	vld [tilespmem:s0+$0xF298];
	_ =	sdelay $0x4  }
0x1dc: {  	[tilespmem:s4+$0xF298] =	vst v0  }
0x1dd: {  	v0 =	vld [tilespmem:s0+$0xF2A8];
	_ =	sdelay $0x4  }
0x1de: {  	s2 =	sadd.s32 $0x1, s2;
	[tilespmem:s4+$0xF2A8] =	vst v0  }
.LBB3_31:
0x1df: {  	s3 =	sadd.s32 $0x1, s3  }
0x1e0: {  	p0 =	sne.s32 s3, $0x20  }
.Ltmp26:
0x1e1: {  	_ = 	snop;
	(pc) =	sbr.rel @!p0 .LBB3_32-.Ltmp26, $1  }
0x1e2: {  	_ =	sdelay $0x3  }
.LBB3_24:
0x1e3: {  	v0 =	vld.msk [tilespmem:s3+$0xF218], $0x1;
	_ =	sdelay $0x4  }
0x1e4: {  	(v2sf) =	vpush v0, $0x0;
	_ =	sdelay $0xe  }
0x1e5: {  	s4 =	spop (v2sf)  }
0x1e6: {  	p0 =	seq.s32 s4, $0xFFFFFFFF  }
.Ltmp27:
0x1e7: {  	_ = 	snop;
	(pc) =	sbr.rel @p0 .LBB3_31-.Ltmp27, $1  }
0x1e8: {  	_ =	sdelay $0x3  }
0x1e9: {  	p0 =	slt.s32 s2, $0x1  }
.Ltmp28:
0x1ea: {  	_ = 	snop;
	(pc) =	sbr.rel @p0 .LBB3_30-.Ltmp28, $1  }
0x1eb: {  	_ =	sdelay $0x3  }
0x1ec: {  	s5 =	simm.s32 $0xF218;
	p0 =	por $0x0, $0x0  }
0x1ed: {  	v1 =	vld.msk @!p0 [tilespmem:s5+$0x0], $0x1;
	_ =	sdelay $0x4  }
0x1ee: {  	(v2sf) =	vpush @!p0 v1, $0x0;
	_ =	sdelay $0xd  }
0x1ef: {  	p2 =	sne.s32 s2, $0x1  }
.Ltmp29:
0x1f0: {  	s0 =	spop @!p0 (v2sf);
	(pc) =	sbr.rel @!p2 .LBB3_28-.Ltmp29, $4  }
0x1f1: {  	p1 =	seq.s32 @!p0 s4, s0  }
0x1f2: {  	s6 =	simm.s32 $0x0;
	p1 =	por !p1, p0  }
0x1f3: {  	s0 =	simm.s32 $0xFFFFFFFF;
	s6 =	simm.s32 @p1 $0xFFFFFFFF  }
0x1f4: {  	s7 =	simm.s32 $0x1;
	s6 =	smov.u32 @p0 s0  }
.LBB3_27:
0x1f5: {  	s0 =	smov.u32 s6;
	p0 =	sne.s32 s6, $0xFFFFFFFF  }
0x1f6: {  	s5 =	sadd.s32 $0x1, s5;
	s6 =	smov.u32 s7;
	s7 =	sadd.s32 $0x1, s7  }
0x1f7: {  	p1 =	sne.s32 s2, s7;
	v1 =	vld.msk @!p0 [tilespmem:s5+$0x0], $0x1;
	_ =	sdelay $0x4  }
0x1f8: {  	(v2sf) =	vpush @!p0 v1, $0x0;
	_ =	sdelay $0xe  }
.Ltmp30:
0x1f9: {  	s8 =	spop @!p0 (v2sf);
	(pc) =	sbr.rel @p1 .LBB3_27-.Ltmp30, $4  }
0x1fa: {  	p2 =	seq.s32 @!p0 s4, s8  }
0x1fb: {  	p2 =	por !p2, p0  }
0x1fc: {  	s6 =	simm.s32 @p2 $0xFFFFFFFF  }
0x1fd: {  	s6 =	smov.u32 @p0 s0  }
.LBB3_28:
0x1fe: {  	p0 =	seq.s32 s6, $0xFFFFFFFF  }
.Ltmp31:
0x1ff: {  	_ = 	snop;
	(pc) =	sbr.rel @p0 .LBB3_30-.Ltmp31, $1  }
0x200: {  	_ =	sdelay $0x3  }
0x201: {  	s0 =	sshll.u32 s3, $0x7  }
0x202: {  	s0 =	sand.u32 $0x3FFFFF80, s0  }
0x203: {  	v0 =	vld [tilespmem:s0+$0xF238];
	_ =	sdelay $0x2  }
0x204: {  	s4 =	sshll.u32 s6, $0x9  }
0x205: {  	s4 =	sshra.s32 s4, $0x2  }
0x206: {  	[tilespmem:s4+$0xF238] =	vst.add.f32.msk $0xffff, v0  }
0x207: {  	v0 =	vld [tilespmem:s0+$0xF248];
	_ =	sdelay $0x4  }
0x208: {  	[tilespmem:s4+$0xF248] =	vst.add.f32.msk $0xffff, v0  }
0x209: {  	v0 =	vld [tilespmem:s0+$0xF258];
	_ =	sdelay $0x4  }
0x20a: {  	[tilespmem:s4+$0xF258] =	vst.add.f32.msk $0xffff, v0  }
0x20b: {  	v0 =	vld [tilespmem:s0+$0xF268];
	_ =	sdelay $0x4  }
0x20c: {  	[tilespmem:s4+$0xF268] =	vst.add.f32.msk $0xffff, v0  }
0x20d: {  	v0 =	vld [tilespmem:s0+$0xF278];
	_ =	sdelay $0x4  }
0x20e: {  	[tilespmem:s4+$0xF278] =	vst.add.f32.msk $0xffff, v0  }
0x20f: {  	v0 =	vld [tilespmem:s0+$0xF288];
	_ =	sdelay $0x4  }
0x210: {  	[tilespmem:s4+$0xF288] =	vst.add.f32.msk $0xffff, v0  }
0x211: {  	v0 =	vld [tilespmem:s0+$0xF298];
	_ =	sdelay $0x4  }
0x212: {  	[tilespmem:s4+$0xF298] =	vst.add.f32.msk $0xffff, v0  }
0x213: {  	v0 =	vld [tilespmem:s0+$0xF2A8]  }
.Ltmp32:
0x214: {  	_ = 	snop;
	(pc) =	sbr.rel .LBB3_31-.Ltmp32, $2  }
0x215: {  	_ =	sdelay $0x2  }
0x216: {  	[tilespmem:s4+$0xF2A8] =	vst.add.f32.msk $0xffff, v0  }
.LBB3_32:
0x217: {  	p0 =	slt.s32 s2, $0x1  }
.Ltmp33:
0x218: {  	_ = 	snop;
	(pc) =	sbr.rel @p0 .LBB3_36-.Ltmp33, $3  }
0x219: {  	_ =	sdelay $0x1  }
0x21a: {  	s0 =	simm.s32 $0x6  }
0x21b: {  	s3 =	simm.s32 $0x0;
	[sflag:s0] =	ssyncpa.u1 $0x1  }
0x21c: {  	s0 =	simm.s32 $0xF218  }
0x21d: {  	v0 =	vld.msk [tilespmem:s0+$0x0], $0x1;
	_ =	sdelay $0x4  }
0x21e: {  	(v2sf) =	vpush v0, $0x0;
	_ =	sdelay $0xd  }
0x21f: {  	s2 =	sadd.s32 $0xFFFFFFFF, s2  }
0x220: {  	p1 =	sne.s32 s2, $0x0;
	s0 =	spop (v2sf)  }
.Ltmp34:
0x221: {  	p0 =	sgt.u32 s0, $0x270F0;
	(pc) =	sbr.rel @!p1 .LBB3_35-.Ltmp34, $4  }
0x222: {  	s4 =	simm.s32 $0xF238;
	s5 =	sand.u32 @!p0 $0x3FFF8, s0  }
0x223: {  	s6 =	simm.s32 $0x0;
	s0 =	sand.u32 @!p0 $0x7, s0;
	s5 =	sadd.s32 @!p0 s1, s5  }
0x224: {  	[hbm4b:s5+s0] =	stream.linear.scatter @!p0 [tilespmem:s4], [sflag:$0x5], $0x80, $0x38;
	[tilespmem:$0x1F6E8] =	vst v63  }
0x225: {  	s6 =	simm.s32 @!p0 $0x200;
	s5 =	simm.s32 $0xF219  }
.LBB3_34:
0x226: {  	v0 =	vld.msk [tilespmem:s5+$0x0], $0x1;
	s2 =	sadd.s32 $0xFFFFFFFF, s2;
	s3 =	sadd.s32 s3, s6  }
0x227: {  	p0 =	sne.s32 s2, $0x0;
	_ =	sdelay $0x3  }
0x228: {  	(v2sf) =	vpush v0, $0x0;
	_ =	sdelay $0xe  }
.Ltmp35:
0x229: {  	s0 =	spop (v2sf);
	(pc) =	sbr.rel @p0 .LBB3_34-.Ltmp35, $4  }
0x22a: {  	s6 =	simm.s32 $0x0;
	p1 =	sgt.u32 s0, $0x270F0  }
0x22b: {  	s4 =	sadd.s32 $0x80, s4;
	s6 =	simm.s32 @!p1 $0x200;
	s7 =	sand.u32 @!p1 $0x3FFF8, s0  }
0x22c: {  	s5 =	sadd.s32 $0x1, s5;
	s0 =	sand.u32 @!p1 $0x7, s0;
	s7 =	sadd.s32 @!p1 s1, s7  }
0x22d: {  	[hbm4b:s7+s0] =	stream.linear.scatter @!p1 [tilespmem:s4], [sflag:$0x5], $0x80, $0x38;
	[tilespmem:$0x1F6E8] =	vst v63  }
.LBB3_35:
0x22e: {  	s0 =	sadd.s32 s3, s6  }
0x22f: {  	s3 =	sshrl.u32 s0, $0x2  }
.LBB3_36:
0x230: {  	s0 =	simm.s32 $0x5  }
0x231: {  	_ =	swait.ge [sflag:s0], s3  }
0x232: {  	s1 =	ssub.s32 $0x0, s3;
	[sflag:s0] =	ssyncset.done $0x0  }
0x233: {  	[sflag:s0] =	ssyncadd.s32 s1  }
0x234: {  	[sflag:s0] =	ssyncpa.u1 $0x1  }
0x235: {  	s30 =	simm.s32 $0x1;
	_ =	sfence  }
0x236: {  	[sflag:s30] =	ssyncpa.u1 $0x1  }
0x237: {  	_ =	strace $0x90000053  }
0x238: {  	[bflag:$0x2] =	sbarrier.arrive $0xFFFF  }
0x239: {  	s31 =	rddreg [dreg:$0x1]  }
0x23a: {  	s0 =	sadd.s32 $0x100000, s31  }
0x23b: {  	[sflag:s0] =	ssyncadd.tile.s32 $0x1;
	_ =	shalt  }
.Lfunc_end3:
_tile_overlayer_lowered:
.L_overlay_start_3:
0x23c: {  	(tag) =	ssettag $0x3  }
0x23d: {  	s0 =	rddreg [dreg:$0x0];
	s2 =	stileid.u32  }
0x23e: {  	s1 =	rddreg [dreg:$0x1];
	p0 =	sne.s32 s2, $0x0  }
0x23f: {  	s3 =	rddreg [dreg:$0x2];
	[bflag:$0x3] =	sbarrier.arrive $0xFFFF;
	s2 =	simm.s32 @!p0 $0x1C01  }
0x240: {  	[timem:s3], [sflag:s2] =	dma.local @!p0 [hbm:s0], s1  }
0x241: {  	s0 =	simm.s32 @!p0 $0x1  }
0x242: {  	_ =	swait.ge @!p0 [sflag:s0], s1  }
0x243: {  	s1 =	ssub.s32 @!p0 $0x0, s1;
	[sflag:s0] =	ssyncset.done @!p0 $0x0  }
0x244: {  	[sflag:s0] =	ssyncadd.s32 @!p0 s1  }
0x245: {  	[bflag:$0x3] =	sbarrier.arrive $0xFFFF  }
0x246: {  	_ =	shalt  }

// kernel: scatter_offload_async_start
scs
__scs_entry_jumppad:
0x0: {  	(pc) =	sbr.rel $0x88, $3  }
0x1: {  	(tag) =	ssettag $0x0;
	lr =	simm.s32 $0x1  }
0x2: {  	[smem:$0x3F97] =	sst lr;
	_ =	strace $0xD0000000  }
0x3: {  	_ = 	snop  }
0x4: {  	_ = 	snop  }
0x5: {  	_ = 	snop  }
0x6: {  	_ = 	snop  }
0x7: {  	_ = 	snop  }
__scs_overlays_trampoline_lowered:
0x8: {  	[smem:$0x3FA6] =	sst s0  }
0x9: {  	[smem:$0x3FA7] =	sst s1  }
0xa: {  	[smem:$0x3FA8] =	sst s2  }
0xb: {  	[smem:$0x3FA9] =	sst s3  }
0xc: {  	[smem:$0x3FAA] =	sst s4  }
0xd: {  	[smem:$0x3FAB] =	sst s5  }
0xe: {  	[smem:$0x3FAC] =	sst s6  }
0xf: {  	[smem:$0x3FAD] =	sst s7  }
0x10: {  	[smem:$0x3FAE] =	sst s8  }
0x11: {  	[smem:$0x3FAF] =	sst s9;
	s0 =	simm.s32 @!p0 $0x0  }
0x12: {  	s1 =	sld [smem:$0x3F95];
	s0 =	simm.s32 @p0 $0x1  }
0x13: {  	[smem:$0x3FB0] =	sst s0;
	s0 =	simm.s32 @!p1 $0x0  }
0x14: {  	s2 =	sld [smem:$0x3F94];
	s0 =	simm.s32 @p1 $0x1  }
0x15: {  	[smem:$0x3FB1] =	sst s0;
	s0 =	simm.s32 @!p2 $0x0  }
0x16: {  	s3 =	sld [smem:$0x3FDB];
	s0 =	simm.s32 @p2 $0x1  }
0x17: {  	s4 =	simm.s32 $0x1BF5;
	[smem:$0x3FB3] =	sst s0  }
0x18: {  	s0 =	sld [smem:$0x3F96];
	_ =	swait.ge [sflag:s4], $0x0  }
0x19: {  	s7 =	sld [smem:$0x3F97]  }
0x1a: {  	s8 =	sadd.s32 $0xFFFFE003, lr  }
0x1b: {  	s9 =	sadd.s32 $0xFFFFFEF7, lr;
	s5 =	simm.s32 $0xFFFFFFFF;
	p2 =	slt.u32 s8, $0xFFFFF086  }
0x1c: {  	p1 =	slt.u32 s9, $0xF7A;
	s5 =	simm.s32 @!p2 $0x0  }
0x1d: {  	s5 =	simm.s32 @p1 $0x1;
	p0 =	seq.s32 s7, s2  }
0x1e: {  	s7 =	smul.u32 @!p0 $0xF7A, s2;
	p2 =	seq.s32 @!p0 s5, $0x0  }
0x1f: {  	s9 =	smul.u32 $0xF7A, s1;
	s8 =	simm.s32 @!p0 $0x1BF5;
	p2 =	por !p2, p0  }
0x20: {  	[sflag:s8] =	ssyncset.s32 @!p0 $0xFFFFF086;
	s6 =	sadd.s32 @!p0 s3, s7;
	s7 =	simm.s32 @!p0 $0x108  }
0x21: {  	s3 =	sadd.s32 s3, s9;
	s6 =	sadd.s32 @!p0 $0x88, s6;
	s7 =	simm.s32 @p2 $0x1082  }
0x22: {  	[simem:s7], [sflag:s8] =	dma.local @!p0 [hbm:s6], $0xF7A  }
0x23: {  	s9 =	sor.u32 $0xD0000000, s2;
	s6 =	simm.s32 $0x108;
	_ =	swait.ge @!p0 [sflag:s8], $0x0  }
0x24: {  	s3 =	sadd.s32 $0x88, s3;
	s6 =	simm.s32 @!p1 $0x1082;
	[sflag:s4] =	ssyncset.s32 $0xFFFFF086  }
0x25: {  	[simem:s6], [sflag:s4] =	dma.local [hbm:s3], $0xF7A  }
0x26: {  	[smem:$0x3F97] =	sst s1;
	(tag) =	ssettag s2;
	_ =	strace s9  }
0x27: {  	s1 =	sld [smem:$0x3FA7]  }
0x28: {  	s2 =	sld [smem:$0x3FA8]  }
0x29: {  	s4 =	sld [smem:$0x3FAA]  }
0x2a: {  	p0 =	seq.s32 s5, $0x0;
	s5 =	sld [smem:$0x3FAB]  }
0x2b: {  	s6 =	sld [smem:$0x3FAC]  }
0x2c: {  	s7 =	sld [smem:$0x3FAD]  }
0x2d: {  	s3 =	simm.s32 $0x108;
	s8 =	sld [smem:$0x3FAE]  }
0x2e: {  	s3 =	simm.s32 @!p0 $0x1082;
	s9 =	sld [smem:$0x3FAF]  }
0x2f: {  	lr =	sadd.s32 s0, s3;
	s0 =	sld [smem:$0x3FA6]  }
0x30: {  	s3 =	sld [smem:$0x3FA9]  }
0x31: {  	[smem:$0x3FB2] =	sst s10  }
0x32: {  	s10 =	sld [smem:$0x3FB0];
	_ =	sdelay $0x3  }
0x33: {  	p0 =	seq.s32 s10, $0x1;
	s10 =	sld [smem:$0x3FB2];
	_ =	sdelay $0x3  }
0x34: {  	[smem:$0x3FB2] =	sst s10  }
0x35: {  	s10 =	sld [smem:$0x3FB1];
	_ =	sdelay $0x3  }
0x36: {  	p1 =	seq.s32 s10, $0x1;
	s10 =	sld [smem:$0x3FB2];
	_ =	sdelay $0x3  }
0x37: {  	[smem:$0x3FB2] =	sst s10  }
0x38: {  	s10 =	sld [smem:$0x3FB3]  }
0x39: {  	_ = 	snop;
	(pc) =	sbr.ind lr, $3  }
0x3a: {  	_ = 	snop  }
0x3b: {  	_ = 	snop  }
0x3c: {  	p2 =	seq.s32 s10, $0x1;
	s10 =	sld [smem:$0x3FB2]  }
0x3d: {  	_ =	shalt  }
0x3e: {  	_ =	shalt  }
0x3f: {  	_ =	shalt  }
0x40: {  	_ =	shalt  }
0x41: {  	_ =	shalt  }
0x42: {  	_ =	shalt  }
0x43: {  	_ =	shalt  }
0x44: {  	_ =	shalt  }
0x45: {  	_ =	shalt  }
0x46: {  	_ =	shalt  }
0x47: {  	_ =	shalt  }
0x48: {  	_ =	shalt  }
0x49: {  	_ =	shalt  }
0x4a: {  	_ =	shalt  }
0x4b: {  	_ =	shalt  }
0x4c: {  	_ =	shalt  }
0x4d: {  	_ =	shalt  }
0x4e: {  	_ =	shalt  }
0x4f: {  	_ =	shalt  }
0x50: {  	_ =	shalt  }
0x51: {  	_ =	shalt  }
0x52: {  	_ =	shalt  }
0x53: {  	_ =	shalt  }
0x54: {  	_ =	shalt  }
0x55: {  	_ =	shalt  }
0x56: {  	_ =	shalt  }
0x57: {  	_ =	shalt  }
0x58: {  	_ =	shalt  }
0x59: {  	_ =	shalt  }
0x5a: {  	_ =	shalt  }
0x5b: {  	_ =	shalt  }
0x5c: {  	_ =	shalt  }
0x5d: {  	_ =	shalt  }
0x5e: {  	_ =	shalt  }
0x5f: {  	_ =	shalt  }
0x60: {  	_ =	shalt  }
0x61: {  	_ =	shalt  }
0x62: {  	_ =	shalt  }
0x63: {  	_ =	shalt  }
0x64: {  	_ =	shalt  }
0x65: {  	_ =	shalt  }
0x66: {  	_ =	shalt  }
0x67: {  	_ =	shalt  }
0x68: {  	_ =	shalt  }
0x69: {  	_ =	shalt  }
0x6a: {  	_ =	shalt  }
0x6b: {  	_ =	shalt  }
0x6c: {  	_ =	shalt  }
0x6d: {  	_ =	shalt  }
0x6e: {  	_ =	shalt  }
0x6f: {  	_ =	shalt  }
0x70: {  	_ =	shalt  }
0x71: {  	_ =	shalt  }
0x72: {  	_ =	shalt  }
0x73: {  	_ =	shalt  }
0x74: {  	_ =	shalt  }
0x75: {  	_ =	shalt  }
0x76: {  	_ =	shalt  }
0x77: {  	_ =	shalt  }
0x78: {  	_ =	shalt  }
0x79: {  	_ =	shalt  }
0x7a: {  	_ =	shalt  }
0x7b: {  	_ =	shalt  }
0x7c: {  	_ =	shalt  }
0x7d: {  	_ =	shalt  }
0x7e: {  	_ =	shalt  }
0x7f: {  	_ =	shalt  }
0x80: {  	_ =	shalt  }
0x81: {  	_ =	shalt  }
0x82: {  	_ =	shalt  }
0x83: {  	_ =	shalt  }
0x84: {  	_ =	shalt  }
0x85: {  	_ =	shalt  }
0x86: {  	_ =	shalt  }
0x87: {  	_ =	shalt  }
.Lfunc_end0:
.L_simem_size_0:
called_computation_lowered:
.L_overlay_start_0:
0x88: {  	s0 =	sld [smem:$0x3FD9]  }
0x89: {  	s1 =	sld [smem:$0x3FFE];
	_ =	sdelay $0x3  }
0x8a: {  	s0 =	sadd.s32 s1, s0  }
0x8b: {  	[smem:$0x3FBE] =	sst s0  }
0x8c: {  	_ = 	snop  }
0x8d: {  	s0 =	sld [smem:$0x3FD0];
	(tm) =	ssettm $0x1  }
0x8e: {  	s16 =	sld [smem:$0x3FFB];
	_ =	sdelay $0x3  }
0x8f: {  	_ =	strace s16  }
0x90: {  	s1 =	sld [smem:$0x3FFC];
	_ =	sdelay $0x3  }
0x91: {  	_ =	strace s1  }
0x92: {  	s1 =	sld [smem:$0x3FFD];
	_ =	sdelay $0x3  }
0x93: {  	_ =	strace s1  }
0x94: {  	_ =	strace $0x8FFFFFFF  }
0x95: {  	s17 =	sld [smem:$0x3FDB];
	_ =	sdelay $0x1  }
0x96: {  	s2 =	simm.s32 $_scs_section_size  }
0x97: {  	s3 =	simm.s32 $_size__tile_overlayer_lowered;
	s4 =	simm.s32 $_tile_overlayer_lowered  }
0x98: {  	s20 =	simm.s32 $0x1BFF;
	s19 =	sshll.u32 s4, $0x1;
	s1 =	sadd.s32 s2, s17  }
0x99: {  	s5 =	simm.s32 $0x0;
	s18 =	sshll.u32 s3, $0x1;
	s3 =	sadd.s32 s19, s1  }
0x9a: {  	[timem:s5], [sflag:s20] =	dma.local [hbm:s3], s18  }
0x9b: {  	_ =	swait.ge [sflag:s20], s18  }
0x9c: {  	s2 =	ssub.s32 $0x0, s18;
	[sflag:s20] =	ssyncset.done $0x0  }
0x9d: {  	[sflag:s20] =	ssyncadd.s32 s2;
	_ =	sdelay $0x1  }
0x9e: {  	s21 =	simm.s32 $0x1B8B  }
0x9f: {  	_ =	swait.ge [sflag:s21], $0x1  }
0xa0: {  	[sflag:s21] =	ssyncset.done $0x0  }
0xa1: {  	s23 =	simm.s32 $0x1B8E;
	s22 =	sld [smem:$0x3FFE];
	[sflag:s21] =	ssyncadd.s32 $0xFFFFFFFF  }
0xa2: {  	s24 =	simm.s32 $execute0_lowered;
	[smem:$0x3FD2] =	sst s23  }
0xa3: {  	s3 =	sshll.u32 s24, $0x1;
	_ =	strace $0x80000046;
	[dreg:$0x1] =	wrdreg $0xFFFFFFFF  }
0xa4: {  	s25 =	simm.s32 $_size_execute0_lowered;
	s1 =	sadd.s32 s1, s3;
	[dreg:$0x0] =	wrdreg $0x0  }
0xa5: {  	s3 =	sshll.u32 s25, $0x1;
	[dreg:$0x2] =	wrdreg s1  }
0xa6: {  	[dreg:$0x3] =	wrdreg s3  }
0xa7: {  	[dreg:$0x4] =	wrdreg $0xC0  }
0xa8: {  	_ =	task [dreg:s5], $0x5FFFF  }
0xa9: {  	[dreg:$0x1] =	wrdreg $0xFFFFFFFF  }
0xaa: {  	[dreg:$0x0] =	wrdreg $0x60  }
0xab: {  	[dreg:$0x2] =	wrdreg s0  }
0xac: {  	[dreg:$0x3] =	wrdreg s22  }
0xad: {  	[dreg:$0x4] =	wrdreg $0x9  }
0xae: {  	_ =	task.clear_ibuf [dreg:s5], $0x5FFFF;
	_ =	strace $0x90000046  }
0xaf: {  	s26 =	simm.s32 $0x9;
	_ =	strace $0x80000048  }
0xb0: {  	_ =	swait.ge [sflag:s26], $0x1  }
0xb1: {  	[sflag:s26] =	ssyncadd.s32 $0xFFFFFFFF  }
0xb2: {  	_ =	strace $0x90000048  }
0xb3: {  	_ =	sfence  }
0xb4: {  	s28 =	sld [smem:$0x0];
	_ =	sdelay $0x1  }
0xb5: {  	s29 =	srdreg.scid  }
0xb6: {  	s30 =	sshll.u32 s29, $0xD;
	s31 =	sshrl.u32 s29, $0x2  }
0xb7: {  	s2 =	sand.u32 $0x4000, s30;
	s1 =	sand.u32 $0x1, s29;
	s0 =	sadd.s32 s31, s28  }
0xb8: {  	s1 =	sor.u32 s2, s1;
	s0 =	sshll.u32 s0, $0x11  }
0xb9: {  	s0 =	sor.u32 s0, s1  }
0xba: {  	s0 =	sadd.s32 $0x8F2B, s0  }
0xbb: {  	[sflag:s0] =	ssyncadd.remote.s32 $0x1  }
0xbc: {  	_ =	sfence.sel $0xFFFF  }
0xbd: {  	[dreg:$0x0] =	wrdreg $0xFFFFFFFF;
	(pc) =	sbr.abs _section_cstart, $3  }
0xbe: {  	[dreg:$0x1] =	wrdreg $0xFFFFFFFF  }
0xbf: {  	_ =	task.clear_ibuf [dreg:s5], $0x2FFFF;
	_ =	strace $0x9FFFFFFF  }
0xc0: {  	(tm) =	ssettm $0x7FFFFFFF  }
0xc1: {  	_ =	shalt  }
tec
execute0_lowered:
.L_overlay_start_1:
0x0: {  	(tag) =	ssettag $0x1  }
0x1: {  	s1 =	rddreg [dreg:$0x0]  }
0x2: {  	s8 =	rddreg [dreg:$0x1];
	_ =	strace $0x80000047;
	s11 =	simm.s32 $0x1  }
0x3: {  	v0 =	vimm.s32 $0x0;
	[sflag:s11] =	ssyncpa.u1 $0x0  }
0x4: {  	[tilespmem:$0x28] =	vst v0  }
0x5: {  	[tilespmem:$0x38] =	vst v0  }
0x6: {  	[tilespmem:$0x48] =	vst v0  }
0x7: {  	[tilespmem:$0x58] =	vst v0  }
0x8: {  	[tilespmem:$0x68] =	vst v0  }
0x9: {  	[tilespmem:$0x78] =	vst v0  }
0xa: {  	[tilespmem:$0x88] =	vst v0  }
0xb: {  	[tilespmem:$0x98] =	vst v0  }
0xc: {  	[tilespmem:$0xA8] =	vst v0  }
0xd: {  	[tilespmem:$0xB8] =	vst v0  }
0xe: {  	[tilespmem:$0xC8] =	vst v0  }
0xf: {  	[tilespmem:$0xD8] =	vst v0  }
0x10: {  	[tilespmem:$0xE8] =	vst v0  }
0x11: {  	[tilespmem:$0xF8] =	vst v0  }
0x12: {  	[tilespmem:$0x108] =	vst v0  }
0x13: {  	[tilespmem:$0x118] =	vst v0  }
0x14: {  	[tilespmem:$0x128] =	vst v0  }
0x15: {  	[tilespmem:$0x138] =	vst v0  }
0x16: {  	[tilespmem:$0x148] =	vst v0  }
0x17: {  	[tilespmem:$0x158] =	vst v0  }
0x18: {  	[tilespmem:$0x168] =	vst v0  }
0x19: {  	[tilespmem:$0x178] =	vst v0  }
0x1a: {  	[tilespmem:$0x188] =	vst v0  }
0x1b: {  	[tilespmem:$0x198] =	vst v0  }
0x1c: {  	[tilespmem:$0x1A8] =	vst v0  }
0x1d: {  	[tilespmem:$0x1B8] =	vst v0  }
0x1e: {  	[tilespmem:$0x1C8] =	vst v0  }
0x1f: {  	[tilespmem:$0x1D8] =	vst v0  }
0x20: {  	[tilespmem:$0x1E8] =	vst v0  }
0x21: {  	[tilespmem:$0x1F8] =	vst v0  }
0x22: {  	[tilespmem:$0x208] =	vst v0  }
0x23: {  	[tilespmem:$0x218] =	vst v0  }
0x24: {  	[tilespmem:$0x228] =	vst v0  }
0x25: {  	[tilespmem:$0x238] =	vst v0  }
0x26: {  	[tilespmem:$0x248] =	vst v0  }
0x27: {  	[tilespmem:$0x258] =	vst v0  }
0x28: {  	[tilespmem:$0x268] =	vst v0  }
0x29: {  	[tilespmem:$0x278] =	vst v0  }
0x2a: {  	[tilespmem:$0x288] =	vst v0  }
0x2b: {  	[tilespmem:$0x298] =	vst v0  }
0x2c: {  	[tilespmem:$0x2A8] =	vst v0  }
0x2d: {  	[tilespmem:$0x2B8] =	vst v0  }
0x2e: {  	[tilespmem:$0x2C8] =	vst v0  }
0x2f: {  	[tilespmem:$0x2D8] =	vst v0  }
0x30: {  	[tilespmem:$0x2E8] =	vst v0  }
0x31: {  	[tilespmem:$0x2F8] =	vst v0  }
0x32: {  	[tilespmem:$0x308] =	vst v0  }
0x33: {  	[tilespmem:$0x318] =	vst v0  }
0x34: {  	[tilespmem:$0x328] =	vst v0  }
0x35: {  	[tilespmem:$0x338] =	vst v0  }
0x36: {  	[tilespmem:$0x348] =	vst v0  }
0x37: {  	[tilespmem:$0x358] =	vst v0  }
0x38: {  	[tilespmem:$0x368] =	vst v0  }
0x39: {  	[tilespmem:$0x378] =	vst v0  }
0x3a: {  	[tilespmem:$0x388] =	vst v0  }
0x3b: {  	[tilespmem:$0x398] =	vst v0  }
0x3c: {  	[tilespmem:$0x3A8] =	vst v0  }
0x3d: {  	[tilespmem:$0x3B8] =	vst v0  }
0x3e: {  	[tilespmem:$0x3C8] =	vst v0  }
0x3f: {  	[tilespmem:$0x3D8] =	vst v0  }
0x40: {  	[tilespmem:$0x3E8] =	vst v0  }
0x41: {  	[tilespmem:$0x3F8] =	vst v0  }
0x42: {  	[tilespmem:$0x408] =	vst v0  }
0x43: {  	[tilespmem:$0x418] =	vst v0  }
0x44: {  	[tilespmem:$0x428] =	vst v0  }
0x45: {  	[tilespmem:$0x438] =	vst v0  }
0x46: {  	[tilespmem:$0x448] =	vst v0  }
0x47: {  	[tilespmem:$0x458] =	vst v0  }
0x48: {  	[tilespmem:$0x468] =	vst v0  }
0x49: {  	[tilespmem:$0x478] =	vst v0  }
0x4a: {  	[tilespmem:$0x488] =	vst v0  }
0x4b: {  	[tilespmem:$0x498] =	vst v0  }
0x4c: {  	[tilespmem:$0x4A8] =	vst v0  }
0x4d: {  	[tilespmem:$0x4B8] =	vst v0  }
0x4e: {  	[tilespmem:$0x4C8] =	vst v0  }
0x4f: {  	[tilespmem:$0x4D8] =	vst v0  }
0x50: {  	[tilespmem:$0x4E8] =	vst v0  }
0x51: {  	[tilespmem:$0x4F8] =	vst v0  }
0x52: {  	[tilespmem:$0x508] =	vst v0  }
0x53: {  	[tilespmem:$0x518] =	vst v0  }
0x54: {  	[tilespmem:$0x528] =	vst v0  }
0x55: {  	[tilespmem:$0x538] =	vst v0  }
0x56: {  	[tilespmem:$0x548] =	vst v0  }
0x57: {  	[tilespmem:$0x558] =	vst v0  }
0x58: {  	[tilespmem:$0x568] =	vst v0  }
0x59: {  	[tilespmem:$0x578] =	vst v0  }
0x5a: {  	[tilespmem:$0x588] =	vst v0  }
0x5b: {  	[tilespmem:$0x598] =	vst v0  }
0x5c: {  	[tilespmem:$0x5A8] =	vst v0  }
0x5d: {  	[tilespmem:$0x5B8] =	vst v0  }
0x5e: {  	[tilespmem:$0x5C8] =	vst v0  }
0x5f: {  	[tilespmem:$0x5D8] =	vst v0  }
0x60: {  	[tilespmem:$0x5E8] =	vst v0  }
0x61: {  	[tilespmem:$0x5F8] =	vst v0  }
0x62: {  	[tilespmem:$0x608] =	vst v0  }
0x63: {  	[tilespmem:$0x618] =	vst v0  }
0x64: {  	[tilespmem:$0x628] =	vst v0  }
0x65: {  	[tilespmem:$0x638] =	vst v0  }
0x66: {  	[tilespmem:$0x648] =	vst v0  }
0x67: {  	[tilespmem:$0x658] =	vst v0  }
0x68: {  	[tilespmem:$0x668] =	vst v0  }
0x69: {  	[tilespmem:$0x678] =	vst v0  }
0x6a: {  	[tilespmem:$0x688] =	vst v0  }
0x6b: {  	[tilespmem:$0x698] =	vst v0  }
0x6c: {  	[tilespmem:$0x6A8] =	vst v0  }
0x6d: {  	[tilespmem:$0x6B8] =	vst v0  }
0x6e: {  	[tilespmem:$0x6C8] =	vst v0  }
0x6f: {  	[tilespmem:$0x6D8] =	vst v0  }
0x70: {  	[tilespmem:$0x6E8] =	vst v0  }
0x71: {  	[tilespmem:$0x6F8] =	vst v0  }
0x72: {  	[tilespmem:$0x708] =	vst v0  }
0x73: {  	[tilespmem:$0x718] =	vst v0  }
0x74: {  	[tilespmem:$0x728] =	vst v0  }
0x75: {  	[tilespmem:$0x738] =	vst v0  }
0x76: {  	[tilespmem:$0x748] =	vst v0  }
0x77: {  	[tilespmem:$0x758] =	vst v0  }
0x78: {  	[tilespmem:$0x768] =	vst v0  }
0x79: {  	[tilespmem:$0x778] =	vst v0  }
0x7a: {  	[tilespmem:$0x788] =	vst v0  }
0x7b: {  	[tilespmem:$0x798] =	vst v0  }
0x7c: {  	[tilespmem:$0x7A8] =	vst v0  }
0x7d: {  	[tilespmem:$0x7B8] =	vst v0  }
0x7e: {  	[tilespmem:$0x7C8] =	vst v0  }
0x7f: {  	[tilespmem:$0x7D8] =	vst v0  }
0x80: {  	[tilespmem:$0x7E8] =	vst v0  }
0x81: {  	[tilespmem:$0x7F8] =	vst v0  }
0x82: {  	[tilespmem:$0x808] =	vst v0  }
0x83: {  	[tilespmem:$0x818] =	vst v0  }
0x84: {  	[tilespmem:$0x828] =	vst v0  }
0x85: {  	[tilespmem:$0x838] =	vst v0  }
0x86: {  	[tilespmem:$0x848] =	vst v0  }
0x87: {  	[tilespmem:$0x858] =	vst v0  }
0x88: {  	[tilespmem:$0x868] =	vst v0  }
0x89: {  	[tilespmem:$0x878] =	vst v0  }
0x8a: {  	[tilespmem:$0x888] =	vst v0  }
0x8b: {  	[tilespmem:$0x898] =	vst v0  }
0x8c: {  	[tilespmem:$0x8A8] =	vst v0  }
0x8d: {  	[tilespmem:$0x8B8] =	vst v0  }
0x8e: {  	[tilespmem:$0x8C8] =	vst v0  }
0x8f: {  	[tilespmem:$0x8D8] =	vst v0  }
0x90: {  	[tilespmem:$0x8E8] =	vst v0  }
0x91: {  	[tilespmem:$0x8F8] =	vst v0  }
0x92: {  	[tilespmem:$0x908] =	vst v0  }
0x93: {  	[tilespmem:$0x918] =	vst v0  }
0x94: {  	[tilespmem:$0x928] =	vst v0  }
0x95: {  	[tilespmem:$0x938] =	vst v0  }
0x96: {  	[tilespmem:$0x948] =	vst v0  }
0x97: {  	[tilespmem:$0x958] =	vst v0  }
0x98: {  	[tilespmem:$0x968] =	vst v0  }
0x99: {  	[tilespmem:$0x978] =	vst v0  }
0x9a: {  	[tilespmem:$0x988] =	vst v0  }
0x9b: {  	[tilespmem:$0x998] =	vst v0  }
0x9c: {  	[tilespmem:$0x9A8] =	vst v0  }
0x9d: {  	[tilespmem:$0x9B8] =	vst v0  }
0x9e: {  	[tilespmem:$0x9C8] =	vst v0  }
0x9f: {  	[tilespmem:$0x9D8] =	vst v0  }
0xa0: {  	[tilespmem:$0x9E8] =	vst v0  }
0xa1: {  	[tilespmem:$0x9F8] =	vst v0  }
0xa2: {  	[tilespmem:$0xA08] =	vst v0  }
0xa3: {  	[tilespmem:$0xA18] =	vst v0  }
0xa4: {  	[tilespmem:$0xA28] =	vst v0  }
0xa5: {  	[tilespmem:$0xA38] =	vst v0  }
0xa6: {  	[tilespmem:$0xA48] =	vst v0  }
0xa7: {  	[tilespmem:$0xA58] =	vst v0  }
0xa8: {  	[tilespmem:$0xA68] =	vst v0  }
0xa9: {  	[tilespmem:$0xA78] =	vst v0  }
0xaa: {  	[tilespmem:$0xA88] =	vst v0  }
0xab: {  	[tilespmem:$0xA98] =	vst v0  }
0xac: {  	[tilespmem:$0xAA8] =	vst v0  }
0xad: {  	[tilespmem:$0xAB8] =	vst v0  }
0xae: {  	[tilespmem:$0xAC8] =	vst v0  }
0xaf: {  	[tilespmem:$0xAD8] =	vst v0  }
0xb0: {  	[tilespmem:$0xAE8] =	vst v0  }
0xb1: {  	[tilespmem:$0xAF8] =	vst v0  }
0xb2: {  	[tilespmem:$0xB08] =	vst v0  }
0xb3: {  	[tilespmem:$0xB18] =	vst v0  }
0xb4: {  	[tilespmem:$0xB28] =	vst v0  }
0xb5: {  	[tilespmem:$0xB38] =	vst v0  }
0xb6: {  	[tilespmem:$0xB48] =	vst v0  }
0xb7: {  	[tilespmem:$0xB58] =	vst v0  }
0xb8: {  	[tilespmem:$0xB68] =	vst v0  }
0xb9: {  	[tilespmem:$0xB78] =	vst v0  }
0xba: {  	[tilespmem:$0xB88] =	vst v0  }
0xbb: {  	[tilespmem:$0xB98] =	vst v0  }
0xbc: {  	[tilespmem:$0xBA8] =	vst v0  }
0xbd: {  	[tilespmem:$0xBB8] =	vst v0  }
0xbe: {  	[tilespmem:$0xBC8] =	vst v0  }
0xbf: {  	[tilespmem:$0xBD8] =	vst v0  }
0xc0: {  	[tilespmem:$0xBE8] =	vst v0  }
0xc1: {  	[tilespmem:$0xBF8] =	vst v0  }
0xc2: {  	[tilespmem:$0xC08] =	vst v0  }
0xc3: {  	[tilespmem:$0xC18] =	vst v0  }
0xc4: {  	[tilespmem:$0xC28] =	vst v0  }
0xc5: {  	[tilespmem:$0xC38] =	vst v0  }
0xc6: {  	[tilespmem:$0xC48] =	vst v0  }
0xc7: {  	[tilespmem:$0xC58] =	vst v0  }
0xc8: {  	[tilespmem:$0xC68] =	vst v0  }
0xc9: {  	[tilespmem:$0xC78] =	vst v0  }
0xca: {  	[tilespmem:$0xC88] =	vst v0  }
0xcb: {  	[tilespmem:$0xC98] =	vst v0  }
0xcc: {  	[tilespmem:$0xCA8] =	vst v0  }
0xcd: {  	[tilespmem:$0xCB8] =	vst v0  }
0xce: {  	[tilespmem:$0xCC8] =	vst v0  }
0xcf: {  	[tilespmem:$0xCD8] =	vst v0  }
0xd0: {  	[tilespmem:$0xCE8] =	vst v0  }
0xd1: {  	[tilespmem:$0xCF8] =	vst v0  }
0xd2: {  	[tilespmem:$0xD08] =	vst v0  }
0xd3: {  	[tilespmem:$0xD18] =	vst v0  }
0xd4: {  	[tilespmem:$0xD28] =	vst v0  }
0xd5: {  	[tilespmem:$0xD38] =	vst v0  }
0xd6: {  	[tilespmem:$0xD48] =	vst v0  }
0xd7: {  	[tilespmem:$0xD58] =	vst v0  }
0xd8: {  	[tilespmem:$0xD68] =	vst v0  }
0xd9: {  	[tilespmem:$0xD78] =	vst v0  }
0xda: {  	[tilespmem:$0xD88] =	vst v0  }
0xdb: {  	[tilespmem:$0xD98] =	vst v0  }
0xdc: {  	[tilespmem:$0xDA8] =	vst v0  }
0xdd: {  	[tilespmem:$0xDB8] =	vst v0  }
0xde: {  	[tilespmem:$0xDC8] =	vst v0  }
0xdf: {  	[tilespmem:$0xDD8] =	vst v0  }
0xe0: {  	[tilespmem:$0xDE8] =	vst v0  }
0xe1: {  	[tilespmem:$0xDF8] =	vst v0  }
0xe2: {  	[tilespmem:$0xE08] =	vst v0  }
0xe3: {  	[tilespmem:$0xE18] =	vst v0  }
0xe4: {  	[tilespmem:$0xE28] =	vst v0  }
0xe5: {  	[tilespmem:$0xE38] =	vst v0  }
0xe6: {  	[tilespmem:$0xE48] =	vst v0  }
0xe7: {  	[tilespmem:$0xE58] =	vst v0  }
0xe8: {  	[tilespmem:$0xE68] =	vst v0  }
0xe9: {  	[tilespmem:$0xE78] =	vst v0  }
0xea: {  	[tilespmem:$0xE88] =	vst v0  }
0xeb: {  	[tilespmem:$0xE98] =	vst v0  }
0xec: {  	[tilespmem:$0xEA8] =	vst v0  }
0xed: {  	[tilespmem:$0xEB8] =	vst v0  }
0xee: {  	[tilespmem:$0xEC8] =	vst v0  }
0xef: {  	[tilespmem:$0xED8] =	vst v0  }
0xf0: {  	[tilespmem:$0xEE8] =	vst v0  }
0xf1: {  	[tilespmem:$0xEF8] =	vst v0  }
0xf2: {  	[tilespmem:$0xF08] =	vst v0  }
0xf3: {  	[tilespmem:$0xF18] =	vst v0  }
0xf4: {  	[tilespmem:$0xF28] =	vst v0  }
0xf5: {  	[tilespmem:$0xF38] =	vst v0  }
0xf6: {  	[tilespmem:$0xF48] =	vst v0  }
0xf7: {  	[tilespmem:$0xF58] =	vst v0  }
0xf8: {  	[tilespmem:$0xF68] =	vst v0  }
0xf9: {  	[tilespmem:$0xF78] =	vst v0  }
0xfa: {  	[tilespmem:$0xF88] =	vst v0  }
0xfb: {  	[tilespmem:$0xF98] =	vst v0  }
0xfc: {  	[tilespmem:$0xFA8] =	vst v0  }
0xfd: {  	[tilespmem:$0xFB8] =	vst v0  }
0xfe: {  	[tilespmem:$0xFC8] =	vst v0  }
0xff: {  	[tilespmem:$0xFD8] =	vst v0  }
0x100: {  	[tilespmem:$0xFE8] =	vst v0  }
0x101: {  	[tilespmem:$0xFF8] =	vst v0  }
0x102: {  	[tilespmem:$0x1008] =	vst v0  }
0x103: {  	[tilespmem:$0x10D8] =	vst v0  }
0x104: {  	[tilespmem:$0x1B28] =	vst v0  }
0x105: {  	[tilespmem:$0x1B18] =	vst v0  }
0x106: {  	[tilespmem:$0x1B08] =	vst v0  }
0x107: {  	[tilespmem:$0x1AF8] =	vst v0  }
0x108: {  	[tilespmem:$0x1AE8] =	vst v0  }
0x109: {  	[tilespmem:$0x1AD8] =	vst v0  }
0x10a: {  	[tilespmem:$0x1AC8] =	vst v0  }
0x10b: {  	[tilespmem:$0x1AB8] =	vst v0  }
0x10c: {  	[tilespmem:$0x1AA8] =	vst v0  }
0x10d: {  	[tilespmem:$0x1A98] =	vst v0  }
0x10e: {  	[tilespmem:$0x1A88] =	vst v0  }
0x10f: {  	[tilespmem:$0x1A78] =	vst v0  }
0x110: {  	[tilespmem:$0x1A68] =	vst v0  }
0x111: {  	[tilespmem:$0x1A58] =	vst v0  }
0x112: {  	[tilespmem:$0x1A48] =	vst v0  }
0x113: {  	[tilespmem:$0x1A38] =	vst v0  }
0x114: {  	[tilespmem:$0x1A28] =	vst v0  }
0x115: {  	[tilespmem:$0x1A18] =	vst v0  }
0x116: {  	[tilespmem:$0x1A08] =	vst v0  }
0x117: {  	[tilespmem:$0x19F8] =	vst v0  }
0x118: {  	[tilespmem:$0x19E8] =	vst v0  }
0x119: {  	[tilespmem:$0x19D8] =	vst v0  }
0x11a: {  	[tilespmem:$0x19C8] =	vst v0  }
0x11b: {  	[tilespmem:$0x19B8] =	vst v0  }
0x11c: {  	[tilespmem:$0x19A8] =	vst v0  }
0x11d: {  	[tilespmem:$0x1998] =	vst v0  }
0x11e: {  	[tilespmem:$0x1988] =	vst v0  }
0x11f: {  	[tilespmem:$0x1978] =	vst v0  }
0x120: {  	[tilespmem:$0x1968] =	vst v0  }
0x121: {  	[tilespmem:$0x1958] =	vst v0  }
0x122: {  	[tilespmem:$0x1948] =	vst v0  }
0x123: {  	[tilespmem:$0x1938] =	vst v0  }
0x124: {  	[tilespmem:$0x1928] =	vst v0  }
0x125: {  	[tilespmem:$0x1918] =	vst v0  }
0x126: {  	[tilespmem:$0x1908] =	vst v0  }
0x127: {  	[tilespmem:$0x18F8] =	vst v0  }
0x128: {  	[tilespmem:$0x18E8] =	vst v0  }
0x129: {  	[tilespmem:$0x18D8] =	vst v0  }
0x12a: {  	[tilespmem:$0x18C8] =	vst v0  }
0x12b: {  	[tilespmem:$0x18B8] =	vst v0  }
0x12c: {  	[tilespmem:$0x18A8] =	vst v0  }
0x12d: {  	[tilespmem:$0x1898] =	vst v0  }
0x12e: {  	[tilespmem:$0x1888] =	vst v0  }
0x12f: {  	[tilespmem:$0x1878] =	vst v0  }
0x130: {  	[tilespmem:$0x1868] =	vst v0  }
0x131: {  	[tilespmem:$0x1858] =	vst v0  }
0x132: {  	[tilespmem:$0x1848] =	vst v0  }
0x133: {  	[tilespmem:$0x1838] =	vst v0  }
0x134: {  	[tilespmem:$0x1828] =	vst v0  }
0x135: {  	[tilespmem:$0x1818] =	vst v0  }
0x136: {  	[tilespmem:$0x1808] =	vst v0  }
0x137: {  	[tilespmem:$0x17F8] =	vst v0  }
0x138: {  	[tilespmem:$0x17E8] =	vst v0  }
0x139: {  	[tilespmem:$0x17D8] =	vst v0  }
0x13a: {  	[tilespmem:$0x17C8] =	vst v0  }
0x13b: {  	[tilespmem:$0x17B8] =	vst v0  }
0x13c: {  	[tilespmem:$0x17A8] =	vst v0  }
0x13d: {  	[tilespmem:$0x1798] =	vst v0  }
0x13e: {  	[tilespmem:$0x1788] =	vst v0  }
0x13f: {  	[tilespmem:$0x1778] =	vst v0  }
0x140: {  	[tilespmem:$0x1768] =	vst v0  }
0x141: {  	[tilespmem:$0x1758] =	vst v0  }
0x142: {  	[tilespmem:$0x1748] =	vst v0  }
0x143: {  	[tilespmem:$0x1738] =	vst v0  }
0x144: {  	[tilespmem:$0x1728] =	vst v0  }
0x145: {  	[tilespmem:$0x1718] =	vst v0  }
0x146: {  	[tilespmem:$0x1708] =	vst v0  }
0x147: {  	[tilespmem:$0x16F8] =	vst v0  }
0x148: {  	[tilespmem:$0x16E8] =	vst v0  }
0x149: {  	[tilespmem:$0x16D8] =	vst v0  }
0x14a: {  	[tilespmem:$0x16C8] =	vst v0  }
0x14b: {  	[tilespmem:$0x16B8] =	vst v0  }
0x14c: {  	[tilespmem:$0x16A8] =	vst v0  }
0x14d: {  	[tilespmem:$0x1698] =	vst v0  }
0x14e: {  	[tilespmem:$0x1688] =	vst v0  }
0x14f: {  	[tilespmem:$0x1678] =	vst v0  }
0x150: {  	[tilespmem:$0x1668] =	vst v0  }
0x151: {  	[tilespmem:$0x1658] =	vst v0  }
0x152: {  	[tilespmem:$0x1648] =	vst v0  }
0x153: {  	[tilespmem:$0x1638] =	vst v0  }
0x154: {  	[tilespmem:$0x1628] =	vst v0  }
0x155: {  	[tilespmem:$0x1618] =	vst v0  }
0x156: {  	[tilespmem:$0x1608] =	vst v0  }
0x157: {  	[tilespmem:$0x15F8] =	vst v0  }
0x158: {  	[tilespmem:$0x15E8] =	vst v0  }
0x159: {  	[tilespmem:$0x15D8] =	vst v0  }
0x15a: {  	[tilespmem:$0x15C8] =	vst v0  }
0x15b: {  	[tilespmem:$0x15B8] =	vst v0  }
0x15c: {  	[tilespmem:$0x15A8] =	vst v0  }
0x15d: {  	[tilespmem:$0x1598] =	vst v0  }
0x15e: {  	[tilespmem:$0x1588] =	vst v0  }
0x15f: {  	[tilespmem:$0x1578] =	vst v0  }
0x160: {  	[tilespmem:$0x1568] =	vst v0  }
0x161: {  	[tilespmem:$0x1558] =	vst v0  }
0x162: {  	[tilespmem:$0x1548] =	vst v0  }
0x163: {  	[tilespmem:$0x1538] =	vst v0  }
0x164: {  	[tilespmem:$0x1528] =	vst v0  }
0x165: {  	[tilespmem:$0x1518] =	vst v0  }
0x166: {  	[tilespmem:$0x1508] =	vst v0  }
0x167: {  	[tilespmem:$0x14F8] =	vst v0  }
0x168: {  	[tilespmem:$0x14E8] =	vst v0  }
0x169: {  	[tilespmem:$0x14D8] =	vst v0  }
0x16a: {  	[tilespmem:$0x14C8] =	vst v0  }
0x16b: {  	[tilespmem:$0x14B8] =	vst v0  }
0x16c: {  	[tilespmem:$0x14A8] =	vst v0  }
0x16d: {  	[tilespmem:$0x1498] =	vst v0  }
0x16e: {  	[tilespmem:$0x1488] =	vst v0  }
0x16f: {  	[tilespmem:$0x1478] =	vst v0  }
0x170: {  	[tilespmem:$0x1468] =	vst v0  }
0x171: {  	[tilespmem:$0x1458] =	vst v0  }
0x172: {  	[tilespmem:$0x1448] =	vst v0  }
0x173: {  	[tilespmem:$0x1438] =	vst v0  }
0x174: {  	[tilespmem:$0x1428] =	vst v0  }
0x175: {  	[tilespmem:$0x1418] =	vst v0  }
0x176: {  	[tilespmem:$0x1408] =	vst v0  }
0x177: {  	[tilespmem:$0x13F8] =	vst v0  }
0x178: {  	[tilespmem:$0x13E8] =	vst v0  }
0x179: {  	[tilespmem:$0x13D8] =	vst v0  }
0x17a: {  	[tilespmem:$0x13C8] =	vst v0  }
0x17b: {  	[tilespmem:$0x13B8] =	vst v0  }
0x17c: {  	[tilespmem:$0x13A8] =	vst v0  }
0x17d: {  	[tilespmem:$0x1398] =	vst v0  }
0x17e: {  	[tilespmem:$0x1388] =	vst v0  }
0x17f: {  	[tilespmem:$0x1378] =	vst v0  }
0x180: {  	[tilespmem:$0x1368] =	vst v0  }
0x181: {  	[tilespmem:$0x1358] =	vst v0  }
0x182: {  	[tilespmem:$0x1348] =	vst v0  }
0x183: {  	[tilespmem:$0x1338] =	vst v0  }
0x184: {  	[tilespmem:$0x1328] =	vst v0  }
0x185: {  	[tilespmem:$0x1318] =	vst v0  }
0x186: {  	[tilespmem:$0x1308] =	vst v0  }
0x187: {  	[tilespmem:$0x12F8] =	vst v0  }
0x188: {  	[tilespmem:$0x12E8] =	vst v0  }
0x189: {  	[tilespmem:$0x12D8] =	vst v0  }
0x18a: {  	[tilespmem:$0x12C8] =	vst v0  }
0x18b: {  	[tilespmem:$0x12B8] =	vst v0  }
0x18c: {  	[tilespmem:$0x12A8] =	vst v0  }
0x18d: {  	[tilespmem:$0x1298] =	vst v0  }
0x18e: {  	[tilespmem:$0x1288] =	vst v0  }
0x18f: {  	[tilespmem:$0x1278] =	vst v0  }
0x190: {  	[tilespmem:$0x1268] =	vst v0  }
0x191: {  	[tilespmem:$0x1258] =	vst v0  }
0x192: {  	[tilespmem:$0x1248] =	vst v0  }
0x193: {  	[tilespmem:$0x1238] =	vst v0  }
0x194: {  	[tilespmem:$0x1228] =	vst v0  }
0x195: {  	[tilespmem:$0x1218] =	vst v0  }
0x196: {  	[tilespmem:$0x1208] =	vst v0  }
0x197: {  	[tilespmem:$0x11F8] =	vst v0  }
0x198: {  	[tilespmem:$0x11E8] =	vst v0  }
0x199: {  	[tilespmem:$0x11D8] =	vst v0  }
0x19a: {  	[tilespmem:$0x11C8] =	vst v0  }
0x19b: {  	[tilespmem:$0x11B8] =	vst v0  }
0x19c: {  	[tilespmem:$0x11A8] =	vst v0  }
0x19d: {  	[tilespmem:$0x1198] =	vst v0  }
0x19e: {  	[tilespmem:$0x1188] =	vst v0  }
0x19f: {  	[tilespmem:$0x1178] =	vst v0  }
0x1a0: {  	[tilespmem:$0x1168] =	vst v0  }
0x1a1: {  	[tilespmem:$0x1158] =	vst v0  }
0x1a2: {  	[tilespmem:$0x1148] =	vst v0  }
0x1a3: {  	[tilespmem:$0x1138] =	vst v0  }
0x1a4: {  	[tilespmem:$0x1128] =	vst v0  }
0x1a5: {  	[tilespmem:$0x1118] =	vst v0  }
0x1a6: {  	s2 =	stileid.u32;
	[tilespmem:$0x1108] =	vst v0  }
0x1a7: {  	s0 =	smul.u32 $0x18, s2;
	[tilespmem:$0x10F8] =	vst v0  }
0x1a8: {  	s3 =	smin.u32 s2, $0xA;
	[tilespmem:$0x10E8] =	vst v0  }
0x1a9: {  	[tilespmem:$0x10B8] =	vst v0;
	s0 =	sadd.s32 s3, s0  }
0x1aa: {  	s4 =	simm.s32 $0x2A30;
	p0 =	slt.u32 s2, $0xA;
	[tilespmem:$0x10C8] =	vst v0;
	s3 =	smul.u32 $0x1B0, s0  }
0x1ab: {  	s4 =	simm.s32 @!p0 $0x2880;
	[tilespmem:$0x10A8] =	vst v0  }
0x1ac: {  	[tilespmem:$0x1038] =	vst v0;
	s0 =	sadd.s32 s4, s3  }
0x1ad: {  	[tilespmem:$0x1098] =	vst v0;
	s4 =	smin.u32 s0, $0x29810  }
0x1ae: {  	[tilespmem:$0x1088] =	vst v0;
	s0 =	ssub.s32 s4, s3  }
0x1af: {  	s5 =	simm.s32 $0x2;
	[tilespmem:$0x1078] =	vst v0;
	p0 =	sgt.s32 s0, $0x0  }
0x1b0: {  	s29 =	simm.s32 $0x7;
	s13 =	simm.s32 $0x8;
	[tilespmem:$0x1068] =	vst v0;
	s0 =	simm.s32 @!p0 $0x0  }
0x1b1: {  	s30 =	simm.s32 $0x9;
	p4 =	por $0x0, $0x0;
	[tilespmem:$0x1058] =	vst v0;
	s6 =	smulhi.u32 $0x4BDA12F7, s0  }
0x1b2: {  	s14 =	simm.s32 $0xA;
	s18 =	simm.s32 $0x0;
	s15 =	simm.s32 $0x0;
	[tilespmem:$0x1048] =	vst v0  }
0x1b3: {  	s17 =	simm.s32 $0x0;
	s7 =	sadd.s32 $0x16D000, s8;
	[tilespmem:$0x1028] =	vst v0;
	s12 =	sshrl.u32 s6, $0x7  }
0x1b4: {  	s31 =	sshll.u32 s2, $0x5;
	[tilespmem:$0x1018] =	vst v0;
	[sflag:s5] =	ssyncpa.u1 $0x0;
	v0 =	vimm.s32 $0xFFFFFFFF;
	s10 =	smul.u32 $0x1B0, s12  }
.Ltmp0:
0x1b5: {  	s5 =	sadd.s32 $0xFC00, s8;
	[tilespmem:$0x3648] =	vst v0;
	[sflag:s29] =	ssyncpa.u1 $0x0;
	(pc) =	sbr.rel .LBB2_1-.Ltmp0, $4  }
0x1b6: {  	[dreg:$0x3] =	wrdreg s31;
	[sflag:s13] =	ssyncpa.u1 $0x0;
	p0 =	sne.s32 s0, s10  }
0x1b7: {  	s13 =	simm.s32 $0x0;
	[sflag:s30] =	ssyncpa.u1 $0x0;
	s11 =	simm.s32 @!p0 $0x0  }
0x1b8: {  	s16 =	smov.u32 s3;
	[dreg:$0x4] =	wrdreg s3;
	s11 =	sadd.s32 s11, s12  }
0x1b9: {  	v0 =	vlaneseq.u32;
	s6 =	sadd.s32 $0xA800, s8;
	p0 =	por $0x1, $0x1;
	s8 =	sadd.s32 $0x1, s11  }
.LBB2_18:
0x1ba: {  	s0 =	simm.s32 $0x2  }
0x1bb: {  	_ =	swait.ge [sflag:s0], $0x0  }
0x1bc: {  	[sflag:s0] =	ssyncset.done $0x0;
	s0 =	simm.s32 $0x0  }
.LBB2_19:
0x1bd: {  	_ =	swait.ge [sflag:s14], s0  }
0x1be: {  	s31 =	ssub.s32 $0x0, s0;
	v1 =	vmov s20;
	vm0 =	veq.s32 v0, $0x0;
	[sflag:s14] =	ssyncset.done $0x0  }
0x1bf: {  	vm15 =	veq.s32 v0, $0x2;
	v1 =	vsel vm0, s24, v1;
	[sflag:s14] =	ssyncadd.s32 s31  }
0x1c0: {  	v1 =	vsel vm15, s18, v1;
	[sflag:s14] =	ssyncpa.u1 $0x1  }
0x1c1: {  	[tilespmem:$0x3648] =	vst v1  }
.LBB2_20:
0x1c2: {  	s0 =	sadd.s32 $0x1B0, s16  }
0x1c3: {  	s2 =	smov.u32 s3;
	p1 =	slt.s32 s0, s4  }
0x1c4: {  	s2 =	smov.u32 @p1 s0;
	p1 =	sne.s32 s17, s8  }
.Ltmp1:
0x1c5: {  	_ = 	snop;
	(pc) =	sbr.rel @!p1 .LBB2_21-.Ltmp1, $4  }
0x1c6: {  	_ = 	snop  }
0x1c7: {  	s18 =	smov.u32 s15  }
0x1c8: {  	s31 =	sadd.s32 $0x1, s17;
	s15 =	smov.u32 s16;
	p0 =	por !p0, !p0  }
0x1c9: {  	p4 =	por !p4, !p4;
	s17 =	smov.u32 s31;
	s16 =	smov.u32 s2  }
.LBB2_1:
0x1ca: {  	p2 =	sge.u32 s17, s11  }
0x1cb: {  	s0 =	smulhi.u32 @!p2 $0xAAAAAAAB, s17  }
0x1cc: {  	s19 =	smov.u32 s16;
	p3 =	sgt.s32 @!p2 s16, $0x29660  }
0x1cd: {  	s20 =	sshra.s32 @!p2 s16, $0x1F;
	p3 =	por !p3, p2;
	s0 =	sshrl.u32 @!p2 s0, $0x1  }
0x1ce: {  	s20 =	sand.u32 @!p2 s20, s16;
	s19 =	simm.s32 @p3 $0x29660;
	s0 =	smul.u32 @!p2 $0x3, s0  }
0x1cf: {  	s19 =	ssub.s32 @!p2 s19, s20  }
0x1d0: {  	s19 =	sadd.s32 @!p2 $0xFFFD69A0, s19;
	s0 =	ssub.s32 @!p2 s17, s0  }
0x1d1: {  	s20 =	sshll.u32 @!p2 s19, $0x2;
	p3 =	sgt.s32 @!p2 s19, $0x1AF;
	s0 =	smul.u32 @!p2 $0x6C0, s0  }
0x1d2: {  	s21 =	sand.u32 @!p2 $0x7, s16;
	s19 =	ssub.s32 @!p2 $0x6C0, s20;
	p3 =	por !p3, p2  }
0x1d3: {  	s20 =	sshrl.u32 @!p2 s16, $0x3;
	s19 =	sshrl.u32 @!p2 s19, $0x2;
	s0 =	sshrl.u32 @!p2 s0, $0x2  }
0x1d4: {  	s20 =	sadd.s32 @!p2 s5, s20;
	s19 =	simm.s32 @!p3 $0x0;
	s0 =	sadd.s32 @!p2 $0x3878, s0  }
0x1d5: {  	[tilespmem:s0], [sflag:$0x8] =	stream.linear.gather @!p2 [hbm4b:s20+s21], s19, $0x38;
	[tilespmem:$0x1F0E8] =	vst v63  }
0x1d6: {  	s20 =	sadd.s32 $0xFFFFFFFF, s17  }
0x1d7: {  	p2 =	sge.u32 s20, s11  }
0x1d8: {  	p3 =	sgt.s32 @!p2 s15, $0x29660  }
0x1d9: {  	s0 =	smov.u32 s15;
	s19 =	sshra.s32 @!p2 s15, $0x1F;
	p3 =	por !p3, p2  }
0x1da: {  	s19 =	sand.u32 @!p2 s19, s15;
	s0 =	simm.s32 @p3 $0x29660  }
0x1db: {  	s0 =	ssub.s32 @!p2 s0, s19  }
0x1dc: {  	s0 =	sadd.s32 @!p2 $0xFFFD69A0, s0  }
0x1dd: {  	s19 =	sshll.u32 @!p2 s0, $0x2  }
0x1de: {  	p3 =	sgt.s32 @!p2 s0, $0x1AF;
	s0 =	ssub.s32 @!p2 $0x6C0, s19  }
0x1df: {  	p3 =	por !p3, p2;
	s0 =	sshrl.u32 @!p2 s0, $0x2  }
0x1e0: {  	s21 =	simm.s32 @!p2 $0x8;
	s19 =	sand.u32 @!p2 $0x1, s20;
	s0 =	simm.s32 @!p3 $0x0  }
0x1e1: {  	s19 =	smul.u32 @!p2 $0x6C0, s19;
	_ =	swait.ge @!p2 [sflag:s21], s0  }
0x1e2: {  	s22 =	ssub.s32 @!p2 $0x0, s0;
	[sflag:s21] =	ssyncset.done @!p2 $0x0  }
0x1e3: {  	s19 =	sshrl.u32 @!p2 s19, $0x2;
	[sflag:s21] =	ssyncadd.s32 @!p2 s22;
	s21 =	sshrl.u32 @!p2 s15, $0x3  }
0x1e4: {  	s19 =	sadd.s32 @!p2 $0x3D88, s19;
	s22 =	sand.u32 @!p2 $0x7, s15;
	s21 =	sadd.s32 @!p2 s6, s21  }
0x1e5: {  	[tilespmem:s19], [sflag:$0x9] =	stream.linear.gather @!p2 [hbm4b:s21+s22], s0, $0x38;
	[tilespmem:$0x1F0E8] =	vst v63  }
0x1e6: {  	s19 =	ssub.s32 @!p2 $0x29810, s15  }
0x1e7: {  	p3 =	slt.s32 @!p2 s19, $0x1  }
0x1e8: {  	p3 =	por p2, p3  }
.Ltmp2:
0x1e9: {  	_ = 	snop;
	(pc) =	sbr.rel @p3 .LBB2_7-.Ltmp2, $1  }
0x1ea: {  	_ =	sdelay $0x3  }
0x1eb: {  	s0 =	smulhi.u32 $0xAAAAAAAB, s20;
	_ =	sdelay $0x1  }
0x1ec: {  	s0 =	sshrl.u32 s0, $0x1  }
0x1ed: {  	s0 =	smul.u32 $0x3, s0;
	_ =	sdelay $0x1  }
0x1ee: {  	s0 =	ssub.s32 s20, s0  }
0x1ef: {  	s21 =	simm.s32 $0x1;
	s0 =	smul.u32 $0x6C0, s0  }
.Ltmp3:
0x1f0: {  	s21 =	simm.s32 @!p0 $0x0;
	(pc) =	sbr.rel .LBB2_4-.Ltmp3, $4  }
0x1f1: {  	s31 =	smul.u32 $0x36000, s21  }
0x1f2: {  	p3 =	slt.s32 @!p2 s19, $0x1B0;
	s0 =	sshrl.u32 s0, $0x2  }
0x1f3: {  	p2 =	por !p3, p2;
	s20 =	sshrl.u32 s31, $0x2;
	s0 =	sadd.s32 $0x3878, s0  }
0x1f4: {  	s19 =	simm.s32 @p2 $0x1B0;
	s21 =	simm.s32 $0x0;
	s20 =	sadd.s32 $0x40E8, s20;
	v1 =	vmov s0  }
.LBB2_3:
0x1f5: {  	p2 =	sge.s32 s21, s19  }
.Ltmp4:
0x1f6: {  	_ = 	snop;
	(pc) =	sbr.rel @p2 .LBB2_7-.Ltmp4, $2  }
0x1f7: {  	_ =	sdelay $0x2  }
0x1f8: {  	s20 =	sadd.s32 $0x800, s20  }
.LBB2_4:
0x1f9: {  	p2 =	sle.s32 s19, s21  }
.Ltmp5:
0x1fa: {  	_ = 	snop;
	(pc) =	sbr.rel @p2 .LBB2_3-.Ltmp5, $2  }
0x1fb: {  	_ =	sdelay $0x2  }
0x1fc: {  	s22 =	smov.u32 s21;
	s21 =	sadd.s32 $0x10, s21  }
0x1fd: {  	s0 =	ssub.s32 s19, s22  }
0x1fe: {  	p2 =	slt.s32 s0, $0x10  }
0x1ff: {  	s0 =	simm.s32 @!p2 $0x10  }
0x200: {  	v2 =	vmov s0  }
0x201: {  	vm0 =	vgt.s32 v2, v0;
	_ =	sdelay $0x5  }
0x202: {  	v2 =	vld.idx.msk [tilespmem:v1+s22+$0x0 ss:$0x1], vm0;
	_ =	sdelay $0x2  }
0x203: {  	s23 =	smov.u32 s19;
	p2 =	slt.s32 s21, s19  }
0x204: {  	s24 =	smov.u32 s20;
	s25 =	simm.s32 $0x0;
	s23 =	smov.u32 @p2 s21  }
.LBB2_6:
0x205: {  	(v2sf) =	vpush v2, s25;
	_ =	sdelay $0xc  }
0x206: {  	s25 =	sadd.s32 $0x1, s25  }
0x207: {  	s31 =	sadd.s32 s25, s22  }
0x208: {  	p2 =	slt.s32 s31, s23;
	s0 =	spop (v2sf)  }
.Ltmp6:
0x209: {  	s0 =	sshll.u32 s0, $0x4;
	(pc) =	sbr.rel @p2 .LBB2_6-.Ltmp6, $4  }
0x20a: {  	s0 =	sand.u32 $0x1FFFFFF0, s0  }
0x20b: {  	s0 =	sadd.s32 s7, s0  }
0x20c: {  	[tilespmem:s24], [sflag:$0x7] =	stream.linear.gather [hbm4b:s0+s13], $0x4, $0x38;
	[tilespmem:$0x1F0E8] =	vst v63  }
0x20d: {  	s24 =	sadd.s32 $0x80, s24  }
.Ltmp7:
0x20e: {  	_ = 	snop;
	(pc) =	sbr.rel .LBB2_3-.Ltmp7, $1  }
0x20f: {  	_ =	sdelay $0x3  }
.LBB2_7:
0x210: {  	p2 =	slt.u32 s17, $0x2  }
.Ltmp8:
0x211: {  	_ = 	snop;
	(pc) =	sbr.rel @p2 .LBB2_20-.Ltmp8, $1  }
0x212: {  	_ =	sdelay $0x3  }
0x213: {  	p2 =	sgt.s32 s18, $0x29660;
	s0 =	smov.u32 s18  }
0x214: {  	s19 =	sshra.s32 s18, $0x1F;
	s20 =	ssub.s32 $0x29810, s18;
	s0 =	simm.s32 @!p2 $0x29660  }
0x215: {  	s19 =	sand.u32 s19, s18;
	p2 =	slt.s32 s20, $0x1B0;
	s21 =	smov.u32 s20  }
0x216: {  	s0 =	ssub.s32 s0, s19;
	s21 =	simm.s32 @!p2 $0x1B0  }
0x217: {  	s0 =	sadd.s32 $0xFFFD69A0, s0;
	s26 =	sshll.u32 s21, $0x2  }
0x218: {  	s2 =	simm.s32 $0x7;
	s28 =	sshll.u32 s0, $0x2;
	s19 =	sand.u32 $0x3FFFFFFC, s26  }
0x219: {  	p2 =	sgt.s32 s0, $0x1AF;
	s29 =	ssub.s32 $0x6C0, s28;
	_ =	swait.ge [sflag:s2], s19  }
0x21a: {  	s19 =	ssub.s32 $0x0, s19;
	[sflag:s2] =	ssyncset.done $0x0;
	s0 =	sshrl.u32 s29, $0x2  }
0x21b: {  	s30 =	simm.s32 $0x9;
	[sflag:s2] =	ssyncadd.s32 s19;
	s0 =	simm.s32 @p2 $0x0  }
0x21c: {  	_ =	swait.ge [sflag:s30], s0  }
0x21d: {  	s0 =	ssub.s32 $0x0, s0;
	[sflag:s30] =	ssyncset.done $0x0  }
0x21e: {  	[sflag:s30] =	ssyncadd.s32 s0  }
0x21f: {  	v1 =	vld [tilespmem:$0x3648];
	_ =	sdelay $0x4  }
0x220: {  	(v2sf) =	vpush v1, $0x0  }
0x221: {  	(v2sf) =	vpush v1, $0x1  }
0x222: {  	(v2sf) =	vpush v1, $0x2;
	_ =	sdelay $0x3  }
0x223: {  	s0 =	sadd.s32 $0x1B0, s18  }
0x224: {  	p2 =	slt.s32 s4, s0  }
0x225: {  	s0 =	smov.u32 @p2 s4;
	p2 =	sgt.s32 s20, $0x0  }
0x226: {  	s22 =	ssub.s32 s0, s18;
	s20 =	simm.s32 @!p2 $0x0  }
0x227: {  	p2 =	slt.s32 s20, s22  }
0x228: {  	s22 =	smov.u32 @p2 s20  }
0x229: {  	s21 =	simm.s32 $0x1;
	p2 =	slt.s32 s22, $0x1  }
.Ltmp9:
0x22a: {  	s21 =	simm.s32 @!p4 $0x0;
	(pc) =	sbr.rel @p2 .LBB2_12-.Ltmp9, $4  }
0x22b: {  	s31 =	smul.u32 $0x6C0, s21  }
0x22c: {  	s23 =	spop (v2sf)  }
0x22d: {  	s0 =	sshrl.u32 s31, $0x2;
	s25 =	spop (v2sf)  }
0x22e: {  	s19 =	sadd.s32 $0x3D88, s0;
	s18 =	spop (v2sf)  }
0x22f: {  	s0 =	smin.u32 s22, $0x10  }
0x230: {  	v1 =	vmov s0  }
0x231: {  	p3 =	sgt.s32 s22, $0x10;
	vm1 =	vgt.u32 v1, v0  }
.Ltmp10:
0x232: {  	_ = 	snop;
	(pc) =	sbr.rel @!p3 .LBB2_11-.Ltmp10, $2  }
0x233: {  	_ =	sdelay $0x2  }
0x234: {  	s24 =	simm.s32 $0x10;
	s26 =	sadd.s32 $0xFFFFFFF0, s22;
	s20 =	smov.u32 s19;
	vm0 =	vmmov vm1  }
.LBB2_10:
0x235: {  	s0 =	smin.u32 s26, $0x10;
	s24 =	sadd.s32 $0x10, s24;
	v1 =	vld.msk [tilespmem:s20+$0x0 ss:$0x1], vm1  }
0x236: {  	v2 =	vmov s0;
	p3 =	slt.s32 s24, s22  }
0x237: {  	vm1 =	vgt.u32 v2, v0  }
.Ltmp11:
0x238: {  	(pc) =	sbr.rel @p3 .LBB2_10-.Ltmp11, $3  }
0x239: {  	_ =	sdelay $0x1  }
0x23a: {  	v1 =	vshll.u32 v1, $0x4  }
0x23b: {  	s26 =	sadd.s32 $0xFFFFFFF0, s26;
	[tilespmem:s20+$0x0] =	vst.msk vm0, v1;
	s20 =	sadd.s32 $0x10, s20;
	vm0 =	vmmov vm1  }
.LBB2_11:
0x23c: {  	_ =	sdelay $0x4  }
0x23d: {  	v1 =	vld.msk [tilespmem:s20+$0x0 ss:$0x1], vm1;
	_ =	sdelay $0x4  }
0x23e: {  	v1 =	vshll.u32 v1, $0x4  }
0x23f: {  	[tilespmem:s20+$0x0] =	vst.msk vm0, v1  }
.LBB2_12:
0x240: {  	s0 =	sand.u32 $0x1, s17  }
0x241: {  	s0 =	smul.u32 $0x1B0, s0  }
0x242: {  	p3 =	sne.s32 s25, $0xFFFFFFFF  }
0x243: {  	v1 =	vld.msk @!p3 [tilespmem:s0+$0x3D88], $0x1;
	_ =	sdelay $0x4  }
0x244: {  	(v2sf) =	vpush @!p3 v1, $0x0;
	_ =	sdelay $0xc  }
.Ltmp12:
0x245: {  	_ = 	snop;
	(pc) =	sbr.rel @p2 .LBB2_18-.Ltmp12, $4  }
0x246: {  	_ = 	snop  }
0x247: {  	s24 =	spop @!p3 (v2sf)  }
0x248: {  	s18 =	simm.s32 @!p3 $0x0;
	s20 =	smov.u32 s24  }
0x249: {  	[sflag:s14] =	ssyncpa.u1 $0x0;
	s24 =	smov.u32 @p3 s23;
	s20 =	smov.u32 @p3 s25  }
0x24a: {  	v1 =	vld.msk [tilespmem:s19+$0x0], $0x1;
	_ =	sdelay $0x4  }
0x24b: {  	(v2sf) =	vpush v1, $0x0;
	_ =	sdelay $0xd  }
0x24c: {  	s0 =	simm.s32 @!p4 $0x0  }
0x24d: {  	s26 =	smul.u32 $0x36000, s21;
	s25 =	ssub.s32 $0x0, s22;
	s28 =	spop (v2sf)  }
0x24e: {  	s0 =	simm.s32 @p4 $0x1;
	s23 =	sadd.s32 $0x1, s25;
	p2 =	seq.s32 s24, s28  }
0x24f: {  	[smem:$0x7FD] =	sst s0;
	s0 =	sshrl.u32 s26, $0x2;
	p3 =	sgt.s32 @!p2 s24, $0x0  }
0x250: {  	s21 =	sadd.s32 $0x40E8, s0;
	s0 =	smov.u32 s24;
	p3 =	por !p3, p2  }
0x251: {  	s0 =	simm.s32 @p3 $0x0;
	p3 =	seq.s32 s23, $0x0  }
.Ltmp13:
0x252: {  	_ = 	snop;
	(pc) =	sbr.rel @p3 .LBB2_15-.Ltmp13, $4  }
0x253: {  	s3 =	smov.u32 s8;
	s12 =	smov.u32 s5;
	s8 =	smov.u32 s6  }
0x254: {  	s22 =	simm.s32 $0x0;
	s29 =	simm.s32 @!p2 $0x1;
	s0 =	smin.u32 @!p2 s0, $0x270FF  }
0x255: {  	s30 =	simm.s32 @!p2 $0x1B38;
	s29 =	smov.u32 @p2 s22;
	s26 =	sand.u32 @!p2 $0x3FFF8, s0  }
0x256: {  	s31 =	sand.u32 @!p2 $0x7, s0;
	s0 =	sadd.s32 @!p2 s1, s26;
	s26 =	sadd.s32 $0x1, s19  }
.LBB2_14:
0x257: {  	s2 =	smov.u32 s29  }
0x258: {  	[tilespmem:s30], [sflag:$0x2] =	stream.linear.gather @!p2 [hbm4b:s0+s31], $0x4, $0x38;
	[tilespmem:$0x1F0E8] =	vst v63  }
0x259: {  	s23 =	sadd.s32 $0x1, s23;
	s0 =	smov.u32 s28;
	v1 =	vld.msk [tilespmem:s26+$0x0], $0x1  }
0x25a: {  	p3 =	seq.s32 s23, $0x0;
	_ =	sdelay $0x3  }
0x25b: {  	(v2sf) =	vpush v1, $0x0;
	_ =	sdelay $0xe  }
0x25c: {  	s28 =	spop (v2sf)  }
0x25d: {  	p2 =	seq.s32 s0, s28  }
0x25e: {  	p4 =	sgt.s32 @!p2 s0, $0x0;
	s30 =	sshll.u32 @!p2 s29, $0x6;
	s29 =	sadd.s32 @!p2 $0x1, s29  }
.Ltmp14:
0x25f: {  	p4 =	por !p4, p2;
	s30 =	sshra.s32 @!p2 s30, $0x2;
	(pc) =	sbr.rel @!p3 .LBB2_14-.Ltmp14, $4  }
0x260: {  	s29 =	smov.u32 @p2 s2;
	s0 =	simm.s32 @p4 $0x0;
	s30 =	sadd.s32 @!p2 $0x1B38, s30  }
0x261: {  	s0 =	smin.u32 @!p2 s0, $0x270FF  }
0x262: {  	s2 =	sand.u32 @!p2 $0x3FFF8, s0;
	s31 =	sand.u32 @!p2 $0x7, s0  }
0x263: {  	s26 =	sadd.s32 $0x1, s26;
	s0 =	sadd.s32 @!p2 s1, s2  }
.LBB2_15:
0x264: {  	[tilespmem:s30], [sflag:$0x2] =	stream.linear.gather @!p2 [hbm4b:s0+s31], $0x4, $0x38;
	[tilespmem:$0x1F0E8] =	vst v63  }
0x265: {  	s31 =	sshll.u32 s29, $0x2  }
0x266: {  	s2 =	simm.s32 $0x2;
	s0 =	sand.u32 $0x3FFFFFFC, s31  }
0x267: {  	_ =	swait.ge [sflag:s2], s0  }
0x268: {  	s0 =	ssub.s32 $0x0, s0;
	[sflag:s2] =	ssyncset.done $0x0  }
0x269: {  	[sflag:s2] =	ssyncadd.s32 s0  }
0x26a: {  	v1 =	vld.msk [tilespmem:s19+$0x0], $0x1;
	_ =	sdelay $0x4  }
0x26b: {  	(v2sf) =	vpush v1, $0x0;
	_ =	sdelay $0xe  }
0x26c: {  	s23 =	spop (v2sf)  }
0x26d: {  	p2 =	sne.s32 s24, s23  }
0x26e: {  	p4 =	sne.s32 @p2 s24, s20  }
0x26f: {  	p3 =	por !p4, !p2  }
0x270: {  	s0 =	simm.s32 @!p3 $0x0  }
0x271: {  	v1 =	vld.msk @!p3 [tilespmem:s0+$0x1B38], $0xf  }
0x272: {  	p5 =	sgt.u32 @!p3 s24, $0x270FF  }
0x273: {  	s2 =	sshll.u32 @!p3 s18, $0x6;
	p6 =	por @p2 p5, !p4  }
0x274: {  	s2 =	sshra.s32 @!p3 s2, $0x2;
	p1 =	por p6, !p2;
	p6 =	por p4, !p2  }
0x275: {  	s26 =	sadd.s32 @!p3 $0x28, s2;
	s28 =	sand.u32 @!p1 $0x3FFF8, s24;
	s29 =	sshll.u32 @!p6 s18, $0x6  }
0x276: {  	s24 =	sand.u32 @!p1 $0x7, s24;
	[tilespmem:s2+$0x28] =	vst.add.f32.msk @!p3 $0xf, v1;
	s2 =	sadd.s32 @!p1 s1, s28;
	s28 =	sshra.s32 @!p6 s29, $0x2  }
0x277: {  	[hbm4b:s2+s24] =	stream.linear.scatter @!p1 [tilespmem:s26], [sflag:$0xA], $0x4, $0x38;
	[tilespmem:$0x1F0E8] =	vst v63  }
0x278: {  	s0 =	rddreg [dreg:$0x3];
	s2 =	sadd.s32 @!p6 $0x28, s28;
	s24 =	simm.s32 @!p6 $0x1  }
0x279: {  	[spmem:s0] =	stream.linear.scatter @!p6 [tilespmem:s2], [sflag:$0x1], $0x4, $0x38;
	[tilespmem:$0x1F0E8] =	vst v63  }
0x27a: {  	s0 =	sadd.s32 @p2 $0x1, s18;
	_ =	swait.ge @!p6 [sflag:s24], $0x4  }
0x27b: {  	s2 =	sshrl.u32 @p2 s0, $0x4;
	[sflag:s24] =	ssyncset.done @!p6 $0x0  }
0x27c: {  	s2 =	smulhi.u32 @p2 $0x97B425F, s2;
	[sflag:s24] =	ssyncadd.s32 @!p6 $0xFFFFFFFC  }
0x27d: {  	s24 =	sadd.s32 $0x1, s25;
	v1 =	vld.msk @p2 [tilespmem:s21+$0x0], $0xf  }
0x27e: {  	p1 =	por @p2 !p5, !p4;
	s2 =	smul.u32 @p2 $0x1B0, s2;
	p4 =	seq.s32 s24, $0x0  }
.Ltmp15:
0x27f: {  	p1 =	por !p1, !p2;
	s25 =	simm.s32 @!p3 $0x0;
	(pc) =	sbr.rel @p4 .LBB2_17-.Ltmp15, $4  }
0x280: {  	s26 =	sshll.u32 @!p2 s18, $0x6;
	s25 =	simm.s32 @!p1 $0x10;
	s0 =	ssub.s32 @p2 s0, s2  }
0x281: {  	s26 =	sshra.s32 @!p2 s26, $0x2;
	s28 =	sadd.s32 @!p3 $0x0, s25;
	s29 =	sshll.u32 @p2 s0, $0x4  }
0x282: {  	s25 =	simm.s32 $0x0;
	s2 =	simm.s32 @p2 $0x1;
	s28 =	smov.u32 @p3 s22;
	[tilespmem:s29+$0x28] =	vst.msk @p2 $0xf, v1  }
0x283: {  	s18 =	smov.u32 @p2 s0;
	s25 =	smov.u32 @p2 s28;
	s22 =	smov.u32 @p2 s2;
	v1 =	vld.msk @!p2 [tilespmem:s21+$0x0], $0xf  }
.LBB2_16:
0x284: {  	_ =	sdelay $0x3  }
0x285: {  	s19 =	sadd.s32 $0x1, s19;
	[tilespmem:s26+$0x28] =	vst.add.f32.msk @!p2 $0xf, v1  }
0x286: {  	v1 =	vld.msk [tilespmem:s19+$0x0], $0x1;
	_ =	sdelay $0x4  }
0x287: {  	(v2sf) =	vpush v1, $0x0;
	_ =	sdelay $0xe  }
0x288: {  	s0 =	smov.u32 s23;
	s23 =	spop (v2sf)  }
0x289: {  	p2 =	sne.s32 s0, s23  }
0x28a: {  	p5 =	sne.s32 @p2 s0, s20  }
0x28b: {  	p4 =	por !p5, !p2  }
0x28c: {  	s30 =	sshll.u32 @!p4 s22, $0x6  }
0x28d: {  	s30 =	sshra.s32 @!p4 s30, $0x2  }
0x28e: {  	p1 =	sgt.u32 @!p4 s0, $0x270FF;
	v1 =	vld.msk @!p4 [tilespmem:s30+$0x1B38], $0xf  }
0x28f: {  	s31 =	sshll.u32 @!p4 s18, $0x6;
	p6 =	por @p2 p1, !p5;
	p1 =	por @p2 !p1, !p5  }
0x290: {  	s5 =	simm.s32 @!p4 $0x0;
	s31 =	sshra.s32 @!p4 s31, $0x2;
	p1 =	por !p1, !p2  }
0x291: {  	p5 =	por p5, !p2;
	s5 =	simm.s32 @!p1 $0x10;
	p1 =	por p6, !p2  }
0x292: {  	s30 =	sadd.s32 @!p4 $0x28, s31;
	s6 =	sshll.u32 @!p5 s18, $0x6;
	s10 =	sand.u32 @!p1 $0x3FFF8, s0  }
0x293: {  	s6 =	sshra.s32 @!p5 s6, $0x2;
	s0 =	sand.u32 @!p1 $0x7, s0;
	s10 =	sadd.s32 @!p1 s1, s10;
	[tilespmem:s31+$0x28] =	vst.add.f32.msk @!p4 $0xf, v1  }
0x294: {  	[hbm4b:s10+s0] =	stream.linear.scatter @!p1 [tilespmem:s30], [sflag:$0xA], $0x4, $0x38;
	[tilespmem:$0x1F0E8] =	vst v63  }
0x295: {  	s2 =	rddreg [dreg:$0x3];
	s0 =	sadd.s32 @!p5 $0x28, s6;
	s6 =	simm.s32 @!p5 $0x1  }
0x296: {  	[spmem:s2] =	stream.linear.scatter @!p5 [tilespmem:s0], [sflag:$0x1], $0x4, $0x38;
	[tilespmem:$0x1F0E8] =	vst v63  }
0x297: {  	s28 =	sadd.s32 @p2 $0x1, s18;
	_ =	swait.ge @!p5 [sflag:s6], $0x4  }
0x298: {  	s29 =	sshrl.u32 @p2 s28, $0x4;
	[sflag:s6] =	ssyncset.done @!p5 $0x0  }
0x299: {  	s21 =	sadd.s32 $0x80, s21;
	s29 =	smulhi.u32 @p2 $0x97B425F, s29;
	[sflag:s6] =	ssyncadd.s32 @!p5 $0xFFFFFFFC  }
0x29a: {  	s24 =	sadd.s32 $0x1, s24;
	v1 =	vld.msk @p2 [tilespmem:s21+$0x0], $0xf  }
0x29b: {  	p3 =	seq.s32 s24, $0x0;
	s29 =	smul.u32 @p2 $0x1B0, s29  }
.Ltmp16:
0x29c: {  	_ = 	snop;
	(pc) =	sbr.rel @!p3 .LBB2_16-.Ltmp16, $4  }
0x29d: {  	s28 =	ssub.s32 @p2 s28, s29  }
0x29e: {  	s26 =	sshll.u32 @!p2 s18, $0x6;
	s5 =	sadd.s32 @!p4 s5, s25;
	s10 =	sshll.u32 @p2 s28, $0x4  }
0x29f: {  	s9 =	sadd.s32 @p2 $0x1, s22;
	s26 =	sshra.s32 @!p2 s26, $0x2;
	s5 =	smov.u32 @p4 s25;
	[tilespmem:s10+$0x28] =	vst.msk @p2 $0xf, v1  }
0x2a0: {  	s22 =	smov.u32 @p2 s9;
	s18 =	smov.u32 @p2 s28;
	s25 =	smov.u32 @p2 s5;
	v1 =	vld.msk @!p2 [tilespmem:s21+$0x0], $0xf  }
.LBB2_17:
.Ltmp17:
0x2a1: {  	_ = 	snop;
	(pc) =	sbr.rel .LBB2_19-.Ltmp17, $4  }
0x2a2: {  	s2 =	sld [smem:$0x7FD]  }
0x2a3: {  	s0 =	sshrl.u32 s25, $0x2  }
0x2a4: {  	s24 =	smov.u32 s23;
	s6 =	smov.u32 s8;
	s5 =	smov.u32 s12  }
0x2a5: {  	s8 =	smov.u32 s3;
	s3 =	rddreg [dreg:$0x4];
	p4 =	seq.s32 s2, $0x1;
	[tilespmem:s26+$0x28] =	vst.add.f32.msk @!p2 $0xf, v1  }
.LBB2_21:
0x2a6: {  	_ =	sfence.sel $0x180000  }
0x2a7: {  	s0 =	simm.s32 $0x7;
	[bflag:$0x0] =	sbarrier.arrive $0xFFFF  }
0x2a8: {  	s25 =	simm.s32 $0x8;
	[sflag:s0] =	ssyncpa.u1 $0x1  }
0x2a9: {  	s26 =	simm.s32 $0x9;
	[sflag:s25] =	ssyncpa.u1 $0x1  }
0x2aa: {  	s28 =	simm.s32 $0x2;
	[sflag:s26] =	ssyncpa.u1 $0x1  }
0x2ab: {  	[sflag:s28] =	ssyncpa.u1 $0x1  }
0x2ac: {  	v0 =	vld [tilespmem:$0x3648];
	_ =	sdelay $0x4  }
0x2ad: {  	(v2sf) =	vpush v0, $0x0  }
0x2ae: {  	(v2sf) =	vpush v0, $0x1;
	_ =	sdelay $0x1  }
0x2af: {  	(v2sf) =	vpush v0, $0x2;
	_ =	sdelay $0xb  }
0x2b0: {  	s0 =	spop (v2sf)  }
0x2b1: {  	s2 =	spop (v2sf)  }
0x2b2: {  	s3 =	smov.u32 s0;
	p0 =	sne.s32 s0, s2  }
0x2b3: {  	s4 =	spop (v2sf);
	s3 =	simm.s32 @!p0 $0xFFFFFFFF  }
0x2b4: {  	v2 =	vimm.s32 $0x1;
	v3 =	vlaneseq.u32;
	p0 =	seq.s32 s4, $0xFFFFFFFF;
	v1 =	vmov s3  }
0x2b5: {  	s7 =	stileid.u32;
	v0 =	vperm.xlane v0, v2;
	p1 =	sne.s32 @!p0 s0, s2;
	v1 =	vperm.xlane v1, v3  }
0x2b6: {  	vm0 =	vcmask $0x3F04;
	s6 =	simm.s32 $0x3648;
	s0 =	simm.s32 @!p0 $0x1;
	p1 =	por !p1, p0  }
0x2b7: {  	s3 =	sshll.u32 s7, $0x1;
	s2 =	sshll.u32 @!p0 s4, $0x6;
	s0 =	simm.s32 @p1 $0x0;
	v0 =	vsel vm0, v1, v0  }
0x2b8: {  	s5 =	sor.u32 $0x200, s3;
	s2 =	sshra.s32 @!p0 s2, $0x2;
	s0 =	sor.u32 @!p0 s0, s3;
	[tilespmem:$0x3648] =	vst v0  }
0x2b9: {  	[spmem:s5] =	stream.linear.scatter [tilespmem:s6], [sflag:$0x1], $0x2, $0x38;
	[tilespmem:$0x1F0E8] =	vst v63  }
0x2ba: {  	s2 =	sadd.s32 @!p0 $0x28, s2;
	s0 =	sshll.u32 @!p0 s0, $0x4  }
0x2bb: {  	[spmem:s0] =	stream.linear.scatter @!p0 [tilespmem:s2], [sflag:$0x1], $0x10, $0x38;
	[tilespmem:$0x1F0E8] =	vst v63  }
0x2bc: {  	s0 =	simm.s32 @!p0 $0x12  }
0x2bd: {  	s3 =	simm.s32 $0x1;
	s0 =	simm.s32 @p0 $0x2  }
0x2be: {  	_ =	swait.ge [sflag:s3], s0  }
0x2bf: {  	s0 =	ssub.s32 $0x0, s0;
	[sflag:s3] =	ssyncset.done $0x0  }
0x2c0: {  	[sflag:s3] =	ssyncadd.s32 s0  }
0x2c1: {  	_ =	sfence.stream.spmem  }
0x2c2: {  	s29 =	simm.s32 $0x3;
	[bflag:$0x0] =	sbarrier.arrive $0xFFFF  }
0x2c3: {  	s30 =	simm.s32 $0x4;
	[sflag:s29] =	ssyncpa.u1 $0x1  }
0x2c4: {  	s31 =	simm.s32 $0x3C;
	[sflag:s30] =	ssyncpa.u1 $0x1  }
0x2c5: {  	p0 =	sne.s32 s7, $0x0;
	[sflag:s31] =	ssyncpa.u1 $0x1  }
0x2c6: {  	_ =	sfence @p0  }
0x2c7: {  	[sflag:s3] =	ssyncpa.u1 @p0 $0x1  }
0x2c8: {  	_ =	strace @p0 $0x90000047  }
0x2c9: {  	[bflag:$0x2] =	sbarrier.arrive @p0 $0xFFFF  }
0x2ca: {  	_ =	shalt @p0  }
.LBB2_22:
0x2cb: {  	_ =	sfence.stream.spmem;
	s0 =	simm.s32 $0x5  }
0x2cc: {  	s2 =	simm.s32 $0x200;
	s3 =	simm.s32 $0x3658;
	[sflag:s0] =	ssyncpa.u1 $0x0  }
0x2cd: {  	[tilespmem:s3], [sflag:$0x5] =	stream.linear.gather [spmem:s2], $0x20, $0x38;
	[tilespmem:$0x1F0E8] =	vst v63  }
0x2ce: {  	s30 =	simm.s32 $0x3678;
	s2 =	simm.s32 $0x0  }
0x2cf: {  	[tilespmem:s30], [sflag:$0x5] =	stream.linear.gather [spmem:s2], $0x200, $0x38;
	[tilespmem:$0x1F0E8] =	vst v63  }
.Ltmp18:
0x2d0: {  	_ = 	snop;
	(pc) =	sbr.rel .LBB2_23-.Ltmp18, $4  }
0x2d1: {  	_ =	swait.ge [sflag:s0], $0x220  }
0x2d2: {  	[sflag:s0] =	ssyncset.done $0x0  }
0x2d3: {  	s31 =	simm.s32 $0x6;
	[sflag:s0] =	ssyncadd.s32 $0xFFFFFDE0  }
0x2d4: {  	s3 =	simm.s32 $0x0;
	[sflag:s31] =	ssyncpa.u1 $0x0  }
.LBB2_28:
0x2d5: {  	p0 =	slt.u32 s4, $0x27100  }
0x2d6: {  	s0 =	sand.u32 @p0 $0x3FFF8, s4  }
0x2d7: {  	s4 =	sand.u32 @p0 $0x7, s4;
	s5 =	simm.s32 @p0 $0x3638;
	s0 =	sadd.s32 @p0 s1, s0  }
0x2d8: {  	[tilespmem:s5], [sflag:$0x6] =	stream.linear.gather @p0 [hbm4b:s0+s4], $0x4, $0x38;
	[tilespmem:$0x1F0E8] =	vst v63  }
0x2d9: {  	s0 =	simm.s32 @p0 $0x6  }
0x2da: {  	_ =	swait.ge @p0 [sflag:s0], $0x4  }
0x2db: {  	[sflag:s0] =	ssyncset.done @p0 $0x0  }
0x2dc: {  	[sflag:s0] =	ssyncadd.s32 @p0 $0xFFFFFFFC  }
0x2dd: {  	v1 =	vld @p0 [tilespmem:$0x3638];
	_ =	sdelay $0x2  }
0x2de: {  	s0 =	sshll.u32 @p0 s3, $0x6  }
0x2df: {  	s5 =	sshll.u32 @!p0 s3, $0x6;
	s4 =	sshrl.u32 @p0 s0, $0x2  }
0x2e0: {  	s5 =	smov.u32 @p0 s0;
	[tilespmem:s4+$0x3678] =	vst.add.f32.msk @p0 $0xffff, v1  }
0x2e1: {  	s0 =	sshrl.u32 s5, $0x2;
	[tilespmem:s2+$0x3658] =	vst.msk $0x1, v0  }
0x2e2: {  	v0 =	vld [tilespmem:s0+$0x3678];
	_ =	sdelay $0x2  }
0x2e3: {  	s31 =	sshll.u32 s2, $0x6  }
0x2e4: {  	s0 =	sshra.s32 s31, $0x2  }
0x2e5: {  	s2 =	sadd.s32 $0x1, s2;
	[tilespmem:s0+$0x3678] =	vst v0  }
.LBB2_30:
0x2e6: {  	s3 =	sadd.s32 $0x1, s3  }
0x2e7: {  	p0 =	sne.s32 s3, $0x20  }
.Ltmp19:
0x2e8: {  	_ = 	snop;
	(pc) =	sbr.rel @!p0 .LBB2_31-.Ltmp19, $1  }
0x2e9: {  	_ =	sdelay $0x3  }
.LBB2_23:
0x2ea: {  	v0 =	vld.msk [tilespmem:s3+$0x3658], $0x1;
	_ =	sdelay $0x4  }
0x2eb: {  	(v2sf) =	vpush v0, $0x0;
	_ =	sdelay $0xe  }
0x2ec: {  	s4 =	spop (v2sf)  }
0x2ed: {  	p0 =	seq.s32 s4, $0xFFFFFFFF  }
.Ltmp20:
0x2ee: {  	_ = 	snop;
	(pc) =	sbr.rel @p0 .LBB2_30-.Ltmp20, $1  }
0x2ef: {  	_ =	sdelay $0x3  }
0x2f0: {  	p0 =	slt.s32 s2, $0x1  }
.Ltmp21:
0x2f1: {  	_ = 	snop;
	(pc) =	sbr.rel @p0 .LBB2_28-.Ltmp21, $1  }
0x2f2: {  	_ =	sdelay $0x3  }
0x2f3: {  	s5 =	simm.s32 $0x3658;
	p0 =	por $0x0, $0x0  }
0x2f4: {  	v1 =	vld.msk @!p0 [tilespmem:s5+$0x0], $0x1;
	_ =	sdelay $0x4  }
0x2f5: {  	(v2sf) =	vpush @!p0 v1, $0x0;
	_ =	sdelay $0xd  }
0x2f6: {  	p2 =	sne.s32 s2, $0x1  }
.Ltmp22:
0x2f7: {  	s0 =	spop @!p0 (v2sf);
	(pc) =	sbr.rel @!p2 .LBB2_27-.Ltmp22, $4  }
0x2f8: {  	p1 =	seq.s32 @!p0 s4, s0  }
0x2f9: {  	s6 =	simm.s32 $0x0;
	p1 =	por !p1, p0  }
0x2fa: {  	s0 =	simm.s32 $0xFFFFFFFF;
	s6 =	simm.s32 @p1 $0xFFFFFFFF  }
0x2fb: {  	s7 =	simm.s32 $0x1;
	s6 =	smov.u32 @p0 s0  }
.LBB2_26:
0x2fc: {  	s0 =	smov.u32 s6;
	p0 =	sne.s32 s6, $0xFFFFFFFF  }
0x2fd: {  	s5 =	sadd.s32 $0x1, s5;
	s6 =	smov.u32 s7;
	s7 =	sadd.s32 $0x1, s7  }
0x2fe: {  	p1 =	sne.s32 s2, s7;
	v1 =	vld.msk @!p0 [tilespmem:s5+$0x0], $0x1;
	_ =	sdelay $0x4  }
0x2ff: {  	(v2sf) =	vpush @!p0 v1, $0x0;
	_ =	sdelay $0xe  }
.Ltmp23:
0x300: {  	s8 =	spop @!p0 (v2sf);
	(pc) =	sbr.rel @p1 .LBB2_26-.Ltmp23, $4  }
0x301: {  	p2 =	seq.s32 @!p0 s4, s8  }
0x302: {  	p2 =	por !p2, p0  }
0x303: {  	s6 =	simm.s32 @p2 $0xFFFFFFFF  }
0x304: {  	s6 =	smov.u32 @p0 s0  }
.LBB2_27:
0x305: {  	p0 =	sne.s32 s6, $0xFFFFFFFF  }
.Ltmp24:
0x306: {  	_ = 	snop;
	(pc) =	sbr.rel @!p0 .LBB2_28-.Ltmp24, $1  }
0x307: {  	_ =	sdelay $0x3  }
0x308: {  	s0 =	sshll.u32 s3, $0x4  }
0x309: {  	s0 =	sand.u32 $0x3FFFFFF0, s0  }
0x30a: {  	v0 =	vld [tilespmem:s0+$0x3678]  }
.Ltmp25:
0x30b: {  	_ = 	snop;
	(pc) =	sbr.rel .LBB2_30-.Ltmp25, $4  }
0x30c: {  	_ = 	snop  }
0x30d: {  	s31 =	sshll.u32 s6, $0x6  }
0x30e: {  	s0 =	sshra.s32 s31, $0x2  }
0x30f: {  	[tilespmem:s0+$0x3678] =	vst.add.f32.msk $0xffff, v0  }
.LBB2_31:
0x310: {  	p0 =	slt.s32 s2, $0x1  }
.Ltmp26:
0x311: {  	_ = 	snop;
	(pc) =	sbr.rel @p0 .LBB2_35-.Ltmp26, $3  }
0x312: {  	_ =	sdelay $0x1  }
0x313: {  	s0 =	simm.s32 $0x6  }
0x314: {  	s3 =	simm.s32 $0x0;
	[sflag:s0] =	ssyncpa.u1 $0x1  }
0x315: {  	s0 =	simm.s32 $0x3658  }
0x316: {  	v0 =	vld.msk [tilespmem:s0+$0x0], $0x1;
	_ =	sdelay $0x4  }
0x317: {  	(v2sf) =	vpush v0, $0x0;
	_ =	sdelay $0xd  }
0x318: {  	s2 =	sadd.s32 $0xFFFFFFFF, s2  }
0x319: {  	p1 =	sne.s32 s2, $0x0;
	s0 =	spop (v2sf)  }
.Ltmp27:
0x31a: {  	p0 =	sgt.u32 s0, $0x270FF;
	(pc) =	sbr.rel @!p1 .LBB2_34-.Ltmp27, $4  }
0x31b: {  	s4 =	simm.s32 $0x3678;
	s5 =	sand.u32 @!p0 $0x3FFF8, s0  }
0x31c: {  	s6 =	simm.s32 $0x0;
	s0 =	sand.u32 @!p0 $0x7, s0;
	s5 =	sadd.s32 @!p0 s1, s5  }
0x31d: {  	[hbm4b:s5+s0] =	stream.linear.scatter @!p0 [tilespmem:s4], [sflag:$0x5], $0x4, $0x38;
	[tilespmem:$0x1F0E8] =	vst v63  }
0x31e: {  	s6 =	simm.s32 @!p0 $0x10;
	s5 =	simm.s32 $0x3659  }
.LBB2_33:
0x31f: {  	v0 =	vld.msk [tilespmem:s5+$0x0], $0x1;
	s2 =	sadd.s32 $0xFFFFFFFF, s2;
	s3 =	sadd.s32 s3, s6  }
0x320: {  	p0 =	sne.s32 s2, $0x0;
	_ =	sdelay $0x3  }
0x321: {  	(v2sf) =	vpush v0, $0x0;
	_ =	sdelay $0xe  }
.Ltmp28:
0x322: {  	s0 =	spop (v2sf);
	(pc) =	sbr.rel @p0 .LBB2_33-.Ltmp28, $4  }
0x323: {  	s6 =	simm.s32 $0x0;
	p1 =	sgt.u32 s0, $0x270FF  }
0x324: {  	s4 =	sadd.s32 $0x10, s4;
	s6 =	simm.s32 @!p1 $0x10;
	s7 =	sand.u32 @!p1 $0x3FFF8, s0  }
0x325: {  	s5 =	sadd.s32 $0x1, s5;
	s0 =	sand.u32 @!p1 $0x7, s0;
	s7 =	sadd.s32 @!p1 s1, s7  }
0x326: {  	[hbm4b:s7+s0] =	stream.linear.scatter @!p1 [tilespmem:s4], [sflag:$0x5], $0x4, $0x38;
	[tilespmem:$0x1F0E8] =	vst v63  }
.LBB2_34:
0x327: {  	s0 =	sadd.s32 s3, s6  }
0x328: {  	s3 =	sshrl.u32 s0, $0x2  }
.LBB2_35:
0x329: {  	s0 =	simm.s32 $0x5  }
0x32a: {  	_ =	swait.ge [sflag:s0], s3  }
0x32b: {  	s1 =	ssub.s32 $0x0, s3;
	[sflag:s0] =	ssyncset.done $0x0  }
0x32c: {  	[sflag:s0] =	ssyncadd.s32 s1  }
0x32d: {  	[sflag:s0] =	ssyncpa.u1 $0x1  }
0x32e: {  	s30 =	simm.s32 $0x1;
	_ =	sfence  }
0x32f: {  	[sflag:s30] =	ssyncpa.u1 $0x1  }
0x330: {  	_ =	strace $0x90000047  }
0x331: {  	[bflag:$0x2] =	sbarrier.arrive $0xFFFF  }
0x332: {  	s31 =	rddreg [dreg:$0x2]  }
0x333: {  	s0 =	sadd.s32 $0x100000, s31  }
0x334: {  	[sflag:s0] =	ssyncadd.tile.s32 $0x1;
	_ =	shalt  }
.Lfunc_end2:
_tile_overlayer_lowered:
.L_overlay_start_2:
0x335: {  	(tag) =	ssettag $0x2  }
0x336: {  	s0 =	rddreg [dreg:$0x0];
	s2 =	stileid.u32  }
0x337: {  	s1 =	rddreg [dreg:$0x1];
	p0 =	sne.s32 s2, $0x0  }
0x338: {  	s3 =	rddreg [dreg:$0x2];
	[bflag:$0x3] =	sbarrier.arrive $0xFFFF;
	s2 =	simm.s32 @!p0 $0x1C01  }
0x339: {  	[timem:s3], [sflag:s2] =	dma.local @!p0 [hbm:s0], s1  }
0x33a: {  	s0 =	simm.s32 @!p0 $0x1  }
0x33b: {  	_ =	swait.ge @!p0 [sflag:s0], s1  }
0x33c: {  	s1 =	ssub.s32 @!p0 $0x0, s1;
	[sflag:s0] =	ssyncset.done @!p0 $0x0  }
0x33d: {  	[sflag:s0] =	ssyncadd.s32 @!p0 s1  }
0x33e: {  	[bflag:$0x3] =	sbarrier.arrive $0xFFFF  }
0x33f: {  	_ =	shalt  }

</sc_bundles>
